<compile_context>
chip_gen: v7x
topology: tpu7x:2x2x1
jax: 0.10.2.dev20260603
libtpu: 0.0.44.dev20260713+nightly
codegen_flags: <defaults>
</compile_context>

<pallas_src>
import functools

import jax
import jax.numpy as jnp
from jax import lax
from jax.experimental import pallas as pl
from jax.experimental.pallas import tpu as pltpu
from jax.experimental.pallas import tpu_sc as plsc

L = 16
NW = 32
B = 16384
H = 64
BW = B // NW
CH = 128
NCH = BW // CH
NG = BW // L


def _mf_body(user_hbm, item_hbm, uw_hbm, ub_hbm, iw_hbm, ib_hbm, out_hbm,
             uidx, iidx, uw_v, iw_v, ub_v, ib_v, out_v, sem):
    wid = lax.axis_index("s") * 2 + lax.axis_index("c")
    base = wid * BW

    for j in range(NCH):
        pltpu.sync_copy(user_hbm.at[pl.ds(base + j * CH, CH)], uidx.at[j])
        pltpu.sync_copy(item_hbm.at[pl.ds(base + j * CH, CH)], iidx.at[j])

    copies = []
    for j in range(NCH):
        sl = pl.ds(j * CH, CH)
        copies.append(pltpu.async_copy(uw_hbm.at[uidx.at[j]], uw_v.at[sl], sem))
        copies.append(pltpu.async_copy(iw_hbm.at[iidx.at[j]], iw_v.at[sl], sem))
        copies.append(pltpu.async_copy(ub_hbm.at[uidx.at[j]], ub_v.at[sl], sem))
        copies.append(pltpu.async_copy(ib_hbm.at[iidx.at[j]], ib_v.at[sl], sem))
    for c in copies:
        c.wait()

    lanes = lax.iota(jnp.int32, L)
    shufs = [lanes ^ k for k in (1, 2, 4, 8)]

    dn = lax.GatherDimensionNumbers(
        offset_dims=(), collapsed_slice_dims=(0,), start_index_map=(0,))

    def shuffle(v, idx):
        return lax.gather(v, idx[:, None], dn, slice_sizes=(1,),
                          mode=lax.GatherScatterMode.PROMISE_IN_BOUNDS)

    def hsum(v):
        for sidx in shufs:
            v = v + shuffle(v, sidx)
        return v

    def group(g, carry):
        ub16 = ub_v[pl.ds(g * L, L)]
        ib16 = ib_v[pl.ds(g * L, L)]
        out_acc = jnp.zeros((L,), jnp.float32)
        for r in range(L):
            row = g * L + r
            ubr = ub16[r]
            ibr = ib16[r]
            s = jnp.zeros((L,), jnp.float32)
            for c4 in range(H // L):
                u = uw_v[row, pl.ds(c4 * L, L)] + ubr
                it = iw_v[row, pl.ds(c4 * L, L)] + ibr
                s = s + u * it
            out_acc = jnp.where(lanes == r, hsum(s), out_acc)
        out_v[pl.ds(g * L, L)] = out_acc
        return carry

    lax.fori_loop(0, NG, group, 0)
    pltpu.sync_copy(out_v, out_hbm.at[pl.ds(base, BW)])


@functools.partial(jax.jit, static_argnums=())
def _mf(user, item, user_weight, user_bias, item_weight, item_bias):
    mesh = plsc.VectorSubcoreMesh(core_axis_name="c", subcore_axis_name="s")
    run = pl.kernel(
        _mf_body,
        out_type=jax.ShapeDtypeStruct((B,), jnp.float32),
        mesh=mesh,
        scratch_types=[
            pltpu.VMEM((NCH, CH), jnp.int32),
            pltpu.VMEM((NCH, CH), jnp.int32),
            pltpu.VMEM((BW, H), jnp.float32),
            pltpu.VMEM((BW, H), jnp.float32),
            pltpu.VMEM((BW,), jnp.float32),
            pltpu.VMEM((BW,), jnp.float32),
            pltpu.VMEM((BW,), jnp.float32),
            pltpu.SemaphoreType.DMA,
        ],
        compiler_params=pltpu.CompilerParams(use_tc_tiling_on_sc=False),
    )
    return run(user, item, user_weight, user_bias, item_weight, item_bias)


def kernel(user, item, user_weight, user_bias, item_weight, item_bias, bias):
    out = _mf(user, item, user_weight, user_bias.reshape(-1),
              item_weight, item_bias.reshape(-1))
    return out + bias

# --- scband reference (transcript-rebuilt; emitter-appended) ---
"""Pipeline reference for scband-mf-52055003627991 (READ-ONLY COPY).

The authoritative reference and input builder live on the scoring server;
editing this copy changes nothing except your own understanding.
"""

import jax, jax.numpy as jnp
import numpy as np

NUM_USERS = 1000000
NUM_ITEMS = 1000000
HIDDEN = 64
BATCH = 16384

def setup_inputs(seed: int = 0) -> dict:
    key = jax.random.key(seed)
    k1, k2, k3, k4 = jax.random.split(key, 4)
    user = jax.random.randint(k1, (BATCH,), 0, NUM_USERS, dtype=jnp.int64 if jax.config.jax_enable_x64 else jnp.int32)
    item = jax.random.randint(k2, (BATCH,), 0, NUM_ITEMS, dtype=jnp.int64 if jax.config.jax_enable_x64 else jnp.int32)
    user_weight = jax.random.normal(k3, (NUM_USERS, HIDDEN), dtype=jnp.float32) * 0.01
    item_weight = jax.random.normal(k4, (NUM_ITEMS, HIDDEN), dtype=jnp.float32) * 0.01
    user_bias = jnp.zeros((NUM_USERS, 1), dtype=jnp.float32)
    item_bias = jnp.zeros((NUM_ITEMS, 1), dtype=jnp.float32)
    bias = jnp.zeros((1,), dtype=jnp.float32)
    return {"user": user, "item": item, "user_weight": user_weight, "user_bias": user_bias, "item_weight": item_weight, "item_bias": item_bias, "bias": bias}

def reference(user, item, user_weight, user_bias, item_weight, item_bias, bias):
    # user_embedding = user_weight(user) + user_bias(user)
    user_embedding = jnp.take(user_weight, user, axis=0) + jnp.take(user_bias, user, axis=0)
    # item_embedding = item_weight(item) + item_bias(item)
    item_embedding = jnp.take(item_weight, item, axis=0) + jnp.take(item_bias, item, axis=0)
    # pred = (user_embedding * item_embedding).sum(dim=-1) + bias
    pred = jnp.sum(user_embedding * item_embedding, axis=-1) + bias
    return pred

if __name__ == "__main__":
    import jax
    _d = setup_inputs()
    print(jax.jit(kernel)(*tuple(_d.values())))

</pallas_src>

<mosaic_0001>
#map = affine_map<(d0, d1) -> (0)>
#map1 = affine_map<(d0, d1) -> (0, 0)>
module attributes {stable_mosaic.version = 14 : i64} {
  func.func @_mf_body(%arg0: i32, %arg1: i32, %arg2: memref<16384xi32, #tpu.memory_space<hbm>>, %arg3: memref<16384xi32, #tpu.memory_space<hbm>>, %arg4: memref<1000000x64xf32, #tpu.memory_space<hbm>>, %arg5: memref<1000000xf32, #tpu.memory_space<hbm>>, %arg6: memref<1000000x64xf32, #tpu.memory_space<hbm>>, %arg7: memref<1000000xf32, #tpu.memory_space<hbm>>, %arg8: memref<16384xf32, #tpu.memory_space<hbm>>, %arg9: memref<4x128xi32, #tpu.memory_space<vmem>>, %arg10: memref<4x128xi32, #tpu.memory_space<vmem>>, %arg11: memref<512x64xf32, #tpu.memory_space<vmem>>, %arg12: memref<512x64xf32, #tpu.memory_space<vmem>>, %arg13: memref<512xf32, #tpu.memory_space<vmem>>, %arg14: memref<512xf32, #tpu.memory_space<vmem>>, %arg15: memref<512xf32, #tpu.memory_space<vmem>>, %arg16: memref<!tpu.dma_semaphore, #tpu.memory_space<semaphore_mem>>) attributes {dimension_semantics = [#tpu.dimension_semantics<core_parallel>, #tpu.dimension_semantics<subcore_parallel>], iteration_bounds = array<i64: 2, 16>, scalar_prefetch = 0 : i64, scratch_operands = 8 : i64, tpu.core_type = #tpu.core_type<sc_vector_subcore>, window_params = [{transform_indices = #map}, {transform_indices = #map}, {transform_indices = #map1}, {transform_indices = #map}, {transform_indices = #map1}, {transform_indices = #map}, {transform_indices = #map}]} {
    %mul3A = arith.constant 2 : i32
    %mul3A_0 = arith.muli %arg1, %mul3A : i32
    %add3A = arith.addi %mul3A_0, %arg0 : i32
    %mul3A_1 = arith.constant 512 : i32
    %mul3A_2 = arith.muli %add3A, %mul3A_1 : i32
    %add3A_3 = arith.constant 0 : i32
    %add3A_4 = arith.addi %mul3A_2, %add3A_3 : i32
    %run_scoped3A = arith.constant 0 : i32
    "tpu.region"() ({
      %run_scoped3A_328 = tpu.sem_alloc : memref<!tpu.dma_semaphore, #tpu.memory_space<semaphore_mem>>
      %dma_start3A_329 = arith.constant 0 : i32
      %dma_start3A_330 = tpu.memref_slice %arg9[%run_scoped3A, %dma_start3A_329] : memref<4x128xi32, #tpu.memory_space<vmem>> -> memref<1x128xi32, #tpu.memory_space<vmem>>
      %dma_start3A_331 = tpu.memref_squeeze %dma_start3A_330 : memref<1x128xi32, #tpu.memory_space<vmem>> -> memref<128xi32, #tpu.memory_space<vmem>>
      %dma_start3A_332 = tpu.memref_slice %arg2[%add3A_4] : memref<16384xi32, #tpu.memory_space<hbm>> -> memref<128xi32, #tpu.memory_space<hbm>>
      %dma_start3A_333 = arith.constant 0 : i32
      %dma_start3A_334 = tpu.memref_slice %arg9[%run_scoped3A, %dma_start3A_333] : memref<4x128xi32, #tpu.memory_space<vmem>> -> memref<1x128xi32, #tpu.memory_space<vmem>>
      %dma_start3A_335 = tpu.memref_squeeze %dma_start3A_334 : memref<1x128xi32, #tpu.memory_space<vmem>> -> memref<128xi32, #tpu.memory_space<vmem>>
      %dma_start3A_336 = tpu.memref_slice %arg2[%add3A_4] : memref<16384xi32, #tpu.memory_space<hbm>> -> memref<128xi32, #tpu.memory_space<hbm>>
      tpu.enqueue_dma source(%dma_start3A_336 : memref<128xi32, #tpu.memory_space<hbm>>) target(%dma_start3A_335 : memref<128xi32, #tpu.memory_space<vmem>>) target_semaphore(%run_scoped3A_328 : memref<!tpu.dma_semaphore, #tpu.memory_space<semaphore_mem>>)
      %dma_wait3A_337 = arith.constant 0 : i32
      %dma_wait3A_338 = tpu.memref_slice %arg9[%run_scoped3A, %dma_wait3A_337] : memref<4x128xi32, #tpu.memory_space<vmem>> -> memref<1x128xi32, #tpu.memory_space<vmem>>
      %dma_wait3A_339 = tpu.memref_squeeze %dma_wait3A_338 : memref<1x128xi32, #tpu.memory_space<vmem>> -> memref<128xi32, #tpu.memory_space<vmem>>
      %dma_wait3A_340 = tpu.memref_slice %arg2[%add3A_4] : memref<16384xi32, #tpu.memory_space<hbm>> -> memref<128xi32, #tpu.memory_space<hbm>>
      %dma_wait3A_341 = arith.constant 0 : i32
      %dma_wait3A_342 = tpu.memref_slice %arg9[%run_scoped3A, %dma_wait3A_341] : memref<4x128xi32, #tpu.memory_space<vmem>> -> memref<1x128xi32, #tpu.memory_space<vmem>>
      %dma_wait3A_343 = tpu.memref_squeeze %dma_wait3A_342 : memref<1x128xi32, #tpu.memory_space<vmem>> -> memref<128xi32, #tpu.memory_space<vmem>>
      %dma_wait3A_344 = tpu.memref_slice %arg2[%add3A_4] : memref<16384xi32, #tpu.memory_space<hbm>> -> memref<128xi32, #tpu.memory_space<hbm>>
      tpu.wait_dma2 semaphore(%run_scoped3A_328 : memref<!tpu.dma_semaphore, #tpu.memory_space<semaphore_mem>>) src(%dma_wait3A_344 : memref<128xi32, #tpu.memory_space<hbm>>) dst(%dma_wait3A_343 : memref<128xi32, #tpu.memory_space<vmem>>)
      tpu.yield
    }) : () -> ()
    %add3A_5 = arith.constant 0 : i32
    %add3A_6 = arith.addi %mul3A_2, %add3A_5 : i32
    %run_scoped3A_7 = arith.constant 0 : i32
    "tpu.region"() ({
      %run_scoped3A_328 = tpu.sem_alloc : memref<!tpu.dma_semaphore, #tpu.memory_space<semaphore_mem>>
      %dma_start3A_329 = arith.constant 0 : i32
      %dma_start3A_330 = tpu.memref_slice %arg10[%run_scoped3A_7, %dma_start3A_329] : memref<4x128xi32, #tpu.memory_space<vmem>> -> memref<1x128xi32, #tpu.memory_space<vmem>>
      %dma_start3A_331 = tpu.memref_squeeze %dma_start3A_330 : memref<1x128xi32, #tpu.memory_space<vmem>> -> memref<128xi32, #tpu.memory_space<vmem>>
      %dma_start3A_332 = tpu.memref_slice %arg3[%add3A_6] : memref<16384xi32, #tpu.memory_space<hbm>> -> memref<128xi32, #tpu.memory_space<hbm>>
      %dma_start3A_333 = arith.constant 0 : i32
      %dma_start3A_334 = tpu.memref_slice %arg10[%run_scoped3A_7, %dma_start3A_333] : memref<4x128xi32, #tpu.memory_space<vmem>> -> memref<1x128xi32, #tpu.memory_space<vmem>>
      %dma_start3A_335 = tpu.memref_squeeze %dma_start3A_334 : memref<1x128xi32, #tpu.memory_space<vmem>> -> memref<128xi32, #tpu.memory_space<vmem>>
      %dma_start3A_336 = tpu.memref_slice %arg3[%add3A_6] : memref<16384xi32, #tpu.memory_space<hbm>> -> memref<128xi32, #tpu.memory_space<hbm>>
      tpu.enqueue_dma source(%dma_start3A_336 : memref<128xi32, #tpu.memory_space<hbm>>) target(%dma_start3A_335 : memref<128xi32, #tpu.memory_space<vmem>>) target_semaphore(%run_scoped3A_328 : memref<!tpu.dma_semaphore, #tpu.memory_space<semaphore_mem>>)
      %dma_wait3A_337 = arith.constant 0 : i32
      %dma_wait3A_338 = tpu.memref_slice %arg10[%run_scoped3A_7, %dma_wait3A_337] : memref<4x128xi32, #tpu.memory_space<vmem>> -> memref<1x128xi32, #tpu.memory_space<vmem>>
      %dma_wait3A_339 = tpu.memref_squeeze %dma_wait3A_338 : memref<1x128xi32, #tpu.memory_space<vmem>> -> memref<128xi32, #tpu.memory_space<vmem>>
      %dma_wait3A_340 = tpu.memref_slice %arg3[%add3A_6] : memref<16384xi32, #tpu.memory_space<hbm>> -> memref<128xi32, #tpu.memory_space<hbm>>
      %dma_wait3A_341 = arith.constant 0 : i32
      %dma_wait3A_342 = tpu.memref_slice %arg10[%run_scoped3A_7, %dma_wait3A_341] : memref<4x128xi32, #tpu.memory_space<vmem>> -> memref<1x128xi32, #tpu.memory_space<vmem>>
      %dma_wait3A_343 = tpu.memref_squeeze %dma_wait3A_342 : memref<1x128xi32, #tpu.memory_space<vmem>> -> memref<128xi32, #tpu.memory_space<vmem>>
      %dma_wait3A_344 = tpu.memref_slice %arg3[%add3A_6] : memref<16384xi32, #tpu.memory_space<hbm>> -> memref<128xi32, #tpu.memory_space<hbm>>
      tpu.wait_dma2 semaphore(%run_scoped3A_328 : memref<!tpu.dma_semaphore, #tpu.memory_space<semaphore_mem>>) src(%dma_wait3A_344 : memref<128xi32, #tpu.memory_space<hbm>>) dst(%dma_wait3A_343 : memref<128xi32, #tpu.memory_space<vmem>>)
      tpu.yield
    }) : () -> ()
    %add3A_8 = arith.constant 128 : i32
    %add3A_9 = arith.addi %mul3A_2, %add3A_8 : i32
    %run_scoped3A_10 = arith.constant 1 : i32
    "tpu.region"() ({
      %run_scoped3A_328 = tpu.sem_alloc : memref<!tpu.dma_semaphore, #tpu.memory_space<semaphore_mem>>
      %dma_start3A_329 = arith.constant 0 : i32
      %dma_start3A_330 = tpu.memref_slice %arg9[%run_scoped3A_10, %dma_start3A_329] : memref<4x128xi32, #tpu.memory_space<vmem>> -> memref<1x128xi32, #tpu.memory_space<vmem>>
      %dma_start3A_331 = tpu.memref_squeeze %dma_start3A_330 : memref<1x128xi32, #tpu.memory_space<vmem>> -> memref<128xi32, #tpu.memory_space<vmem>>
      %dma_start3A_332 = tpu.memref_slice %arg2[%add3A_9] : memref<16384xi32, #tpu.memory_space<hbm>> -> memref<128xi32, #tpu.memory_space<hbm>>
      %dma_start3A_333 = arith.constant 0 : i32
      %dma_start3A_334 = tpu.memref_slice %arg9[%run_scoped3A_10, %dma_start3A_333] : memref<4x128xi32, #tpu.memory_space<vmem>> -> memref<1x128xi32, #tpu.memory_space<vmem>>
      %dma_start3A_335 = tpu.memref_squeeze %dma_start3A_334 : memref<1x128xi32, #tpu.memory_space<vmem>> -> memref<128xi32, #tpu.memory_space<vmem>>
      %dma_start3A_336 = tpu.memref_slice %arg2[%add3A_9] : memref<16384xi32, #tpu.memory_space<hbm>> -> memref<128xi32, #tpu.memory_space<hbm>>
      tpu.enqueue_dma source(%dma_start3A_336 : memref<128xi32, #tpu.memory_space<hbm>>) target(%dma_start3A_335 : memref<128xi32, #tpu.memory_space<vmem>>) target_semaphore(%run_scoped3A_328 : memref<!tpu.dma_semaphore, #tpu.memory_space<semaphore_mem>>)
      %dma_wait3A_337 = arith.constant 0 : i32
      %dma_wait3A_338 = tpu.memref_slice %arg9[%run_scoped3A_10, %dma_wait3A_337] : memref<4x128xi32, #tpu.memory_space<vmem>> -> memref<1x128xi32, #tpu.memory_space<vmem>>
      %dma_wait3A_339 = tpu.memref_squeeze %dma_wait3A_338 : memref<1x128xi32, #tpu.memory_space<vmem>> -> memref<128xi32, #tpu.memory_space<vmem>>
      %dma_wait3A_340 = tpu.memref_slice %arg2[%add3A_9] : memref<16384xi32, #tpu.memory_space<hbm>> -> memref<128xi32, #tpu.memory_space<hbm>>
      %dma_wait3A_341 = arith.constant 0 : i32
      %dma_wait3A_342 = tpu.memref_slice %arg9[%run_scoped3A_10, %dma_wait3A_341] : memref<4x128xi32, #tpu.memory_space<vmem>> -> memref<1x128xi32, #tpu.memory_space<vmem>>
      %dma_wait3A_343 = tpu.memref_squeeze %dma_wait3A_342 : memref<1x128xi32, #tpu.memory_space<vmem>> -> memref<128xi32, #tpu.memory_space<vmem>>
      %dma_wait3A_344 = tpu.memref_slice %arg2[%add3A_9] : memref<16384xi32, #tpu.memory_space<hbm>> -> memref<128xi32, #tpu.memory_space<hbm>>
      tpu.wait_dma2 semaphore(%run_scoped3A_328 : memref<!tpu.dma_semaphore, #tpu.memory_space<semaphore_mem>>) src(%dma_wait3A_344 : memref<128xi32, #tpu.memory_space<hbm>>) dst(%dma_wait3A_343 : memref<128xi32, #tpu.memory_space<vmem>>)
      tpu.yield
    }) : () -> ()
    %add3A_11 = arith.constant 128 : i32
    %add3A_12 = arith.addi %mul3A_2, %add3A_11 : i32
    %run_scoped3A_13 = arith.constant 1 : i32
    "tpu.region"() ({
      %run_scoped3A_328 = tpu.sem_alloc : memref<!tpu.dma_semaphore, #tpu.memory_space<semaphore_mem>>
      %dma_start3A_329 = arith.constant 0 : i32
      %dma_start3A_330 = tpu.memref_slice %arg10[%run_scoped3A_13, %dma_start3A_329] : memref<4x128xi32, #tpu.memory_space<vmem>> -> memref<1x128xi32, #tpu.memory_space<vmem>>
      %dma_start3A_331 = tpu.memref_squeeze %dma_start3A_330 : memref<1x128xi32, #tpu.memory_space<vmem>> -> memref<128xi32, #tpu.memory_space<vmem>>
      %dma_start3A_332 = tpu.memref_slice %arg3[%add3A_12] : memref<16384xi32, #tpu.memory_space<hbm>> -> memref<128xi32, #tpu.memory_space<hbm>>
      %dma_start3A_333 = arith.constant 0 : i32
      %dma_start3A_334 = tpu.memref_slice %arg10[%run_scoped3A_13, %dma_start3A_333] : memref<4x128xi32, #tpu.memory_space<vmem>> -> memref<1x128xi32, #tpu.memory_space<vmem>>
      %dma_start3A_335 = tpu.memref_squeeze %dma_start3A_334 : memref<1x128xi32, #tpu.memory_space<vmem>> -> memref<128xi32, #tpu.memory_space<vmem>>
      %dma_start3A_336 = tpu.memref_slice %arg3[%add3A_12] : memref<16384xi32, #tpu.memory_space<hbm>> -> memref<128xi32, #tpu.memory_space<hbm>>
      tpu.enqueue_dma source(%dma_start3A_336 : memref<128xi32, #tpu.memory_space<hbm>>) target(%dma_start3A_335 : memref<128xi32, #tpu.memory_space<vmem>>) target_semaphore(%run_scoped3A_328 : memref<!tpu.dma_semaphore, #tpu.memory_space<semaphore_mem>>)
      %dma_wait3A_337 = arith.constant 0 : i32
      %dma_wait3A_338 = tpu.memref_slice %arg10[%run_scoped3A_13, %dma_wait3A_337] : memref<4x128xi32, #tpu.memory_space<vmem>> -> memref<1x128xi32, #tpu.memory_space<vmem>>
      %dma_wait3A_339 = tpu.memref_squeeze %dma_wait3A_338 : memref<1x128xi32, #tpu.memory_space<vmem>> -> memref<128xi32, #tpu.memory_space<vmem>>
      %dma_wait3A_340 = tpu.memref_slice %arg3[%add3A_12] : memref<16384xi32, #tpu.memory_space<hbm>> -> memref<128xi32, #tpu.memory_space<hbm>>
      %dma_wait3A_341 = arith.constant 0 : i32
      %dma_wait3A_342 = tpu.memref_slice %arg10[%run_scoped3A_13, %dma_wait3A_341] : memref<4x128xi32, #tpu.memory_space<vmem>> -> memref<1x128xi32, #tpu.memory_space<vmem>>
      %dma_wait3A_343 = tpu.memref_squeeze %dma_wait3A_342 : memref<1x128xi32, #tpu.memory_space<vmem>> -> memref<128xi32, #tpu.memory_space<vmem>>
      %dma_wait3A_344 = tpu.memref_slice %arg3[%add3A_12] : memref<16384xi32, #tpu.memory_space<hbm>> -> memref<128xi32, #tpu.memory_space<hbm>>
      tpu.wait_dma2 semaphore(%run_scoped3A_328 : memref<!tpu.dma_semaphore, #tpu.memory_space<semaphore_mem>>) src(%dma_wait3A_344 : memref<128xi32, #tpu.memory_space<hbm>>) dst(%dma_wait3A_343 : memref<128xi32, #tpu.memory_space<vmem>>)
      tpu.yield
    }) : () -> ()
    %add3A_14 = arith.constant 256 : i32
    %add3A_15 = arith.addi %mul3A_2, %add3A_14 : i32
    %run_scoped3A_16 = arith.constant 2 : i32
    "tpu.region"() ({
      %run_scoped3A_328 = tpu.sem_alloc : memref<!tpu.dma_semaphore, #tpu.memory_space<semaphore_mem>>
      %dma_start3A_329 = arith.constant 0 : i32
      %dma_start3A_330 = tpu.memref_slice %arg9[%run_scoped3A_16, %dma_start3A_329] : memref<4x128xi32, #tpu.memory_space<vmem>> -> memref<1x128xi32, #tpu.memory_space<vmem>>
      %dma_start3A_331 = tpu.memref_squeeze %dma_start3A_330 : memref<1x128xi32, #tpu.memory_space<vmem>> -> memref<128xi32, #tpu.memory_space<vmem>>
      %dma_start3A_332 = tpu.memref_slice %arg2[%add3A_15] : memref<16384xi32, #tpu.memory_space<hbm>> -> memref<128xi32, #tpu.memory_space<hbm>>
      %dma_start3A_333 = arith.constant 0 : i32
      %dma_start3A_334 = tpu.memref_slice %arg9[%run_scoped3A_16, %dma_start3A_333] : memref<4x128xi32, #tpu.memory_space<vmem>> -> memref<1x128xi32, #tpu.memory_space<vmem>>
      %dma_start3A_335 = tpu.memref_squeeze %dma_start3A_334 : memref<1x128xi32, #tpu.memory_space<vmem>> -> memref<128xi32, #tpu.memory_space<vmem>>
      %dma_start3A_336 = tpu.memref_slice %arg2[%add3A_15] : memref<16384xi32, #tpu.memory_space<hbm>> -> memref<128xi32, #tpu.memory_space<hbm>>
      tpu.enqueue_dma source(%dma_start3A_336 : memref<128xi32, #tpu.memory_space<hbm>>) target(%dma_start3A_335 : memref<128xi32, #tpu.memory_space<vmem>>) target_semaphore(%run_scoped3A_328 : memref<!tpu.dma_semaphore, #tpu.memory_space<semaphore_mem>>)
      %dma_wait3A_337 = arith.constant 0 : i32
      %dma_wait3A_338 = tpu.memref_slice %arg9[%run_scoped3A_16, %dma_wait3A_337] : memref<4x128xi32, #tpu.memory_space<vmem>> -> memref<1x128xi32, #tpu.memory_space<vmem>>
      %dma_wait3A_339 = tpu.memref_squeeze %dma_wait3A_338 : memref<1x128xi32, #tpu.memory_space<vmem>> -> memref<128xi32, #tpu.memory_space<vmem>>
      %dma_wait3A_340 = tpu.memref_slice %arg2[%add3A_15] : memref<16384xi32, #tpu.memory_space<hbm>> -> memref<128xi32, #tpu.memory_space<hbm>>
      %dma_wait3A_341 = arith.constant 0 : i32
      %dma_wait3A_342 = tpu.memref_slice %arg9[%run_scoped3A_16, %dma_wait3A_341] : memref<4x128xi32, #tpu.memory_space<vmem>> -> memref<1x128xi32, #tpu.memory_space<vmem>>
      %dma_wait3A_343 = tpu.memref_squeeze %dma_wait3A_342 : memref<1x128xi32, #tpu.memory_space<vmem>> -> memref<128xi32, #tpu.memory_space<vmem>>
      %dma_wait3A_344 = tpu.memref_slice %arg2[%add3A_15] : memref<16384xi32, #tpu.memory_space<hbm>> -> memref<128xi32, #tpu.memory_space<hbm>>
      tpu.wait_dma2 semaphore(%run_scoped3A_328 : memref<!tpu.dma_semaphore, #tpu.memory_space<semaphore_mem>>) src(%dma_wait3A_344 : memref<128xi32, #tpu.memory_space<hbm>>) dst(%dma_wait3A_343 : memref<128xi32, #tpu.memory_space<vmem>>)
      tpu.yield
    }) : () -> ()
    %add3A_17 = arith.constant 256 : i32
    %add3A_18 = arith.addi %mul3A_2, %add3A_17 : i32
    %run_scoped3A_19 = arith.constant 2 : i32
    "tpu.region"() ({
      %run_scoped3A_328 = tpu.sem_alloc : memref<!tpu.dma_semaphore, #tpu.memory_space<semaphore_mem>>
      %dma_start3A_329 = arith.constant 0 : i32
      %dma_start3A_330 = tpu.memref_slice %arg10[%run_scoped3A_19, %dma_start3A_329] : memref<4x128xi32, #tpu.memory_space<vmem>> -> memref<1x128xi32, #tpu.memory_space<vmem>>
      %dma_start3A_331 = tpu.memref_squeeze %dma_start3A_330 : memref<1x128xi32, #tpu.memory_space<vmem>> -> memref<128xi32, #tpu.memory_space<vmem>>
      %dma_start3A_332 = tpu.memref_slice %arg3[%add3A_18] : memref<16384xi32, #tpu.memory_space<hbm>> -> memref<128xi32, #tpu.memory_space<hbm>>
      %dma_start3A_333 = arith.constant 0 : i32
      %dma_start3A_334 = tpu.memref_slice %arg10[%run_scoped3A_19, %dma_start3A_333] : memref<4x128xi32, #tpu.memory_space<vmem>> -> memref<1x128xi32, #tpu.memory_space<vmem>>
      %dma_start3A_335 = tpu.memref_squeeze %dma_start3A_334 : memref<1x128xi32, #tpu.memory_space<vmem>> -> memref<128xi32, #tpu.memory_space<vmem>>
      %dma_start3A_336 = tpu.memref_slice %arg3[%add3A_18] : memref<16384xi32, #tpu.memory_space<hbm>> -> memref<128xi32, #tpu.memory_space<hbm>>
      tpu.enqueue_dma source(%dma_start3A_336 : memref<128xi32, #tpu.memory_space<hbm>>) target(%dma_start3A_335 : memref<128xi32, #tpu.memory_space<vmem>>) target_semaphore(%run_scoped3A_328 : memref<!tpu.dma_semaphore, #tpu.memory_space<semaphore_mem>>)
      %dma_wait3A_337 = arith.constant 0 : i32
      %dma_wait3A_338 = tpu.memref_slice %arg10[%run_scoped3A_19, %dma_wait3A_337] : memref<4x128xi32, #tpu.memory_space<vmem>> -> memref<1x128xi32, #tpu.memory_space<vmem>>
      %dma_wait3A_339 = tpu.memref_squeeze %dma_wait3A_338 : memref<1x128xi32, #tpu.memory_space<vmem>> -> memref<128xi32, #tpu.memory_space<vmem>>
      %dma_wait3A_340 = tpu.memref_slice %arg3[%add3A_18] : memref<16384xi32, #tpu.memory_space<hbm>> -> memref<128xi32, #tpu.memory_space<hbm>>
      %dma_wait3A_341 = arith.constant 0 : i32
      %dma_wait3A_342 = tpu.memref_slice %arg10[%run_scoped3A_19, %dma_wait3A_341] : memref<4x128xi32, #tpu.memory_space<vmem>> -> memref<1x128xi32, #tpu.memory_space<vmem>>
      %dma_wait3A_343 = tpu.memref_squeeze %dma_wait3A_342 : memref<1x128xi32, #tpu.memory_space<vmem>> -> memref<128xi32, #tpu.memory_space<vmem>>
      %dma_wait3A_344 = tpu.memref_slice %arg3[%add3A_18] : memref<16384xi32, #tpu.memory_space<hbm>> -> memref<128xi32, #tpu.memory_space<hbm>>
      tpu.wait_dma2 semaphore(%run_scoped3A_328 : memref<!tpu.dma_semaphore, #tpu.memory_space<semaphore_mem>>) src(%dma_wait3A_344 : memref<128xi32, #tpu.memory_space<hbm>>) dst(%dma_wait3A_343 : memref<128xi32, #tpu.memory_space<vmem>>)
      tpu.yield
    }) : () -> ()
    %add3A_20 = arith.constant 384 : i32
    %add3A_21 = arith.addi %mul3A_2, %add3A_20 : i32
    %run_scoped3A_22 = arith.constant 3 : i32
    "tpu.region"() ({
      %run_scoped3A_328 = tpu.sem_alloc : memref<!tpu.dma_semaphore, #tpu.memory_space<semaphore_mem>>
      %dma_start3A_329 = arith.constant 0 : i32
      %dma_start3A_330 = tpu.memref_slice %arg9[%run_scoped3A_22, %dma_start3A_329] : memref<4x128xi32, #tpu.memory_space<vmem>> -> memref<1x128xi32, #tpu.memory_space<vmem>>
      %dma_start3A_331 = tpu.memref_squeeze %dma_start3A_330 : memref<1x128xi32, #tpu.memory_space<vmem>> -> memref<128xi32, #tpu.memory_space<vmem>>
      %dma_start3A_332 = tpu.memref_slice %arg2[%add3A_21] : memref<16384xi32, #tpu.memory_space<hbm>> -> memref<128xi32, #tpu.memory_space<hbm>>
      %dma_start3A_333 = arith.constant 0 : i32
      %dma_start3A_334 = tpu.memref_slice %arg9[%run_scoped3A_22, %dma_start3A_333] : memref<4x128xi32, #tpu.memory_space<vmem>> -> memref<1x128xi32, #tpu.memory_space<vmem>>
      %dma_start3A_335 = tpu.memref_squeeze %dma_start3A_334 : memref<1x128xi32, #tpu.memory_space<vmem>> -> memref<128xi32, #tpu.memory_space<vmem>>
      %dma_start3A_336 = tpu.memref_slice %arg2[%add3A_21] : memref<16384xi32, #tpu.memory_space<hbm>> -> memref<128xi32, #tpu.memory_space<hbm>>
      tpu.enqueue_dma source(%dma_start3A_336 : memref<128xi32, #tpu.memory_space<hbm>>) target(%dma_start3A_335 : memref<128xi32, #tpu.memory_space<vmem>>) target_semaphore(%run_scoped3A_328 : memref<!tpu.dma_semaphore, #tpu.memory_space<semaphore_mem>>)
      %dma_wait3A_337 = arith.constant 0 : i32
      %dma_wait3A_338 = tpu.memref_slice %arg9[%run_scoped3A_22, %dma_wait3A_337] : memref<4x128xi32, #tpu.memory_space<vmem>> -> memref<1x128xi32, #tpu.memory_space<vmem>>
      %dma_wait3A_339 = tpu.memref_squeeze %dma_wait3A_338 : memref<1x128xi32, #tpu.memory_space<vmem>> -> memref<128xi32, #tpu.memory_space<vmem>>
      %dma_wait3A_340 = tpu.memref_slice %arg2[%add3A_21] : memref<16384xi32, #tpu.memory_space<hbm>> -> memref<128xi32, #tpu.memory_space<hbm>>
      %dma_wait3A_341 = arith.constant 0 : i32
      %dma_wait3A_342 = tpu.memref_slice %arg9[%run_scoped3A_22, %dma_wait3A_341] : memref<4x128xi32, #tpu.memory_space<vmem>> -> memref<1x128xi32, #tpu.memory_space<vmem>>
      %dma_wait3A_343 = tpu.memref_squeeze %dma_wait3A_342 : memref<1x128xi32, #tpu.memory_space<vmem>> -> memref<128xi32, #tpu.memory_space<vmem>>
      %dma_wait3A_344 = tpu.memref_slice %arg2[%add3A_21] : memref<16384xi32, #tpu.memory_space<hbm>> -> memref<128xi32, #tpu.memory_space<hbm>>
      tpu.wait_dma2 semaphore(%run_scoped3A_328 : memref<!tpu.dma_semaphore, #tpu.memory_space<semaphore_mem>>) src(%dma_wait3A_344 : memref<128xi32, #tpu.memory_space<hbm>>) dst(%dma_wait3A_343 : memref<128xi32, #tpu.memory_space<vmem>>)
      tpu.yield
    }) : () -> ()
    %add3A_23 = arith.constant 384 : i32
    %add3A_24 = arith.addi %mul3A_2, %add3A_23 : i32
    %run_scoped3A_25 = arith.constant 3 : i32
    "tpu.region"() ({
      %run_scoped3A_328 = tpu.sem_alloc : memref<!tpu.dma_semaphore, #tpu.memory_space<semaphore_mem>>
      %dma_start3A_329 = arith.constant 0 : i32
      %dma_start3A_330 = tpu.memref_slice %arg10[%run_scoped3A_25, %dma_start3A_329] : memref<4x128xi32, #tpu.memory_space<vmem>> -> memref<1x128xi32, #tpu.memory_space<vmem>>
      %dma_start3A_331 = tpu.memref_squeeze %dma_start3A_330 : memref<1x128xi32, #tpu.memory_space<vmem>> -> memref<128xi32, #tpu.memory_space<vmem>>
      %dma_start3A_332 = tpu.memref_slice %arg3[%add3A_24] : memref<16384xi32, #tpu.memory_space<hbm>> -> memref<128xi32, #tpu.memory_space<hbm>>
      %dma_start3A_333 = arith.constant 0 : i32
      %dma_start3A_334 = tpu.memref_slice %arg10[%run_scoped3A_25, %dma_start3A_333] : memref<4x128xi32, #tpu.memory_space<vmem>> -> memref<1x128xi32, #tpu.memory_space<vmem>>
      %dma_start3A_335 = tpu.memref_squeeze %dma_start3A_334 : memref<1x128xi32, #tpu.memory_space<vmem>> -> memref<128xi32, #tpu.memory_space<vmem>>
      %dma_start3A_336 = tpu.memref_slice %arg3[%add3A_24] : memref<16384xi32, #tpu.memory_space<hbm>> -> memref<128xi32, #tpu.memory_space<hbm>>
      tpu.enqueue_dma source(%dma_start3A_336 : memref<128xi32, #tpu.memory_space<hbm>>) target(%dma_start3A_335 : memref<128xi32, #tpu.memory_space<vmem>>) target_semaphore(%run_scoped3A_328 : memref<!tpu.dma_semaphore, #tpu.memory_space<semaphore_mem>>)
      %dma_wait3A_337 = arith.constant 0 : i32
      %dma_wait3A_338 = tpu.memref_slice %arg10[%run_scoped3A_25, %dma_wait3A_337] : memref<4x128xi32, #tpu.memory_space<vmem>> -> memref<1x128xi32, #tpu.memory_space<vmem>>
      %dma_wait3A_339 = tpu.memref_squeeze %dma_wait3A_338 : memref<1x128xi32, #tpu.memory_space<vmem>> -> memref<128xi32, #tpu.memory_space<vmem>>
      %dma_wait3A_340 = tpu.memref_slice %arg3[%add3A_24] : memref<16384xi32, #tpu.memory_space<hbm>> -> memref<128xi32, #tpu.memory_space<hbm>>
      %dma_wait3A_341 = arith.constant 0 : i32
      %dma_wait3A_342 = tpu.memref_slice %arg10[%run_scoped3A_25, %dma_wait3A_341] : memref<4x128xi32, #tpu.memory_space<vmem>> -> memref<1x128xi32, #tpu.memory_space<vmem>>
      %dma_wait3A_343 = tpu.memref_squeeze %dma_wait3A_342 : memref<1x128xi32, #tpu.memory_space<vmem>> -> memref<128xi32, #tpu.memory_space<vmem>>
      %dma_wait3A_344 = tpu.memref_slice %arg3[%add3A_24] : memref<16384xi32, #tpu.memory_space<hbm>> -> memref<128xi32, #tpu.memory_space<hbm>>
      tpu.wait_dma2 semaphore(%run_scoped3A_328 : memref<!tpu.dma_semaphore, #tpu.memory_space<semaphore_mem>>) src(%dma_wait3A_344 : memref<128xi32, #tpu.memory_space<hbm>>) dst(%dma_wait3A_343 : memref<128xi32, #tpu.memory_space<vmem>>)
      tpu.yield
    }) : () -> ()
    %dma_start3A = arith.constant 0 : i32
    %dma_start3A_26 = arith.constant 0 : i32
    %dma_start3A_27 = arith.constant 0 : i32
    %dma_start3A_28 = tpu.memref_slice %arg11[%dma_start3A_26, %dma_start3A_27] : memref<512x64xf32, #tpu.memory_space<vmem>> -> memref<128x64xf32, #tpu.memory_space<vmem>>
    %dma_start3A_29 = arith.constant 0 : i32
    %dma_start3A_30 = tpu.memref_slice %arg9[%dma_start3A, %dma_start3A_29] : memref<4x128xi32, #tpu.memory_space<vmem>> -> memref<1x128xi32, #tpu.memory_space<vmem>>
    %dma_start3A_31 = tpu.memref_squeeze %dma_start3A_30 : memref<1x128xi32, #tpu.memory_space<vmem>> -> memref<128xi32, #tpu.memory_space<vmem>>
    %dma_start3A_32 = arith.constant 0 : i32
    %dma_start3A_33 = arith.constant 0 : i32
    %dma_start3A_34 = tpu.memref_slice %arg4[%dma_start3A_32, %dma_start3A_33] : memref<1000000x64xf32, #tpu.memory_space<hbm>> -> memref<1000000x64xf32, #tpu.memory_space<hbm>>
    tpu.enqueue_indirect_dma source(%dma_start3A_34 : memref<1000000x64xf32, #tpu.memory_space<hbm>>) target(%dma_start3A_28 : memref<128x64xf32, #tpu.memory_space<vmem>>) offsets(%dma_start3A_31 : memref<128xi32, #tpu.memory_space<vmem>>) semaphore(%arg16 : memref<!tpu.dma_semaphore, #tpu.memory_space<semaphore_mem>>)
    %dma_start3A_35 = arith.constant 0 : i32
    %dma_start3A_36 = arith.constant 0 : i32
    %dma_start3A_37 = arith.constant 0 : i32
    %dma_start3A_38 = tpu.memref_slice %arg12[%dma_start3A_36, %dma_start3A_37] : memref<512x64xf32, #tpu.memory_space<vmem>> -> memref<128x64xf32, #tpu.memory_space<vmem>>
    %dma_start3A_39 = arith.constant 0 : i32
    %dma_start3A_40 = tpu.memref_slice %arg10[%dma_start3A_35, %dma_start3A_39] : memref<4x128xi32, #tpu.memory_space<vmem>> -> memref<1x128xi32, #tpu.memory_space<vmem>>
    %dma_start3A_41 = tpu.memref_squeeze %dma_start3A_40 : memref<1x128xi32, #tpu.memory_space<vmem>> -> memref<128xi32, #tpu.memory_space<vmem>>
    %dma_start3A_42 = arith.constant 0 : i32
    %dma_start3A_43 = arith.constant 0 : i32
    %dma_start3A_44 = tpu.memref_slice %arg6[%dma_start3A_42, %dma_start3A_43] : memref<1000000x64xf32, #tpu.memory_space<hbm>> -> memref<1000000x64xf32, #tpu.memory_space<hbm>>
    tpu.enqueue_indirect_dma source(%dma_start3A_44 : memref<1000000x64xf32, #tpu.memory_space<hbm>>) target(%dma_start3A_38 : memref<128x64xf32, #tpu.memory_space<vmem>>) offsets(%dma_start3A_41 : memref<128xi32, #tpu.memory_space<vmem>>) semaphore(%arg16 : memref<!tpu.dma_semaphore, #tpu.memory_space<semaphore_mem>>)
    %dma_start3A_45 = arith.constant 0 : i32
    %dma_start3A_46 = arith.constant 0 : i32
    %dma_start3A_47 = tpu.memref_slice %arg13[%dma_start3A_46] : memref<512xf32, #tpu.memory_space<vmem>> -> memref<128xf32, #tpu.memory_space<vmem>>
    %dma_start3A_48 = arith.constant 0 : i32
    %dma_start3A_49 = tpu.memref_slice %arg9[%dma_start3A_45, %dma_start3A_48] : memref<4x128xi32, #tpu.memory_space<vmem>> -> memref<1x128xi32, #tpu.memory_space<vmem>>
    %dma_start3A_50 = tpu.memref_squeeze %dma_start3A_49 : memref<1x128xi32, #tpu.memory_space<vmem>> -> memref<128xi32, #tpu.memory_space<vmem>>
    %dma_start3A_51 = arith.constant 0 : i32
    %dma_start3A_52 = tpu.memref_slice %arg5[%dma_start3A_51] : memref<1000000xf32, #tpu.memory_space<hbm>> -> memref<1000000xf32, #tpu.memory_space<hbm>>
    tpu.enqueue_indirect_dma source(%dma_start3A_52 : memref<1000000xf32, #tpu.memory_space<hbm>>) target(%dma_start3A_47 : memref<128xf32, #tpu.memory_space<vmem>>) offsets(%dma_start3A_50 : memref<128xi32, #tpu.memory_space<vmem>>) semaphore(%arg16 : memref<!tpu.dma_semaphore, #tpu.memory_space<semaphore_mem>>)
    %dma_start3A_53 = arith.constant 0 : i32
    %dma_start3A_54 = arith.constant 0 : i32
    %dma_start3A_55 = tpu.memref_slice %arg14[%dma_start3A_54] : memref<512xf32, #tpu.memory_space<vmem>> -> memref<128xf32, #tpu.memory_space<vmem>>
    %dma_start3A_56 = arith.constant 0 : i32
    %dma_start3A_57 = tpu.memref_slice %arg10[%dma_start3A_53, %dma_start3A_56] : memref<4x128xi32, #tpu.memory_space<vmem>> -> memref<1x128xi32, #tpu.memory_space<vmem>>
    %dma_start3A_58 = tpu.memref_squeeze %dma_start3A_57 : memref<1x128xi32, #tpu.memory_space<vmem>> -> memref<128xi32, #tpu.memory_space<vmem>>
    %dma_start3A_59 = arith.constant 0 : i32
    %dma_start3A_60 = tpu.memref_slice %arg7[%dma_start3A_59] : memref<1000000xf32, #tpu.memory_space<hbm>> -> memref<1000000xf32, #tpu.memory_space<hbm>>
    tpu.enqueue_indirect_dma source(%dma_start3A_60 : memref<1000000xf32, #tpu.memory_space<hbm>>) target(%dma_start3A_55 : memref<128xf32, #tpu.memory_space<vmem>>) offsets(%dma_start3A_58 : memref<128xi32, #tpu.memory_space<vmem>>) semaphore(%arg16 : memref<!tpu.dma_semaphore, #tpu.memory_space<semaphore_mem>>)
    %dma_start3A_61 = arith.constant 1 : i32
    %dma_start3A_62 = arith.constant 128 : i32
    %dma_start3A_63 = arith.constant 0 : i32
    %dma_start3A_64 = tpu.memref_slice %arg11[%dma_start3A_62, %dma_start3A_63] : memref<512x64xf32, #tpu.memory_space<vmem>> -> memref<128x64xf32, #tpu.memory_space<vmem>>
    %dma_start3A_65 = arith.constant 0 : i32
    %dma_start3A_66 = tpu.memref_slice %arg9[%dma_start3A_61, %dma_start3A_65] : memref<4x128xi32, #tpu.memory_space<vmem>> -> memref<1x128xi32, #tpu.memory_space<vmem>>
    %dma_start3A_67 = tpu.memref_squeeze %dma_start3A_66 : memref<1x128xi32, #tpu.memory_space<vmem>> -> memref<128xi32, #tpu.memory_space<vmem>>
    %dma_start3A_68 = arith.constant 0 : i32
    %dma_start3A_69 = arith.constant 0 : i32
    %dma_start3A_70 = tpu.memref_slice %arg4[%dma_start3A_68, %dma_start3A_69] : memref<1000000x64xf32, #tpu.memory_space<hbm>> -> memref<1000000x64xf32, #tpu.memory_space<hbm>>
    tpu.enqueue_indirect_dma source(%dma_start3A_70 : memref<1000000x64xf32, #tpu.memory_space<hbm>>) target(%dma_start3A_64 : memref<128x64xf32, #tpu.memory_space<vmem>>) offsets(%dma_start3A_67 : memref<128xi32, #tpu.memory_space<vmem>>) semaphore(%arg16 : memref<!tpu.dma_semaphore, #tpu.memory_space<semaphore_mem>>)
    %dma_start3A_71 = arith.constant 1 : i32
    %dma_start3A_72 = arith.constant 128 : i32
    %dma_start3A_73 = arith.constant 0 : i32
    %dma_start3A_74 = tpu.memref_slice %arg12[%dma_start3A_72, %dma_start3A_73] : memref<512x64xf32, #tpu.memory_space<vmem>> -> memref<128x64xf32, #tpu.memory_space<vmem>>
    %dma_start3A_75 = arith.constant 0 : i32
    %dma_start3A_76 = tpu.memref_slice %arg10[%dma_start3A_71, %dma_start3A_75] : memref<4x128xi32, #tpu.memory_space<vmem>> -> memref<1x128xi32, #tpu.memory_space<vmem>>
    %dma_start3A_77 = tpu.memref_squeeze %dma_start3A_76 : memref<1x128xi32, #tpu.memory_space<vmem>> -> memref<128xi32, #tpu.memory_space<vmem>>
    %dma_start3A_78 = arith.constant 0 : i32
    %dma_start3A_79 = arith.constant 0 : i32
    %dma_start3A_80 = tpu.memref_slice %arg6[%dma_start3A_78, %dma_start3A_79] : memref<1000000x64xf32, #tpu.memory_space<hbm>> -> memref<1000000x64xf32, #tpu.memory_space<hbm>>
    tpu.enqueue_indirect_dma source(%dma_start3A_80 : memref<1000000x64xf32, #tpu.memory_space<hbm>>) target(%dma_start3A_74 : memref<128x64xf32, #tpu.memory_space<vmem>>) offsets(%dma_start3A_77 : memref<128xi32, #tpu.memory_space<vmem>>) semaphore(%arg16 : memref<!tpu.dma_semaphore, #tpu.memory_space<semaphore_mem>>)
    %dma_start3A_81 = arith.constant 1 : i32
    %dma_start3A_82 = arith.constant 128 : i32
    %dma_start3A_83 = tpu.memref_slice %arg13[%dma_start3A_82] : memref<512xf32, #tpu.memory_space<vmem>> -> memref<128xf32, #tpu.memory_space<vmem>>
    %dma_start3A_84 = arith.constant 0 : i32
    %dma_start3A_85 = tpu.memref_slice %arg9[%dma_start3A_81, %dma_start3A_84] : memref<4x128xi32, #tpu.memory_space<vmem>> -> memref<1x128xi32, #tpu.memory_space<vmem>>
    %dma_start3A_86 = tpu.memref_squeeze %dma_start3A_85 : memref<1x128xi32, #tpu.memory_space<vmem>> -> memref<128xi32, #tpu.memory_space<vmem>>
    %dma_start3A_87 = arith.constant 0 : i32
    %dma_start3A_88 = tpu.memref_slice %arg5[%dma_start3A_87] : memref<1000000xf32, #tpu.memory_space<hbm>> -> memref<1000000xf32, #tpu.memory_space<hbm>>
    tpu.enqueue_indirect_dma source(%dma_start3A_88 : memref<1000000xf32, #tpu.memory_space<hbm>>) target(%dma_start3A_83 : memref<128xf32, #tpu.memory_space<vmem>>) offsets(%dma_start3A_86 : memref<128xi32, #tpu.memory_space<vmem>>) semaphore(%arg16 : memref<!tpu.dma_semaphore, #tpu.memory_space<semaphore_mem>>)
    %dma_start3A_89 = arith.constant 1 : i32
    %dma_start3A_90 = arith.constant 128 : i32
    %dma_start3A_91 = tpu.memref_slice %arg14[%dma_start3A_90] : memref<512xf32, #tpu.memory_space<vmem>> -> memref<128xf32, #tpu.memory_space<vmem>>
    %dma_start3A_92 = arith.constant 0 : i32
    %dma_start3A_93 = tpu.memref_slice %arg10[%dma_start3A_89, %dma_start3A_92] : memref<4x128xi32, #tpu.memory_space<vmem>> -> memref<1x128xi32, #tpu.memory_space<vmem>>
    %dma_start3A_94 = tpu.memref_squeeze %dma_start3A_93 : memref<1x128xi32, #tpu.memory_space<vmem>> -> memref<128xi32, #tpu.memory_space<vmem>>
    %dma_start3A_95 = arith.constant 0 : i32
    %dma_start3A_96 = tpu.memref_slice %arg7[%dma_start3A_95] : memref<1000000xf32, #tpu.memory_space<hbm>> -> memref<1000000xf32, #tpu.memory_space<hbm>>
    tpu.enqueue_indirect_dma source(%dma_start3A_96 : memref<1000000xf32, #tpu.memory_space<hbm>>) target(%dma_start3A_91 : memref<128xf32, #tpu.memory_space<vmem>>) offsets(%dma_start3A_94 : memref<128xi32, #tpu.memory_space<vmem>>) semaphore(%arg16 : memref<!tpu.dma_semaphore, #tpu.memory_space<semaphore_mem>>)
    %dma_start3A_97 = arith.constant 2 : i32
    %dma_start3A_98 = arith.constant 256 : i32
    %dma_start3A_99 = arith.constant 0 : i32
    %dma_start3A_100 = tpu.memref_slice %arg11[%dma_start3A_98, %dma_start3A_99] : memref<512x64xf32, #tpu.memory_space<vmem>> -> memref<128x64xf32, #tpu.memory_space<vmem>>
    %dma_start3A_101 = arith.constant 0 : i32
    %dma_start3A_102 = tpu.memref_slice %arg9[%dma_start3A_97, %dma_start3A_101] : memref<4x128xi32, #tpu.memory_space<vmem>> -> memref<1x128xi32, #tpu.memory_space<vmem>>
    %dma_start3A_103 = tpu.memref_squeeze %dma_start3A_102 : memref<1x128xi32, #tpu.memory_space<vmem>> -> memref<128xi32, #tpu.memory_space<vmem>>
    %dma_start3A_104 = arith.constant 0 : i32
    %dma_start3A_105 = arith.constant 0 : i32
    %dma_start3A_106 = tpu.memref_slice %arg4[%dma_start3A_104, %dma_start3A_105] : memref<1000000x64xf32, #tpu.memory_space<hbm>> -> memref<1000000x64xf32, #tpu.memory_space<hbm>>
    tpu.enqueue_indirect_dma source(%dma_start3A_106 : memref<1000000x64xf32, #tpu.memory_space<hbm>>) target(%dma_start3A_100 : memref<128x64xf32, #tpu.memory_space<vmem>>) offsets(%dma_start3A_103 : memref<128xi32, #tpu.memory_space<vmem>>) semaphore(%arg16 : memref<!tpu.dma_semaphore, #tpu.memory_space<semaphore_mem>>)
    %dma_start3A_107 = arith.constant 2 : i32
    %dma_start3A_108 = arith.constant 256 : i32
    %dma_start3A_109 = arith.constant 0 : i32
    %dma_start3A_110 = tpu.memref_slice %arg12[%dma_start3A_108, %dma_start3A_109] : memref<512x64xf32, #tpu.memory_space<vmem>> -> memref<128x64xf32, #tpu.memory_space<vmem>>
    %dma_start3A_111 = arith.constant 0 : i32
    %dma_start3A_112 = tpu.memref_slice %arg10[%dma_start3A_107, %dma_start3A_111] : memref<4x128xi32, #tpu.memory_space<vmem>> -> memref<1x128xi32, #tpu.memory_space<vmem>>
    %dma_start3A_113 = tpu.memref_squeeze %dma_start3A_112 : memref<1x128xi32, #tpu.memory_space<vmem>> -> memref<128xi32, #tpu.memory_space<vmem>>
    %dma_start3A_114 = arith.constant 0 : i32
    %dma_start3A_115 = arith.constant 0 : i32
    %dma_start3A_116 = tpu.memref_slice %arg6[%dma_start3A_114, %dma_start3A_115] : memref<1000000x64xf32, #tpu.memory_space<hbm>> -> memref<1000000x64xf32, #tpu.memory_space<hbm>>
    tpu.enqueue_indirect_dma source(%dma_start3A_116 : memref<1000000x64xf32, #tpu.memory_space<hbm>>) target(%dma_start3A_110 : memref<128x64xf32, #tpu.memory_space<vmem>>) offsets(%dma_start3A_113 : memref<128xi32, #tpu.memory_space<vmem>>) semaphore(%arg16 : memref<!tpu.dma_semaphore, #tpu.memory_space<semaphore_mem>>)
    %dma_start3A_117 = arith.constant 2 : i32
    %dma_start3A_118 = arith.constant 256 : i32
    %dma_start3A_119 = tpu.memref_slice %arg13[%dma_start3A_118] : memref<512xf32, #tpu.memory_space<vmem>> -> memref<128xf32, #tpu.memory_space<vmem>>
    %dma_start3A_120 = arith.constant 0 : i32
    %dma_start3A_121 = tpu.memref_slice %arg9[%dma_start3A_117, %dma_start3A_120] : memref<4x128xi32, #tpu.memory_space<vmem>> -> memref<1x128xi32, #tpu.memory_space<vmem>>
    %dma_start3A_122 = tpu.memref_squeeze %dma_start3A_121 : memref<1x128xi32, #tpu.memory_space<vmem>> -> memref<128xi32, #tpu.memory_space<vmem>>
    %dma_start3A_123 = arith.constant 0 : i32
    %dma_start3A_124 = tpu.memref_slice %arg5[%dma_start3A_123] : memref<1000000xf32, #tpu.memory_space<hbm>> -> memref<1000000xf32, #tpu.memory_space<hbm>>
    tpu.enqueue_indirect_dma source(%dma_start3A_124 : memref<1000000xf32, #tpu.memory_space<hbm>>) target(%dma_start3A_119 : memref<128xf32, #tpu.memory_space<vmem>>) offsets(%dma_start3A_122 : memref<128xi32, #tpu.memory_space<vmem>>) semaphore(%arg16 : memref<!tpu.dma_semaphore, #tpu.memory_space<semaphore_mem>>)
    %dma_start3A_125 = arith.constant 2 : i32
    %dma_start3A_126 = arith.constant 256 : i32
    %dma_start3A_127 = tpu.memref_slice %arg14[%dma_start3A_126] : memref<512xf32, #tpu.memory_space<vmem>> -> memref<128xf32, #tpu.memory_space<vmem>>
    %dma_start3A_128 = arith.constant 0 : i32
    %dma_start3A_129 = tpu.memref_slice %arg10[%dma_start3A_125, %dma_start3A_128] : memref<4x128xi32, #tpu.memory_space<vmem>> -> memref<1x128xi32, #tpu.memory_space<vmem>>
    %dma_start3A_130 = tpu.memref_squeeze %dma_start3A_129 : memref<1x128xi32, #tpu.memory_space<vmem>> -> memref<128xi32, #tpu.memory_space<vmem>>
    %dma_start3A_131 = arith.constant 0 : i32
    %dma_start3A_132 = tpu.memref_slice %arg7[%dma_start3A_131] : memref<1000000xf32, #tpu.memory_space<hbm>> -> memref<1000000xf32, #tpu.memory_space<hbm>>
    tpu.enqueue_indirect_dma source(%dma_start3A_132 : memref<1000000xf32, #tpu.memory_space<hbm>>) target(%dma_start3A_127 : memref<128xf32, #tpu.memory_space<vmem>>) offsets(%dma_start3A_130 : memref<128xi32, #tpu.memory_space<vmem>>) semaphore(%arg16 : memref<!tpu.dma_semaphore, #tpu.memory_space<semaphore_mem>>)
    %dma_start3A_133 = arith.constant 3 : i32
    %dma_start3A_134 = arith.constant 384 : i32
    %dma_start3A_135 = arith.constant 0 : i32
    %dma_start3A_136 = tpu.memref_slice %arg11[%dma_start3A_134, %dma_start3A_135] : memref<512x64xf32, #tpu.memory_space<vmem>> -> memref<128x64xf32, #tpu.memory_space<vmem>>
    %dma_start3A_137 = arith.constant 0 : i32
    %dma_start3A_138 = tpu.memref_slice %arg9[%dma_start3A_133, %dma_start3A_137] : memref<4x128xi32, #tpu.memory_space<vmem>> -> memref<1x128xi32, #tpu.memory_space<vmem>>
    %dma_start3A_139 = tpu.memref_squeeze %dma_start3A_138 : memref<1x128xi32, #tpu.memory_space<vmem>> -> memref<128xi32, #tpu.memory_space<vmem>>
    %dma_start3A_140 = arith.constant 0 : i32
    %dma_start3A_141 = arith.constant 0 : i32
    %dma_start3A_142 = tpu.memref_slice %arg4[%dma_start3A_140, %dma_start3A_141] : memref<1000000x64xf32, #tpu.memory_space<hbm>> -> memref<1000000x64xf32, #tpu.memory_space<hbm>>
    tpu.enqueue_indirect_dma source(%dma_start3A_142 : memref<1000000x64xf32, #tpu.memory_space<hbm>>) target(%dma_start3A_136 : memref<128x64xf32, #tpu.memory_space<vmem>>) offsets(%dma_start3A_139 : memref<128xi32, #tpu.memory_space<vmem>>) semaphore(%arg16 : memref<!tpu.dma_semaphore, #tpu.memory_space<semaphore_mem>>)
    %dma_start3A_143 = arith.constant 3 : i32
    %dma_start3A_144 = arith.constant 384 : i32
    %dma_start3A_145 = arith.constant 0 : i32
    %dma_start3A_146 = tpu.memref_slice %arg12[%dma_start3A_144, %dma_start3A_145] : memref<512x64xf32, #tpu.memory_space<vmem>> -> memref<128x64xf32, #tpu.memory_space<vmem>>
    %dma_start3A_147 = arith.constant 0 : i32
    %dma_start3A_148 = tpu.memref_slice %arg10[%dma_start3A_143, %dma_start3A_147] : memref<4x128xi32, #tpu.memory_space<vmem>> -> memref<1x128xi32, #tpu.memory_space<vmem>>
    %dma_start3A_149 = tpu.memref_squeeze %dma_start3A_148 : memref<1x128xi32, #tpu.memory_space<vmem>> -> memref<128xi32, #tpu.memory_space<vmem>>
    %dma_start3A_150 = arith.constant 0 : i32
    %dma_start3A_151 = arith.constant 0 : i32
    %dma_start3A_152 = tpu.memref_slice %arg6[%dma_start3A_150, %dma_start3A_151] : memref<1000000x64xf32, #tpu.memory_space<hbm>> -> memref<1000000x64xf32, #tpu.memory_space<hbm>>
    tpu.enqueue_indirect_dma source(%dma_start3A_152 : memref<1000000x64xf32, #tpu.memory_space<hbm>>) target(%dma_start3A_146 : memref<128x64xf32, #tpu.memory_space<vmem>>) offsets(%dma_start3A_149 : memref<128xi32, #tpu.memory_space<vmem>>) semaphore(%arg16 : memref<!tpu.dma_semaphore, #tpu.memory_space<semaphore_mem>>)
    %dma_start3A_153 = arith.constant 3 : i32
    %dma_start3A_154 = arith.constant 384 : i32
    %dma_start3A_155 = tpu.memref_slice %arg13[%dma_start3A_154] : memref<512xf32, #tpu.memory_space<vmem>> -> memref<128xf32, #tpu.memory_space<vmem>>
    %dma_start3A_156 = arith.constant 0 : i32
    %dma_start3A_157 = tpu.memref_slice %arg9[%dma_start3A_153, %dma_start3A_156] : memref<4x128xi32, #tpu.memory_space<vmem>> -> memref<1x128xi32, #tpu.memory_space<vmem>>
    %dma_start3A_158 = tpu.memref_squeeze %dma_start3A_157 : memref<1x128xi32, #tpu.memory_space<vmem>> -> memref<128xi32, #tpu.memory_space<vmem>>
    %dma_start3A_159 = arith.constant 0 : i32
    %dma_start3A_160 = tpu.memref_slice %arg5[%dma_start3A_159] : memref<1000000xf32, #tpu.memory_space<hbm>> -> memref<1000000xf32, #tpu.memory_space<hbm>>
    tpu.enqueue_indirect_dma source(%dma_start3A_160 : memref<1000000xf32, #tpu.memory_space<hbm>>) target(%dma_start3A_155 : memref<128xf32, #tpu.memory_space<vmem>>) offsets(%dma_start3A_158 : memref<128xi32, #tpu.memory_space<vmem>>) semaphore(%arg16 : memref<!tpu.dma_semaphore, #tpu.memory_space<semaphore_mem>>)
    %dma_start3A_161 = arith.constant 3 : i32
    %dma_start3A_162 = arith.constant 384 : i32
    %dma_start3A_163 = tpu.memref_slice %arg14[%dma_start3A_162] : memref<512xf32, #tpu.memory_space<vmem>> -> memref<128xf32, #tpu.memory_space<vmem>>
    %dma_start3A_164 = arith.constant 0 : i32
    %dma_start3A_165 = tpu.memref_slice %arg10[%dma_start3A_161, %dma_start3A_164] : memref<4x128xi32, #tpu.memory_space<vmem>> -> memref<1x128xi32, #tpu.memory_space<vmem>>
    %dma_start3A_166 = tpu.memref_squeeze %dma_start3A_165 : memref<1x128xi32, #tpu.memory_space<vmem>> -> memref<128xi32, #tpu.memory_space<vmem>>
    %dma_start3A_167 = arith.constant 0 : i32
    %dma_start3A_168 = tpu.memref_slice %arg7[%dma_start3A_167] : memref<1000000xf32, #tpu.memory_space<hbm>> -> memref<1000000xf32, #tpu.memory_space<hbm>>
    tpu.enqueue_indirect_dma source(%dma_start3A_168 : memref<1000000xf32, #tpu.memory_space<hbm>>) target(%dma_start3A_163 : memref<128xf32, #tpu.memory_space<vmem>>) offsets(%dma_start3A_166 : memref<128xi32, #tpu.memory_space<vmem>>) semaphore(%arg16 : memref<!tpu.dma_semaphore, #tpu.memory_space<semaphore_mem>>)
    %dma_wait3A = arith.constant 0 : i32
    %dma_wait3A_169 = arith.constant 0 : i32
    %dma_wait3A_170 = arith.constant 0 : i32
    %dma_wait3A_171 = tpu.memref_slice %arg11[%dma_wait3A_169, %dma_wait3A_170] : memref<512x64xf32, #tpu.memory_space<vmem>> -> memref<128x64xf32, #tpu.memory_space<vmem>>
    %dma_wait3A_172 = arith.constant 0 : i32
    %dma_wait3A_173 = tpu.memref_slice %arg9[%dma_wait3A, %dma_wait3A_172] : memref<4x128xi32, #tpu.memory_space<vmem>> -> memref<1x128xi32, #tpu.memory_space<vmem>>
    %dma_wait3A_174 = tpu.memref_squeeze %dma_wait3A_173 : memref<1x128xi32, #tpu.memory_space<vmem>> -> memref<128xi32, #tpu.memory_space<vmem>>
    %dma_wait3A_175 = arith.constant 0 : i32
    %dma_wait3A_176 = arith.constant 0 : i32
    %dma_wait3A_177 = tpu.memref_slice %arg4[%dma_wait3A_175, %dma_wait3A_176] : memref<1000000x64xf32, #tpu.memory_space<hbm>> -> memref<1000000x64xf32, #tpu.memory_space<hbm>>
    tpu.wait_indirect_dma semaphore(%arg16 : memref<!tpu.dma_semaphore, #tpu.memory_space<semaphore_mem>>) src(%dma_wait3A_177 : memref<1000000x64xf32, #tpu.memory_space<hbm>>) dst(%dma_wait3A_171 : memref<128x64xf32, #tpu.memory_space<vmem>>)
    %dma_wait3A_178 = arith.constant 0 : i32
    %dma_wait3A_179 = arith.constant 0 : i32
    %dma_wait3A_180 = arith.constant 0 : i32
    %dma_wait3A_181 = tpu.memref_slice %arg12[%dma_wait3A_179, %dma_wait3A_180] : memref<512x64xf32, #tpu.memory_space<vmem>> -> memref<128x64xf32, #tpu.memory_space<vmem>>
    %dma_wait3A_182 = arith.constant 0 : i32
    %dma_wait3A_183 = tpu.memref_slice %arg10[%dma_wait3A_178, %dma_wait3A_182] : memref<4x128xi32, #tpu.memory_space<vmem>> -> memref<1x128xi32, #tpu.memory_space<vmem>>
    %dma_wait3A_184 = tpu.memref_squeeze %dma_wait3A_183 : memref<1x128xi32, #tpu.memory_space<vmem>> -> memref<128xi32, #tpu.memory_space<vmem>>
    %dma_wait3A_185 = arith.constant 0 : i32
    %dma_wait3A_186 = arith.constant 0 : i32
    %dma_wait3A_187 = tpu.memref_slice %arg6[%dma_wait3A_185, %dma_wait3A_186] : memref<1000000x64xf32, #tpu.memory_space<hbm>> -> memref<1000000x64xf32, #tpu.memory_space<hbm>>
    tpu.wait_indirect_dma semaphore(%arg16 : memref<!tpu.dma_semaphore, #tpu.memory_space<semaphore_mem>>) src(%dma_wait3A_187 : memref<1000000x64xf32, #tpu.memory_space<hbm>>) dst(%dma_wait3A_181 : memref<128x64xf32, #tpu.memory_space<vmem>>)
    %dma_wait3A_188 = arith.constant 0 : i32
    %dma_wait3A_189 = arith.constant 0 : i32
    %dma_wait3A_190 = tpu.memref_slice %arg13[%dma_wait3A_189] : memref<512xf32, #tpu.memory_space<vmem>> -> memref<128xf32, #tpu.memory_space<vmem>>
    %dma_wait3A_191 = arith.constant 0 : i32
    %dma_wait3A_192 = tpu.memref_slice %arg9[%dma_wait3A_188, %dma_wait3A_191] : memref<4x128xi32, #tpu.memory_space<vmem>> -> memref<1x128xi32, #tpu.memory_space<vmem>>
    %dma_wait3A_193 = tpu.memref_squeeze %dma_wait3A_192 : memref<1x128xi32, #tpu.memory_space<vmem>> -> memref<128xi32, #tpu.memory_space<vmem>>
    %dma_wait3A_194 = arith.constant 0 : i32
    %dma_wait3A_195 = tpu.memref_slice %arg5[%dma_wait3A_194] : memref<1000000xf32, #tpu.memory_space<hbm>> -> memref<1000000xf32, #tpu.memory_space<hbm>>
    tpu.wait_indirect_dma semaphore(%arg16 : memref<!tpu.dma_semaphore, #tpu.memory_space<semaphore_mem>>) src(%dma_wait3A_195 : memref<1000000xf32, #tpu.memory_space<hbm>>) dst(%dma_wait3A_190 : memref<128xf32, #tpu.memory_space<vmem>>)
    %dma_wait3A_196 = arith.constant 0 : i32
    %dma_wait3A_197 = arith.constant 0 : i32
    %dma_wait3A_198 = tpu.memref_slice %arg14[%dma_wait3A_197] : memref<512xf32, #tpu.memory_space<vmem>> -> memref<128xf32, #tpu.memory_space<vmem>>
    %dma_wait3A_199 = arith.constant 0 : i32
    %dma_wait3A_200 = tpu.memref_slice %arg10[%dma_wait3A_196, %dma_wait3A_199] : memref<4x128xi32, #tpu.memory_space<vmem>> -> memref<1x128xi32, #tpu.memory_space<vmem>>
    %dma_wait3A_201 = tpu.memref_squeeze %dma_wait3A_200 : memref<1x128xi32, #tpu.memory_space<vmem>> -> memref<128xi32, #tpu.memory_space<vmem>>
    %dma_wait3A_202 = arith.constant 0 : i32
    %dma_wait3A_203 = tpu.memref_slice %arg7[%dma_wait3A_202] : memref<1000000xf32, #tpu.memory_space<hbm>> -> memref<1000000xf32, #tpu.memory_space<hbm>>
    tpu.wait_indirect_dma semaphore(%arg16 : memref<!tpu.dma_semaphore, #tpu.memory_space<semaphore_mem>>) src(%dma_wait3A_203 : memref<1000000xf32, #tpu.memory_space<hbm>>) dst(%dma_wait3A_198 : memref<128xf32, #tpu.memory_space<vmem>>)
    %dma_wait3A_204 = arith.constant 1 : i32
    %dma_wait3A_205 = arith.constant 128 : i32
    %dma_wait3A_206 = arith.constant 0 : i32
    %dma_wait3A_207 = tpu.memref_slice %arg11[%dma_wait3A_205, %dma_wait3A_206] : memref<512x64xf32, #tpu.memory_space<vmem>> -> memref<128x64xf32, #tpu.memory_space<vmem>>
    %dma_wait3A_208 = arith.constant 0 : i32
    %dma_wait3A_209 = tpu.memref_slice %arg9[%dma_wait3A_204, %dma_wait3A_208] : memref<4x128xi32, #tpu.memory_space<vmem>> -> memref<1x128xi32, #tpu.memory_space<vmem>>
    %dma_wait3A_210 = tpu.memref_squeeze %dma_wait3A_209 : memref<1x128xi32, #tpu.memory_space<vmem>> -> memref<128xi32, #tpu.memory_space<vmem>>
    %dma_wait3A_211 = arith.constant 0 : i32
    %dma_wait3A_212 = arith.constant 0 : i32
    %dma_wait3A_213 = tpu.memref_slice %arg4[%dma_wait3A_211, %dma_wait3A_212] : memref<1000000x64xf32, #tpu.memory_space<hbm>> -> memref<1000000x64xf32, #tpu.memory_space<hbm>>
    tpu.wait_indirect_dma semaphore(%arg16 : memref<!tpu.dma_semaphore, #tpu.memory_space<semaphore_mem>>) src(%dma_wait3A_213 : memref<1000000x64xf32, #tpu.memory_space<hbm>>) dst(%dma_wait3A_207 : memref<128x64xf32, #tpu.memory_space<vmem>>)
    %dma_wait3A_214 = arith.constant 1 : i32
    %dma_wait3A_215 = arith.constant 128 : i32
    %dma_wait3A_216 = arith.constant 0 : i32
    %dma_wait3A_217 = tpu.memref_slice %arg12[%dma_wait3A_215, %dma_wait3A_216] : memref<512x64xf32, #tpu.memory_space<vmem>> -> memref<128x64xf32, #tpu.memory_space<vmem>>
    %dma_wait3A_218 = arith.constant 0 : i32
    %dma_wait3A_219 = tpu.memref_slice %arg10[%dma_wait3A_214, %dma_wait3A_218] : memref<4x128xi32, #tpu.memory_space<vmem>> -> memref<1x128xi32, #tpu.memory_space<vmem>>
    %dma_wait3A_220 = tpu.memref_squeeze %dma_wait3A_219 : memref<1x128xi32, #tpu.memory_space<vmem>> -> memref<128xi32, #tpu.memory_space<vmem>>
    %dma_wait3A_221 = arith.constant 0 : i32
    %dma_wait3A_222 = arith.constant 0 : i32
    %dma_wait3A_223 = tpu.memref_slice %arg6[%dma_wait3A_221, %dma_wait3A_222] : memref<1000000x64xf32, #tpu.memory_space<hbm>> -> memref<1000000x64xf32, #tpu.memory_space<hbm>>
    tpu.wait_indirect_dma semaphore(%arg16 : memref<!tpu.dma_semaphore, #tpu.memory_space<semaphore_mem>>) src(%dma_wait3A_223 : memref<1000000x64xf32, #tpu.memory_space<hbm>>) dst(%dma_wait3A_217 : memref<128x64xf32, #tpu.memory_space<vmem>>)
    %dma_wait3A_224 = arith.constant 1 : i32
    %dma_wait3A_225 = arith.constant 128 : i32
    %dma_wait3A_226 = tpu.memref_slice %arg13[%dma_wait3A_225] : memref<512xf32, #tpu.memory_space<vmem>> -> memref<128xf32, #tpu.memory_space<vmem>>
    %dma_wait3A_227 = arith.constant 0 : i32
    %dma_wait3A_228 = tpu.memref_slice %arg9[%dma_wait3A_224, %dma_wait3A_227] : memref<4x128xi32, #tpu.memory_space<vmem>> -> memref<1x128xi32, #tpu.memory_space<vmem>>
    %dma_wait3A_229 = tpu.memref_squeeze %dma_wait3A_228 : memref<1x128xi32, #tpu.memory_space<vmem>> -> memref<128xi32, #tpu.memory_space<vmem>>
    %dma_wait3A_230 = arith.constant 0 : i32
    %dma_wait3A_231 = tpu.memref_slice %arg5[%dma_wait3A_230] : memref<1000000xf32, #tpu.memory_space<hbm>> -> memref<1000000xf32, #tpu.memory_space<hbm>>
    tpu.wait_indirect_dma semaphore(%arg16 : memref<!tpu.dma_semaphore, #tpu.memory_space<semaphore_mem>>) src(%dma_wait3A_231 : memref<1000000xf32, #tpu.memory_space<hbm>>) dst(%dma_wait3A_226 : memref<128xf32, #tpu.memory_space<vmem>>)
    %dma_wait3A_232 = arith.constant 1 : i32
    %dma_wait3A_233 = arith.constant 128 : i32
    %dma_wait3A_234 = tpu.memref_slice %arg14[%dma_wait3A_233] : memref<512xf32, #tpu.memory_space<vmem>> -> memref<128xf32, #tpu.memory_space<vmem>>
    %dma_wait3A_235 = arith.constant 0 : i32
    %dma_wait3A_236 = tpu.memref_slice %arg10[%dma_wait3A_232, %dma_wait3A_235] : memref<4x128xi32, #tpu.memory_space<vmem>> -> memref<1x128xi32, #tpu.memory_space<vmem>>
    %dma_wait3A_237 = tpu.memref_squeeze %dma_wait3A_236 : memref<1x128xi32, #tpu.memory_space<vmem>> -> memref<128xi32, #tpu.memory_space<vmem>>
    %dma_wait3A_238 = arith.constant 0 : i32
    %dma_wait3A_239 = tpu.memref_slice %arg7[%dma_wait3A_238] : memref<1000000xf32, #tpu.memory_space<hbm>> -> memref<1000000xf32, #tpu.memory_space<hbm>>
    tpu.wait_indirect_dma semaphore(%arg16 : memref<!tpu.dma_semaphore, #tpu.memory_space<semaphore_mem>>) src(%dma_wait3A_239 : memref<1000000xf32, #tpu.memory_space<hbm>>) dst(%dma_wait3A_234 : memref<128xf32, #tpu.memory_space<vmem>>)
    %dma_wait3A_240 = arith.constant 2 : i32
    %dma_wait3A_241 = arith.constant 256 : i32
    %dma_wait3A_242 = arith.constant 0 : i32
    %dma_wait3A_243 = tpu.memref_slice %arg11[%dma_wait3A_241, %dma_wait3A_242] : memref<512x64xf32, #tpu.memory_space<vmem>> -> memref<128x64xf32, #tpu.memory_space<vmem>>
    %dma_wait3A_244 = arith.constant 0 : i32
    %dma_wait3A_245 = tpu.memref_slice %arg9[%dma_wait3A_240, %dma_wait3A_244] : memref<4x128xi32, #tpu.memory_space<vmem>> -> memref<1x128xi32, #tpu.memory_space<vmem>>
    %dma_wait3A_246 = tpu.memref_squeeze %dma_wait3A_245 : memref<1x128xi32, #tpu.memory_space<vmem>> -> memref<128xi32, #tpu.memory_space<vmem>>
    %dma_wait3A_247 = arith.constant 0 : i32
    %dma_wait3A_248 = arith.constant 0 : i32
    %dma_wait3A_249 = tpu.memref_slice %arg4[%dma_wait3A_247, %dma_wait3A_248] : memref<1000000x64xf32, #tpu.memory_space<hbm>> -> memref<1000000x64xf32, #tpu.memory_space<hbm>>
    tpu.wait_indirect_dma semaphore(%arg16 : memref<!tpu.dma_semaphore, #tpu.memory_space<semaphore_mem>>) src(%dma_wait3A_249 : memref<1000000x64xf32, #tpu.memory_space<hbm>>) dst(%dma_wait3A_243 : memref<128x64xf32, #tpu.memory_space<vmem>>)
    %dma_wait3A_250 = arith.constant 2 : i32
    %dma_wait3A_251 = arith.constant 256 : i32
    %dma_wait3A_252 = arith.constant 0 : i32
    %dma_wait3A_253 = tpu.memref_slice %arg12[%dma_wait3A_251, %dma_wait3A_252] : memref<512x64xf32, #tpu.memory_space<vmem>> -> memref<128x64xf32, #tpu.memory_space<vmem>>
    %dma_wait3A_254 = arith.constant 0 : i32
    %dma_wait3A_255 = tpu.memref_slice %arg10[%dma_wait3A_250, %dma_wait3A_254] : memref<4x128xi32, #tpu.memory_space<vmem>> -> memref<1x128xi32, #tpu.memory_space<vmem>>
    %dma_wait3A_256 = tpu.memref_squeeze %dma_wait3A_255 : memref<1x128xi32, #tpu.memory_space<vmem>> -> memref<128xi32, #tpu.memory_space<vmem>>
    %dma_wait3A_257 = arith.constant 0 : i32
    %dma_wait3A_258 = arith.constant 0 : i32
    %dma_wait3A_259 = tpu.memref_slice %arg6[%dma_wait3A_257, %dma_wait3A_258] : memref<1000000x64xf32, #tpu.memory_space<hbm>> -> memref<1000000x64xf32, #tpu.memory_space<hbm>>
    tpu.wait_indirect_dma semaphore(%arg16 : memref<!tpu.dma_semaphore, #tpu.memory_space<semaphore_mem>>) src(%dma_wait3A_259 : memref<1000000x64xf32, #tpu.memory_space<hbm>>) dst(%dma_wait3A_253 : memref<128x64xf32, #tpu.memory_space<vmem>>)
    %dma_wait3A_260 = arith.constant 2 : i32
    %dma_wait3A_261 = arith.constant 256 : i32
    %dma_wait3A_262 = tpu.memref_slice %arg13[%dma_wait3A_261] : memref<512xf32, #tpu.memory_space<vmem>> -> memref<128xf32, #tpu.memory_space<vmem>>
    %dma_wait3A_263 = arith.constant 0 : i32
    %dma_wait3A_264 = tpu.memref_slice %arg9[%dma_wait3A_260, %dma_wait3A_263] : memref<4x128xi32, #tpu.memory_space<vmem>> -> memref<1x128xi32, #tpu.memory_space<vmem>>
    %dma_wait3A_265 = tpu.memref_squeeze %dma_wait3A_264 : memref<1x128xi32, #tpu.memory_space<vmem>> -> memref<128xi32, #tpu.memory_space<vmem>>
    %dma_wait3A_266 = arith.constant 0 : i32
    %dma_wait3A_267 = tpu.memref_slice %arg5[%dma_wait3A_266] : memref<1000000xf32, #tpu.memory_space<hbm>> -> memref<1000000xf32, #tpu.memory_space<hbm>>
    tpu.wait_indirect_dma semaphore(%arg16 : memref<!tpu.dma_semaphore, #tpu.memory_space<semaphore_mem>>) src(%dma_wait3A_267 : memref<1000000xf32, #tpu.memory_space<hbm>>) dst(%dma_wait3A_262 : memref<128xf32, #tpu.memory_space<vmem>>)
    %dma_wait3A_268 = arith.constant 2 : i32
    %dma_wait3A_269 = arith.constant 256 : i32
    %dma_wait3A_270 = tpu.memref_slice %arg14[%dma_wait3A_269] : memref<512xf32, #tpu.memory_space<vmem>> -> memref<128xf32, #tpu.memory_space<vmem>>
    %dma_wait3A_271 = arith.constant 0 : i32
    %dma_wait3A_272 = tpu.memref_slice %arg10[%dma_wait3A_268, %dma_wait3A_271] : memref<4x128xi32, #tpu.memory_space<vmem>> -> memref<1x128xi32, #tpu.memory_space<vmem>>
    %dma_wait3A_273 = tpu.memref_squeeze %dma_wait3A_272 : memref<1x128xi32, #tpu.memory_space<vmem>> -> memref<128xi32, #tpu.memory_space<vmem>>
    %dma_wait3A_274 = arith.constant 0 : i32
    %dma_wait3A_275 = tpu.memref_slice %arg7[%dma_wait3A_274] : memref<1000000xf32, #tpu.memory_space<hbm>> -> memref<1000000xf32, #tpu.memory_space<hbm>>
    tpu.wait_indirect_dma semaphore(%arg16 : memref<!tpu.dma_semaphore, #tpu.memory_space<semaphore_mem>>) src(%dma_wait3A_275 : memref<1000000xf32, #tpu.memory_space<hbm>>) dst(%dma_wait3A_270 : memref<128xf32, #tpu.memory_space<vmem>>)
    %dma_wait3A_276 = arith.constant 3 : i32
    %dma_wait3A_277 = arith.constant 384 : i32
    %dma_wait3A_278 = arith.constant 0 : i32
    %dma_wait3A_279 = tpu.memref_slice %arg11[%dma_wait3A_277, %dma_wait3A_278] : memref<512x64xf32, #tpu.memory_space<vmem>> -> memref<128x64xf32, #tpu.memory_space<vmem>>
    %dma_wait3A_280 = arith.constant 0 : i32
    %dma_wait3A_281 = tpu.memref_slice %arg9[%dma_wait3A_276, %dma_wait3A_280] : memref<4x128xi32, #tpu.memory_space<vmem>> -> memref<1x128xi32, #tpu.memory_space<vmem>>
    %dma_wait3A_282 = tpu.memref_squeeze %dma_wait3A_281 : memref<1x128xi32, #tpu.memory_space<vmem>> -> memref<128xi32, #tpu.memory_space<vmem>>
    %dma_wait3A_283 = arith.constant 0 : i32
    %dma_wait3A_284 = arith.constant 0 : i32
    %dma_wait3A_285 = tpu.memref_slice %arg4[%dma_wait3A_283, %dma_wait3A_284] : memref<1000000x64xf32, #tpu.memory_space<hbm>> -> memref<1000000x64xf32, #tpu.memory_space<hbm>>
    tpu.wait_indirect_dma semaphore(%arg16 : memref<!tpu.dma_semaphore, #tpu.memory_space<semaphore_mem>>) src(%dma_wait3A_285 : memref<1000000x64xf32, #tpu.memory_space<hbm>>) dst(%dma_wait3A_279 : memref<128x64xf32, #tpu.memory_space<vmem>>)
    %dma_wait3A_286 = arith.constant 3 : i32
    %dma_wait3A_287 = arith.constant 384 : i32
    %dma_wait3A_288 = arith.constant 0 : i32
    %dma_wait3A_289 = tpu.memref_slice %arg12[%dma_wait3A_287, %dma_wait3A_288] : memref<512x64xf32, #tpu.memory_space<vmem>> -> memref<128x64xf32, #tpu.memory_space<vmem>>
    %dma_wait3A_290 = arith.constant 0 : i32
    %dma_wait3A_291 = tpu.memref_slice %arg10[%dma_wait3A_286, %dma_wait3A_290] : memref<4x128xi32, #tpu.memory_space<vmem>> -> memref<1x128xi32, #tpu.memory_space<vmem>>
    %dma_wait3A_292 = tpu.memref_squeeze %dma_wait3A_291 : memref<1x128xi32, #tpu.memory_space<vmem>> -> memref<128xi32, #tpu.memory_space<vmem>>
    %dma_wait3A_293 = arith.constant 0 : i32
    %dma_wait3A_294 = arith.constant 0 : i32
    %dma_wait3A_295 = tpu.memref_slice %arg6[%dma_wait3A_293, %dma_wait3A_294] : memref<1000000x64xf32, #tpu.memory_space<hbm>> -> memref<1000000x64xf32, #tpu.memory_space<hbm>>
    tpu.wait_indirect_dma semaphore(%arg16 : memref<!tpu.dma_semaphore, #tpu.memory_space<semaphore_mem>>) src(%dma_wait3A_295 : memref<1000000x64xf32, #tpu.memory_space<hbm>>) dst(%dma_wait3A_289 : memref<128x64xf32, #tpu.memory_space<vmem>>)
    %dma_wait3A_296 = arith.constant 3 : i32
    %dma_wait3A_297 = arith.constant 384 : i32
    %dma_wait3A_298 = tpu.memref_slice %arg13[%dma_wait3A_297] : memref<512xf32, #tpu.memory_space<vmem>> -> memref<128xf32, #tpu.memory_space<vmem>>
    %dma_wait3A_299 = arith.constant 0 : i32
    %dma_wait3A_300 = tpu.memref_slice %arg9[%dma_wait3A_296, %dma_wait3A_299] : memref<4x128xi32, #tpu.memory_space<vmem>> -> memref<1x128xi32, #tpu.memory_space<vmem>>
    %dma_wait3A_301 = tpu.memref_squeeze %dma_wait3A_300 : memref<1x128xi32, #tpu.memory_space<vmem>> -> memref<128xi32, #tpu.memory_space<vmem>>
    %dma_wait3A_302 = arith.constant 0 : i32
    %dma_wait3A_303 = tpu.memref_slice %arg5[%dma_wait3A_302] : memref<1000000xf32, #tpu.memory_space<hbm>> -> memref<1000000xf32, #tpu.memory_space<hbm>>
    tpu.wait_indirect_dma semaphore(%arg16 : memref<!tpu.dma_semaphore, #tpu.memory_space<semaphore_mem>>) src(%dma_wait3A_303 : memref<1000000xf32, #tpu.memory_space<hbm>>) dst(%dma_wait3A_298 : memref<128xf32, #tpu.memory_space<vmem>>)
    %dma_wait3A_304 = arith.constant 3 : i32
    %dma_wait3A_305 = arith.constant 384 : i32
    %dma_wait3A_306 = tpu.memref_slice %arg14[%dma_wait3A_305] : memref<512xf32, #tpu.memory_space<vmem>> -> memref<128xf32, #tpu.memory_space<vmem>>
    %dma_wait3A_307 = arith.constant 0 : i32
    %dma_wait3A_308 = tpu.memref_slice %arg10[%dma_wait3A_304, %dma_wait3A_307] : memref<4x128xi32, #tpu.memory_space<vmem>> -> memref<1x128xi32, #tpu.memory_space<vmem>>
    %dma_wait3A_309 = tpu.memref_squeeze %dma_wait3A_308 : memref<1x128xi32, #tpu.memory_space<vmem>> -> memref<128xi32, #tpu.memory_space<vmem>>
    %dma_wait3A_310 = arith.constant 0 : i32
    %dma_wait3A_311 = tpu.memref_slice %arg7[%dma_wait3A_310] : memref<1000000xf32, #tpu.memory_space<hbm>> -> memref<1000000xf32, #tpu.memory_space<hbm>>
    tpu.wait_indirect_dma semaphore(%arg16 : memref<!tpu.dma_semaphore, #tpu.memory_space<semaphore_mem>>) src(%dma_wait3A_311 : memref<1000000xf32, #tpu.memory_space<hbm>>) dst(%dma_wait3A_306 : memref<128xf32, #tpu.memory_space<vmem>>)
    %iota3A = tpu.iota {dimensions = array<i32: 0>} : vector<16xi32>
    %xor3A = arith.constant 1 : i32
    %xor3A_312 = vector.broadcast %xor3A : i32 to vector<16xi32>
    %xor3A_313 = arith.xori %iota3A, %xor3A_312 : vector<16xi32>
    %xor3A_314 = arith.constant 2 : i32
    %xor3A_315 = vector.broadcast %xor3A_314 : i32 to vector<16xi32>
    %xor3A_316 = arith.xori %iota3A, %xor3A_315 : vector<16xi32>
    %xor3A_317 = arith.constant 4 : i32
    %xor3A_318 = vector.broadcast %xor3A_317 : i32 to vector<16xi32>
    %xor3A_319 = arith.xori %iota3A, %xor3A_318 : vector<16xi32>
    %xor3A_320 = arith.constant 8 : i32
    %xor3A_321 = vector.broadcast %xor3A_320 : i32 to vector<16xi32>
    %xor3A_322 = arith.xori %iota3A, %xor3A_321 : vector<16xi32>
    %scan3A = arith.constant 0 : i32
    %scan3A_323 = arith.constant 0 : i32
    %scan3A_324 = arith.constant 32 : i32
    %scan3A_325 = arith.addi %scan3A_323, %scan3A_324 : i32
    %scan3A_326 = arith.constant 1 : i32
    scf.for %scan3A_328 = %scan3A_323 to %scan3A_325 step %scan3A_326  : i32 {
      %mul3A_329 = arith.constant 16 : i32
      %mul3A_330 = arith.muli %scan3A_328, %mul3A_329 : i32
      %get3A = arith.index_cast %mul3A_330 : i32 to index
      %get3A_331 = tpu.vector_load %arg13[%get3A] {strides = array<i32>} : memref<512xf32, #tpu.memory_space<vmem>>, vector<16xf32>,
      %get3A_332 = vector.shape_cast %get3A_331 : vector<16xf32> to vector<16xf32>
      %mul3A_333 = arith.constant 16 : i32
      %mul3A_334 = arith.muli %scan3A_328, %mul3A_333 : i32
      %get3A_335 = arith.index_cast %mul3A_334 : i32 to index
      %get3A_336 = tpu.vector_load %arg14[%get3A_335] {strides = array<i32>} : memref<512xf32, #tpu.memory_space<vmem>>, vector<16xf32>,
      %get3A_337 = vector.shape_cast %get3A_336 : vector<16xf32> to vector<16xf32>
      %broadcast_in_dim3A = arith.constant 0.000000e+00 : f32
      %broadcast_in_dim3A_338 = vector.broadcast %broadcast_in_dim3A : f32 to vector<16xf32>
      %mul3A_339 = arith.constant 16 : i32
      %mul3A_340 = arith.muli %scan3A_328, %mul3A_339 : i32
      %add3A_341 = arith.constant 0 : i32
      %add3A_342 = arith.addi %mul3A_340, %add3A_341 : i32
      %slice3A = vector.extract_strided_slice %get3A_332 {offsets = [0], sizes = [1], strides = [1]} : vector<16xf32> to vector<1xf32>
      %squeeze3A = vector.extract %slice3A[0] : f32 from vector<1xf32>
      %slice3A_343 = vector.extract_strided_slice %get3A_337 {offsets = [0], sizes = [1], strides = [1]} : vector<16xf32> to vector<1xf32>
      %squeeze3A_344 = vector.extract %slice3A_343[0] : f32 from vector<1xf32>
      %broadcast_in_dim3A_345 = arith.constant 0.000000e+00 : f32
      %broadcast_in_dim3A_346 = vector.broadcast %broadcast_in_dim3A_345 : f32 to vector<16xf32>
      %get3A_347 = arith.index_cast %add3A_342 : i32 to index
      %get3A_348 = arith.constant 0 : index
      %get3A_349 = tpu.vector_load %arg11[%get3A_347, %get3A_348] {strides = array<i32>} : memref<512x64xf32, #tpu.memory_space<vmem>>, vector<1x16xf32>,
      %get3A_350 = vector.shape_cast %get3A_349 : vector<1x16xf32> to vector<16xf32>
      %add3A_351 = vector.broadcast %squeeze3A : f32 to vector<16xf32>
      %add3A_352 = arith.addf %get3A_350, %add3A_351 : vector<16xf32>
      %get3A_353 = arith.index_cast %add3A_342 : i32 to index
      %get3A_354 = arith.constant 0 : index
      %get3A_355 = tpu.vector_load %arg12[%get3A_353, %get3A_354] {strides = array<i32>} : memref<512x64xf32, #tpu.memory_space<vmem>>, vector<1x16xf32>,
      %get3A_356 = vector.shape_cast %get3A_355 : vector<1x16xf32> to vector<16xf32>
      %add3A_357 = vector.broadcast %squeeze3A_344 : f32 to vector<16xf32>
      %add3A_358 = arith.addf %get3A_356, %add3A_357 : vector<16xf32>
      %mul3A_359 = arith.mulf %add3A_352, %add3A_358 : vector<16xf32>
      %add3A_360 = arith.addf %broadcast_in_dim3A_346, %mul3A_359 : vector<16xf32>
      %get3A_361 = arith.index_cast %add3A_342 : i32 to index
      %get3A_362 = arith.constant 16 : index
      %get3A_363 = tpu.vector_load %arg11[%get3A_361, %get3A_362] {strides = array<i32>} : memref<512x64xf32, #tpu.memory_space<vmem>>, vector<1x16xf32>,
      %get3A_364 = vector.shape_cast %get3A_363 : vector<1x16xf32> to vector<16xf32>
      %add3A_365 = vector.broadcast %squeeze3A : f32 to vector<16xf32>
      %add3A_366 = arith.addf %get3A_364, %add3A_365 : vector<16xf32>
      %get3A_367 = arith.index_cast %add3A_342 : i32 to index
      %get3A_368 = arith.constant 16 : index
      %get3A_369 = tpu.vector_load %arg12[%get3A_367, %get3A_368] {strides = array<i32>} : memref<512x64xf32, #tpu.memory_space<vmem>>, vector<1x16xf32>,
      %get3A_370 = vector.shape_cast %get3A_369 : vector<1x16xf32> to vector<16xf32>
      %add3A_371 = vector.broadcast %squeeze3A_344 : f32 to vector<16xf32>
      %add3A_372 = arith.addf %get3A_370, %add3A_371 : vector<16xf32>
      %mul3A_373 = arith.mulf %add3A_366, %add3A_372 : vector<16xf32>
      %add3A_374 = arith.addf %add3A_360, %mul3A_373 : vector<16xf32>
      %get3A_375 = arith.index_cast %add3A_342 : i32 to index
      %get3A_376 = arith.constant 32 : index
      %get3A_377 = tpu.vector_load %arg11[%get3A_375, %get3A_376] {strides = array<i32>} : memref<512x64xf32, #tpu.memory_space<vmem>>, vector<1x16xf32>,
      %get3A_378 = vector.shape_cast %get3A_377 : vector<1x16xf32> to vector<16xf32>
      %add3A_379 = vector.broadcast %squeeze3A : f32 to vector<16xf32>
      %add3A_380 = arith.addf %get3A_378, %add3A_379 : vector<16xf32>
      %get3A_381 = arith.index_cast %add3A_342 : i32 to index
      %get3A_382 = arith.constant 32 : index
      %get3A_383 = tpu.vector_load %arg12[%get3A_381, %get3A_382] {strides = array<i32>} : memref<512x64xf32, #tpu.memory_space<vmem>>, vector<1x16xf32>,
      %get3A_384 = vector.shape_cast %get3A_383 : vector<1x16xf32> to vector<16xf32>
      %add3A_385 = vector.broadcast %squeeze3A_344 : f32 to vector<16xf32>
      %add3A_386 = arith.addf %get3A_384, %add3A_385 : vector<16xf32>
      %mul3A_387 = arith.mulf %add3A_380, %add3A_386 : vector<16xf32>
      %add3A_388 = arith.addf %add3A_374, %mul3A_387 : vector<16xf32>
      %get3A_389 = arith.index_cast %add3A_342 : i32 to index
      %get3A_390 = arith.constant 48 : index
      %get3A_391 = tpu.vector_load %arg11[%get3A_389, %get3A_390] {strides = array<i32>} : memref<512x64xf32, #tpu.memory_space<vmem>>, vector<1x16xf32>,
      %get3A_392 = vector.shape_cast %get3A_391 : vector<1x16xf32> to vector<16xf32>
      %add3A_393 = vector.broadcast %squeeze3A : f32 to vector<16xf32>
      %add3A_394 = arith.addf %get3A_392, %add3A_393 : vector<16xf32>
      %get3A_395 = arith.index_cast %add3A_342 : i32 to index
      %get3A_396 = arith.constant 48 : index
      %get3A_397 = tpu.vector_load %arg12[%get3A_395, %get3A_396] {strides = array<i32>} : memref<512x64xf32, #tpu.memory_space<vmem>>, vector<1x16xf32>,
      %get3A_398 = vector.shape_cast %get3A_397 : vector<1x16xf32> to vector<16xf32>
      %add3A_399 = vector.broadcast %squeeze3A_344 : f32 to vector<16xf32>
      %add3A_400 = arith.addf %get3A_398, %add3A_399 : vector<16xf32>
      %mul3A_401 = arith.mulf %add3A_394, %add3A_400 : vector<16xf32>
      %add3A_402 = arith.addf %add3A_388, %mul3A_401 : vector<16xf32>
      %eq3A = arith.constant 0 : i32
      %eq3A_403 = vector.broadcast %eq3A : i32 to vector<16xi32>
      %eq3A_404 = arith.cmpi eq, %iota3A, %eq3A_403 : vector<16xi32>
      %broadcast_in_dim3A_405 = vector.shape_cast %xor3A_313 : vector<16xi32> to vector<16x1xi32>
      %gather3A = vector.shape_cast %broadcast_in_dim3A_405 : vector<16x1xi32> to vector<16xi32>
      %gather3A_406 = tpu.dynamic_gather %add3A_402[%gather3A] in [0] : vector<16xf32>, vector<16xi32> -> vector<16xf32>
      %add3A_407 = arith.addf %add3A_402, %gather3A_406 : vector<16xf32>
      %broadcast_in_dim3A_408 = vector.shape_cast %xor3A_316 : vector<16xi32> to vector<16x1xi32>
      %gather3A_409 = vector.shape_cast %broadcast_in_dim3A_408 : vector<16x1xi32> to vector<16xi32>
      %gather3A_410 = tpu.dynamic_gather %add3A_407[%gather3A_409] in [0] : vector<16xf32>, vector<16xi32> -> vector<16xf32>
      %add3A_411 = arith.addf %add3A_407, %gather3A_410 : vector<16xf32>
      %broadcast_in_dim3A_412 = vector.shape_cast %xor3A_319 : vector<16xi32> to vector<16x1xi32>
      %gather3A_413 = vector.shape_cast %broadcast_in_dim3A_412 : vector<16x1xi32> to vector<16xi32>
      %gather3A_414 = tpu.dynamic_gather %add3A_411[%gather3A_413] in [0] : vector<16xf32>, vector<16xi32> -> vector<16xf32>
      %add3A_415 = arith.addf %add3A_411, %gather3A_414 : vector<16xf32>
      %broadcast_in_dim3A_416 = vector.shape_cast %xor3A_322 : vector<16xi32> to vector<16x1xi32>
      %gather3A_417 = vector.shape_cast %broadcast_in_dim3A_416 : vector<16x1xi32> to vector<16xi32>
      %gather3A_418 = tpu.dynamic_gather %add3A_415[%gather3A_417] in [0] : vector<16xf32>, vector<16xi32> -> vector<16xf32>
      %add3A_419 = arith.addf %add3A_415, %gather3A_418 : vector<16xf32>
      %select_n3A = arith.select %eq3A_404, %add3A_419, %broadcast_in_dim3A_338 : vector<16xi1>, vector<16xf32>
      %mul3A_420 = arith.constant 16 : i32
      %mul3A_421 = arith.muli %scan3A_328, %mul3A_420 : i32
      %add3A_422 = arith.constant 1 : i32
      %add3A_423 = arith.addi %mul3A_421, %add3A_422 : i32
      %slice3A_424 = vector.extract_strided_slice %get3A_332 {offsets = [1], sizes = [1], strides = [1]} : vector<16xf32> to vector<1xf32>
      %squeeze3A_425 = vector.extract %slice3A_424[0] : f32 from vector<1xf32>
      %slice3A_426 = vector.extract_strided_slice %get3A_337 {offsets = [1], sizes = [1], strides = [1]} : vector<16xf32> to vector<1xf32>
      %squeeze3A_427 = vector.extract %slice3A_426[0] : f32 from vector<1xf32>
      %broadcast_in_dim3A_428 = arith.constant 0.000000e+00 : f32
      %broadcast_in_dim3A_429 = vector.broadcast %broadcast_in_dim3A_428 : f32 to vector<16xf32>
      %get3A_430 = arith.index_cast %add3A_423 : i32 to index
      %get3A_431 = arith.constant 0 : index
      %get3A_432 = tpu.vector_load %arg11[%get3A_430, %get3A_431] {strides = array<i32>} : memref<512x64xf32, #tpu.memory_space<vmem>>, vector<1x16xf32>,
      %get3A_433 = vector.shape_cast %get3A_432 : vector<1x16xf32> to vector<16xf32>
      %add3A_434 = vector.broadcast %squeeze3A_425 : f32 to vector<16xf32>
      %add3A_435 = arith.addf %get3A_433, %add3A_434 : vector<16xf32>
      %get3A_436 = arith.index_cast %add3A_423 : i32 to index
      %get3A_437 = arith.constant 0 : index
      %get3A_438 = tpu.vector_load %arg12[%get3A_436, %get3A_437] {strides = array<i32>} : memref<512x64xf32, #tpu.memory_space<vmem>>, vector<1x16xf32>,
      %get3A_439 = vector.shape_cast %get3A_438 : vector<1x16xf32> to vector<16xf32>
      %add3A_440 = vector.broadcast %squeeze3A_427 : f32 to vector<16xf32>
      %add3A_441 = arith.addf %get3A_439, %add3A_440 : vector<16xf32>
      %mul3A_442 = arith.mulf %add3A_435, %add3A_441 : vector<16xf32>
      %add3A_443 = arith.addf %broadcast_in_dim3A_429, %mul3A_442 : vector<16xf32>
      %get3A_444 = arith.index_cast %add3A_423 : i32 to index
      %get3A_445 = arith.constant 16 : index
      %get3A_446 = tpu.vector_load %arg11[%get3A_444, %get3A_445] {strides = array<i32>} : memref<512x64xf32, #tpu.memory_space<vmem>>, vector<1x16xf32>,
      %get3A_447 = vector.shape_cast %get3A_446 : vector<1x16xf32> to vector<16xf32>
      %add3A_448 = vector.broadcast %squeeze3A_425 : f32 to vector<16xf32>
      %add3A_449 = arith.addf %get3A_447, %add3A_448 : vector<16xf32>
      %get3A_450 = arith.index_cast %add3A_423 : i32 to index
      %get3A_451 = arith.constant 16 : index
      %get3A_452 = tpu.vector_load %arg12[%get3A_450, %get3A_451] {strides = array<i32>} : memref<512x64xf32, #tpu.memory_space<vmem>>, vector<1x16xf32>,
      %get3A_453 = vector.shape_cast %get3A_452 : vector<1x16xf32> to vector<16xf32>
      %add3A_454 = vector.broadcast %squeeze3A_427 : f32 to vector<16xf32>
      %add3A_455 = arith.addf %get3A_453, %add3A_454 : vector<16xf32>
      %mul3A_456 = arith.mulf %add3A_449, %add3A_455 : vector<16xf32>
      %add3A_457 = arith.addf %add3A_443, %mul3A_456 : vector<16xf32>
      %get3A_458 = arith.index_cast %add3A_423 : i32 to index
      %get3A_459 = arith.constant 32 : index
      %get3A_460 = tpu.vector_load %arg11[%get3A_458, %get3A_459] {strides = array<i32>} : memref<512x64xf32, #tpu.memory_space<vmem>>, vector<1x16xf32>,
      %get3A_461 = vector.shape_cast %get3A_460 : vector<1x16xf32> to vector<16xf32>
      %add3A_462 = vector.broadcast %squeeze3A_425 : f32 to vector<16xf32>
      %add3A_463 = arith.addf %get3A_461, %add3A_462 : vector<16xf32>
      %get3A_464 = arith.index_cast %add3A_423 : i32 to index
      %get3A_465 = arith.constant 32 : index
      %get3A_466 = tpu.vector_load %arg12[%get3A_464, %get3A_465] {strides = array<i32>} : memref<512x64xf32, #tpu.memory_space<vmem>>, vector<1x16xf32>,
      %get3A_467 = vector.shape_cast %get3A_466 : vector<1x16xf32> to vector<16xf32>
      %add3A_468 = vector.broadcast %squeeze3A_427 : f32 to vector<16xf32>
      %add3A_469 = arith.addf %get3A_467, %add3A_468 : vector<16xf32>
      %mul3A_470 = arith.mulf %add3A_463, %add3A_469 : vector<16xf32>
      %add3A_471 = arith.addf %add3A_457, %mul3A_470 : vector<16xf32>
      %get3A_472 = arith.index_cast %add3A_423 : i32 to index
      %get3A_473 = arith.constant 48 : index
      %get3A_474 = tpu.vector_load %arg11[%get3A_472, %get3A_473] {strides = array<i32>} : memref<512x64xf32, #tpu.memory_space<vmem>>, vector<1x16xf32>,
      %get3A_475 = vector.shape_cast %get3A_474 : vector<1x16xf32> to vector<16xf32>
      %add3A_476 = vector.broadcast %squeeze3A_425 : f32 to vector<16xf32>
      %add3A_477 = arith.addf %get3A_475, %add3A_476 : vector<16xf32>
      %get3A_478 = arith.index_cast %add3A_423 : i32 to index
      %get3A_479 = arith.constant 48 : index
      %get3A_480 = tpu.vector_load %arg12[%get3A_478, %get3A_479] {strides = array<i32>} : memref<512x64xf32, #tpu.memory_space<vmem>>, vector<1x16xf32>,
      %get3A_481 = vector.shape_cast %get3A_480 : vector<1x16xf32> to vector<16xf32>
      %add3A_482 = vector.broadcast %squeeze3A_427 : f32 to vector<16xf32>
      %add3A_483 = arith.addf %get3A_481, %add3A_482 : vector<16xf32>
      %mul3A_484 = arith.mulf %add3A_477, %add3A_483 : vector<16xf32>
      %add3A_485 = arith.addf %add3A_471, %mul3A_484 : vector<16xf32>
      %eq3A_486 = arith.constant 1 : i32
      %eq3A_487 = vector.broadcast %eq3A_486 : i32 to vector<16xi32>
      %eq3A_488 = arith.cmpi eq, %iota3A, %eq3A_487 : vector<16xi32>
      %broadcast_in_dim3A_489 = vector.shape_cast %xor3A_313 : vector<16xi32> to vector<16x1xi32>
      %gather3A_490 = vector.shape_cast %broadcast_in_dim3A_489 : vector<16x1xi32> to vector<16xi32>
      %gather3A_491 = tpu.dynamic_gather %add3A_485[%gather3A_490] in [0] : vector<16xf32>, vector<16xi32> -> vector<16xf32>
      %add3A_492 = arith.addf %add3A_485, %gather3A_491 : vector<16xf32>
      %broadcast_in_dim3A_493 = vector.shape_cast %xor3A_316 : vector<16xi32> to vector<16x1xi32>
      %gather3A_494 = vector.shape_cast %broadcast_in_dim3A_493 : vector<16x1xi32> to vector<16xi32>
      %gather3A_495 = tpu.dynamic_gather %add3A_492[%gather3A_494] in [0] : vector<16xf32>, vector<16xi32> -> vector<16xf32>
      %add3A_496 = arith.addf %add3A_492, %gather3A_495 : vector<16xf32>
      %broadcast_in_dim3A_497 = vector.shape_cast %xor3A_319 : vector<16xi32> to vector<16x1xi32>
      %gather3A_498 = vector.shape_cast %broadcast_in_dim3A_497 : vector<16x1xi32> to vector<16xi32>
      %gather3A_499 = tpu.dynamic_gather %add3A_496[%gather3A_498] in [0] : vector<16xf32>, vector<16xi32> -> vector<16xf32>
      %add3A_500 = arith.addf %add3A_496, %gather3A_499 : vector<16xf32>
      %broadcast_in_dim3A_501 = vector.shape_cast %xor3A_322 : vector<16xi32> to vector<16x1xi32>
      %gather3A_502 = vector.shape_cast %broadcast_in_dim3A_501 : vector<16x1xi32> to vector<16xi32>
      %gather3A_503 = tpu.dynamic_gather %add3A_500[%gather3A_502] in [0] : vector<16xf32>, vector<16xi32> -> vector<16xf32>
      %add3A_504 = arith.addf %add3A_500, %gather3A_503 : vector<16xf32>
      %select_n3A_505 = arith.select %eq3A_488, %add3A_504, %select_n3A : vector<16xi1>, vector<16xf32>
      %mul3A_506 = arith.constant 16 : i32
      %mul3A_507 = arith.muli %scan3A_328, %mul3A_506 : i32
      %add3A_508 = arith.constant 2 : i32
      %add3A_509 = arith.addi %mul3A_507, %add3A_508 : i32
      %slice3A_510 = vector.extract_strided_slice %get3A_332 {offsets = [2], sizes = [1], strides = [1]} : vector<16xf32> to vector<1xf32>
      %squeeze3A_511 = vector.extract %slice3A_510[0] : f32 from vector<1xf32>
      %slice3A_512 = vector.extract_strided_slice %get3A_337 {offsets = [2], sizes = [1], strides = [1]} : vector<16xf32> to vector<1xf32>
      %squeeze3A_513 = vector.extract %slice3A_512[0] : f32 from vector<1xf32>
      %broadcast_in_dim3A_514 = arith.constant 0.000000e+00 : f32
      %broadcast_in_dim3A_515 = vector.broadcast %broadcast_in_dim3A_514 : f32 to vector<16xf32>
      %get3A_516 = arith.index_cast %add3A_509 : i32 to index
      %get3A_517 = arith.constant 0 : index
      %get3A_518 = tpu.vector_load %arg11[%get3A_516, %get3A_517] {strides = array<i32>} : memref<512x64xf32, #tpu.memory_space<vmem>>, vector<1x16xf32>,
      %get3A_519 = vector.shape_cast %get3A_518 : vector<1x16xf32> to vector<16xf32>
      %add3A_520 = vector.broadcast %squeeze3A_511 : f32 to vector<16xf32>
      %add3A_521 = arith.addf %get3A_519, %add3A_520 : vector<16xf32>
      %get3A_522 = arith.index_cast %add3A_509 : i32 to index
      %get3A_523 = arith.constant 0 : index
      %get3A_524 = tpu.vector_load %arg12[%get3A_522, %get3A_523] {strides = array<i32>} : memref<512x64xf32, #tpu.memory_space<vmem>>, vector<1x16xf32>,
      %get3A_525 = vector.shape_cast %get3A_524 : vector<1x16xf32> to vector<16xf32>
      %add3A_526 = vector.broadcast %squeeze3A_513 : f32 to vector<16xf32>
      %add3A_527 = arith.addf %get3A_525, %add3A_526 : vector<16xf32>
      %mul3A_528 = arith.mulf %add3A_521, %add3A_527 : vector<16xf32>
      %add3A_529 = arith.addf %broadcast_in_dim3A_515, %mul3A_528 : vector<16xf32>
      %get3A_530 = arith.index_cast %add3A_509 : i32 to index
      %get3A_531 = arith.constant 16 : index
      %get3A_532 = tpu.vector_load %arg11[%get3A_530, %get3A_531] {strides = array<i32>} : memref<512x64xf32, #tpu.memory_space<vmem>>, vector<1x16xf32>,
      %get3A_533 = vector.shape_cast %get3A_532 : vector<1x16xf32> to vector<16xf32>
      %add3A_534 = vector.broadcast %squeeze3A_511 : f32 to vector<16xf32>
      %add3A_535 = arith.addf %get3A_533, %add3A_534 : vector<16xf32>
      %get3A_536 = arith.index_cast %add3A_509 : i32 to index
      %get3A_537 = arith.constant 16 : index
      %get3A_538 = tpu.vector_load %arg12[%get3A_536, %get3A_537] {strides = array<i32>} : memref<512x64xf32, #tpu.memory_space<vmem>>, vector<1x16xf32>,
      %get3A_539 = vector.shape_cast %get3A_538 : vector<1x16xf32> to vector<16xf32>
      %add3A_540 = vector.broadcast %squeeze3A_513 : f32 to vector<16xf32>
      %add3A_541 = arith.addf %get3A_539, %add3A_540 : vector<16xf32>
      %mul3A_542 = arith.mulf %add3A_535, %add3A_541 : vector<16xf32>
      %add3A_543 = arith.addf %add3A_529, %mul3A_542 : vector<16xf32>
      %get3A_544 = arith.index_cast %add3A_509 : i32 to index
      %get3A_545 = arith.constant 32 : index
      %get3A_546 = tpu.vector_load %arg11[%get3A_544, %get3A_545] {strides = array<i32>} : memref<512x64xf32, #tpu.memory_space<vmem>>, vector<1x16xf32>,
      %get3A_547 = vector.shape_cast %get3A_546 : vector<1x16xf32> to vector<16xf32>
      %add3A_548 = vector.broadcast %squeeze3A_511 : f32 to vector<16xf32>
      %add3A_549 = arith.addf %get3A_547, %add3A_548 : vector<16xf32>
      %get3A_550 = arith.index_cast %add3A_509 : i32 to index
      %get3A_551 = arith.constant 32 : index
      %get3A_552 = tpu.vector_load %arg12[%get3A_550, %get3A_551] {strides = array<i32>} : memref<512x64xf32, #tpu.memory_space<vmem>>, vector<1x16xf32>,
      %get3A_553 = vector.shape_cast %get3A_552 : vector<1x16xf32> to vector<16xf32>
      %add3A_554 = vector.broadcast %squeeze3A_513 : f32 to vector<16xf32>
      %add3A_555 = arith.addf %get3A_553, %add3A_554 : vector<16xf32>
      %mul3A_556 = arith.mulf %add3A_549, %add3A_555 : vector<16xf32>
      %add3A_557 = arith.addf %add3A_543, %mul3A_556 : vector<16xf32>
      %get3A_558 = arith.index_cast %add3A_509 : i32 to index
      %get3A_559 = arith.constant 48 : index
      %get3A_560 = tpu.vector_load %arg11[%get3A_558, %get3A_559] {strides = array<i32>} : memref<512x64xf32, #tpu.memory_space<vmem>>, vector<1x16xf32>,
      %get3A_561 = vector.shape_cast %get3A_560 : vector<1x16xf32> to vector<16xf32>
      %add3A_562 = vector.broadcast %squeeze3A_511 : f32 to vector<16xf32>
      %add3A_563 = arith.addf %get3A_561, %add3A_562 : vector<16xf32>
      %get3A_564 = arith.index_cast %add3A_509 : i32 to index
      %get3A_565 = arith.constant 48 : index
      %get3A_566 = tpu.vector_load %arg12[%get3A_564, %get3A_565] {strides = array<i32>} : memref<512x64xf32, #tpu.memory_space<vmem>>, vector<1x16xf32>,
      %get3A_567 = vector.shape_cast %get3A_566 : vector<1x16xf32> to vector<16xf32>
      %add3A_568 = vector.broadcast %squeeze3A_513 : f32 to vector<16xf32>
      %add3A_569 = arith.addf %get3A_567, %add3A_568 : vector<16xf32>
      %mul3A_570 = arith.mulf %add3A_563, %add3A_569 : vector<16xf32>
      %add3A_571 = arith.addf %add3A_557, %mul3A_570 : vector<16xf32>
      %eq3A_572 = arith.constant 2 : i32
      %eq3A_573 = vector.broadcast %eq3A_572 : i32 to vector<16xi32>
      %eq3A_574 = arith.cmpi eq, %iota3A, %eq3A_573 : vector<16xi32>
      %broadcast_in_dim3A_575 = vector.shape_cast %xor3A_313 : vector<16xi32> to vector<16x1xi32>
      %gather3A_576 = vector.shape_cast %broadcast_in_dim3A_575 : vector<16x1xi32> to vector<16xi32>
      %gather3A_577 = tpu.dynamic_gather %add3A_571[%gather3A_576] in [0] : vector<16xf32>, vector<16xi32> -> vector<16xf32>
      %add3A_578 = arith.addf %add3A_571, %gather3A_577 : vector<16xf32>
      %broadcast_in_dim3A_579 = vector.shape_cast %xor3A_316 : vector<16xi32> to vector<16x1xi32>
      %gather3A_580 = vector.shape_cast %broadcast_in_dim3A_579 : vector<16x1xi32> to vector<16xi32>
      %gather3A_581 = tpu.dynamic_gather %add3A_578[%gather3A_580] in [0] : vector<16xf32>, vector<16xi32> -> vector<16xf32>
      %add3A_582 = arith.addf %add3A_578, %gather3A_581 : vector<16xf32>
      %broadcast_in_dim3A_583 = vector.shape_cast %xor3A_319 : vector<16xi32> to vector<16x1xi32>
      %gather3A_584 = vector.shape_cast %broadcast_in_dim3A_583 : vector<16x1xi32> to vector<16xi32>
      %gather3A_585 = tpu.dynamic_gather %add3A_582[%gather3A_584] in [0] : vector<16xf32>, vector<16xi32> -> vector<16xf32>
      %add3A_586 = arith.addf %add3A_582, %gather3A_585 : vector<16xf32>
      %broadcast_in_dim3A_587 = vector.shape_cast %xor3A_322 : vector<16xi32> to vector<16x1xi32>
      %gather3A_588 = vector.shape_cast %broadcast_in_dim3A_587 : vector<16x1xi32> to vector<16xi32>
      %gather3A_589 = tpu.dynamic_gather %add3A_586[%gather3A_588] in [0] : vector<16xf32>, vector<16xi32> -> vector<16xf32>
      %add3A_590 = arith.addf %add3A_586, %gather3A_589 : vector<16xf32>
      %select_n3A_591 = arith.select %eq3A_574, %add3A_590, %select_n3A_505 : vector<16xi1>, vector<16xf32>
      %mul3A_592 = arith.constant 16 : i32
      %mul3A_593 = arith.muli %scan3A_328, %mul3A_592 : i32
      %add3A_594 = arith.constant 3 : i32
      %add3A_595 = arith.addi %mul3A_593, %add3A_594 : i32
      %slice3A_596 = vector.extract_strided_slice %get3A_332 {offsets = [3], sizes = [1], strides = [1]} : vector<16xf32> to vector<1xf32>
      %squeeze3A_597 = vector.extract %slice3A_596[0] : f32 from vector<1xf32>
      %slice3A_598 = vector.extract_strided_slice %get3A_337 {offsets = [3], sizes = [1], strides = [1]} : vector<16xf32> to vector<1xf32>
      %squeeze3A_599 = vector.extract %slice3A_598[0] : f32 from vector<1xf32>
      %broadcast_in_dim3A_600 = arith.constant 0.000000e+00 : f32
      %broadcast_in_dim3A_601 = vector.broadcast %broadcast_in_dim3A_600 : f32 to vector<16xf32>
      %get3A_602 = arith.index_cast %add3A_595 : i32 to index
      %get3A_603 = arith.constant 0 : index
      %get3A_604 = tpu.vector_load %arg11[%get3A_602, %get3A_603] {strides = array<i32>} : memref<512x64xf32, #tpu.memory_space<vmem>>, vector<1x16xf32>,
      %get3A_605 = vector.shape_cast %get3A_604 : vector<1x16xf32> to vector<16xf32>
      %add3A_606 = vector.broadcast %squeeze3A_597 : f32 to vector<16xf32>
      %add3A_607 = arith.addf %get3A_605, %add3A_606 : vector<16xf32>
      %get3A_608 = arith.index_cast %add3A_595 : i32 to index
      %get3A_609 = arith.constant 0 : index
      %get3A_610 = tpu.vector_load %arg12[%get3A_608, %get3A_609] {strides = array<i32>} : memref<512x64xf32, #tpu.memory_space<vmem>>, vector<1x16xf32>,
      %get3A_611 = vector.shape_cast %get3A_610 : vector<1x16xf32> to vector<16xf32>
      %add3A_612 = vector.broadcast %squeeze3A_599 : f32 to vector<16xf32>
      %add3A_613 = arith.addf %get3A_611, %add3A_612 : vector<16xf32>
      %mul3A_614 = arith.mulf %add3A_607, %add3A_613 : vector<16xf32>
      %add3A_615 = arith.addf %broadcast_in_dim3A_601, %mul3A_614 : vector<16xf32>
      %get3A_616 = arith.index_cast %add3A_595 : i32 to index
      %get3A_617 = arith.constant 16 : index
      %get3A_618 = tpu.vector_load %arg11[%get3A_616, %get3A_617] {strides = array<i32>} : memref<512x64xf32, #tpu.memory_space<vmem>>, vector<1x16xf32>,
      %get3A_619 = vector.shape_cast %get3A_618 : vector<1x16xf32> to vector<16xf32>
      %add3A_620 = vector.broadcast %squeeze3A_597 : f32 to vector<16xf32>
      %add3A_621 = arith.addf %get3A_619, %add3A_620 : vector<16xf32>
      %get3A_622 = arith.index_cast %add3A_595 : i32 to index
      %get3A_623 = arith.constant 16 : index
      %get3A_624 = tpu.vector_load %arg12[%get3A_622, %get3A_623] {strides = array<i32>} : memref<512x64xf32, #tpu.memory_space<vmem>>, vector<1x16xf32>,
      %get3A_625 = vector.shape_cast %get3A_624 : vector<1x16xf32> to vector<16xf32>
      %add3A_626 = vector.broadcast %squeeze3A_599 : f32 to vector<16xf32>
      %add3A_627 = arith.addf %get3A_625, %add3A_626 : vector<16xf32>
      %mul3A_628 = arith.mulf %add3A_621, %add3A_627 : vector<16xf32>
      %add3A_629 = arith.addf %add3A_615, %mul3A_628 : vector<16xf32>
      %get3A_630 = arith.index_cast %add3A_595 : i32 to index
      %get3A_631 = arith.constant 32 : index
      %get3A_632 = tpu.vector_load %arg11[%get3A_630, %get3A_631] {strides = array<i32>} : memref<512x64xf32, #tpu.memory_space<vmem>>, vector<1x16xf32>,
      %get3A_633 = vector.shape_cast %get3A_632 : vector<1x16xf32> to vector<16xf32>
      %add3A_634 = vector.broadcast %squeeze3A_597 : f32 to vector<16xf32>
      %add3A_635 = arith.addf %get3A_633, %add3A_634 : vector<16xf32>
      %get3A_636 = arith.index_cast %add3A_595 : i32 to index
      %get3A_637 = arith.constant 32 : index
      %get3A_638 = tpu.vector_load %arg12[%get3A_636, %get3A_637] {strides = array<i32>} : memref<512x64xf32, #tpu.memory_space<vmem>>, vector<1x16xf32>,
      %get3A_639 = vector.shape_cast %get3A_638 : vector<1x16xf32> to vector<16xf32>
      %add3A_640 = vector.broadcast %squeeze3A_599 : f32 to vector<16xf32>
      %add3A_641 = arith.addf %get3A_639, %add3A_640 : vector<16xf32>
      %mul3A_642 = arith.mulf %add3A_635, %add3A_641 : vector<16xf32>
      %add3A_643 = arith.addf %add3A_629, %mul3A_642 : vector<16xf32>
      %get3A_644 = arith.index_cast %add3A_595 : i32 to index
      %get3A_645 = arith.constant 48 : index
      %get3A_646 = tpu.vector_load %arg11[%get3A_644, %get3A_645] {strides = array<i32>} : memref<512x64xf32, #tpu.memory_space<vmem>>, vector<1x16xf32>,
      %get3A_647 = vector.shape_cast %get3A_646 : vector<1x16xf32> to vector<16xf32>
      %add3A_648 = vector.broadcast %squeeze3A_597 : f32 to vector<16xf32>
      %add3A_649 = arith.addf %get3A_647, %add3A_648 : vector<16xf32>
      %get3A_650 = arith.index_cast %add3A_595 : i32 to index
      %get3A_651 = arith.constant 48 : index
      %get3A_652 = tpu.vector_load %arg12[%get3A_650, %get3A_651] {strides = array<i32>} : memref<512x64xf32, #tpu.memory_space<vmem>>, vector<1x16xf32>,
      %get3A_653 = vector.shape_cast %get3A_652 : vector<1x16xf32> to vector<16xf32>
      %add3A_654 = vector.broadcast %squeeze3A_599 : f32 to vector<16xf32>
      %add3A_655 = arith.addf %get3A_653, %add3A_654 : vector<16xf32>
      %mul3A_656 = arith.mulf %add3A_649, %add3A_655 : vector<16xf32>
      %add3A_657 = arith.addf %add3A_643, %mul3A_656 : vector<16xf32>
      %eq3A_658 = arith.constant 3 : i32
      %eq3A_659 = vector.broadcast %eq3A_658 : i32 to vector<16xi32>
      %eq3A_660 = arith.cmpi eq, %iota3A, %eq3A_659 : vector<16xi32>
      %broadcast_in_dim3A_661 = vector.shape_cast %xor3A_313 : vector<16xi32> to vector<16x1xi32>
      %gather3A_662 = vector.shape_cast %broadcast_in_dim3A_661 : vector<16x1xi32> to vector<16xi32>
      %gather3A_663 = tpu.dynamic_gather %add3A_657[%gather3A_662] in [0] : vector<16xf32>, vector<16xi32> -> vector<16xf32>
      %add3A_664 = arith.addf %add3A_657, %gather3A_663 : vector<16xf32>
      %broadcast_in_dim3A_665 = vector.shape_cast %xor3A_316 : vector<16xi32> to vector<16x1xi32>
      %gather3A_666 = vector.shape_cast %broadcast_in_dim3A_665 : vector<16x1xi32> to vector<16xi32>
      %gather3A_667 = tpu.dynamic_gather %add3A_664[%gather3A_666] in [0] : vector<16xf32>, vector<16xi32> -> vector<16xf32>
      %add3A_668 = arith.addf %add3A_664, %gather3A_667 : vector<16xf32>
      %broadcast_in_dim3A_669 = vector.shape_cast %xor3A_319 : vector<16xi32> to vector<16x1xi32>
      %gather3A_670 = vector.shape_cast %broadcast_in_dim3A_669 : vector<16x1xi32> to vector<16xi32>
      %gather3A_671 = tpu.dynamic_gather %add3A_668[%gather3A_670] in [0] : vector<16xf32>, vector<16xi32> -> vector<16xf32>
      %add3A_672 = arith.addf %add3A_668, %gather3A_671 : vector<16xf32>
      %broadcast_in_dim3A_673 = vector.shape_cast %xor3A_322 : vector<16xi32> to vector<16x1xi32>
      %gather3A_674 = vector.shape_cast %broadcast_in_dim3A_673 : vector<16x1xi32> to vector<16xi32>
      %gather3A_675 = tpu.dynamic_gather %add3A_672[%gather3A_674] in [0] : vector<16xf32>, vector<16xi32> -> vector<16xf32>
      %add3A_676 = arith.addf %add3A_672, %gather3A_675 : vector<16xf32>
      %select_n3A_677 = arith.select %eq3A_660, %add3A_676, %select_n3A_591 : vector<16xi1>, vector<16xf32>
      %mul3A_678 = arith.constant 16 : i32
      %mul3A_679 = arith.muli %scan3A_328, %mul3A_678 : i32
      %add3A_680 = arith.constant 4 : i32
      %add3A_681 = arith.addi %mul3A_679, %add3A_680 : i32
      %slice3A_682 = vector.extract_strided_slice %get3A_332 {offsets = [4], sizes = [1], strides = [1]} : vector<16xf32> to vector<1xf32>
      %squeeze3A_683 = vector.extract %slice3A_682[0] : f32 from vector<1xf32>
      %slice3A_684 = vector.extract_strided_slice %get3A_337 {offsets = [4], sizes = [1], strides = [1]} : vector<16xf32> to vector<1xf32>
      %squeeze3A_685 = vector.extract %slice3A_684[0] : f32 from vector<1xf32>
      %broadcast_in_dim3A_686 = arith.constant 0.000000e+00 : f32
      %broadcast_in_dim3A_687 = vector.broadcast %broadcast_in_dim3A_686 : f32 to vector<16xf32>
      %get3A_688 = arith.index_cast %add3A_681 : i32 to index
      %get3A_689 = arith.constant 0 : index
      %get3A_690 = tpu.vector_load %arg11[%get3A_688, %get3A_689] {strides = array<i32>} : memref<512x64xf32, #tpu.memory_space<vmem>>, vector<1x16xf32>,
      %get3A_691 = vector.shape_cast %get3A_690 : vector<1x16xf32> to vector<16xf32>
      %add3A_692 = vector.broadcast %squeeze3A_683 : f32 to vector<16xf32>
      %add3A_693 = arith.addf %get3A_691, %add3A_692 : vector<16xf32>
      %get3A_694 = arith.index_cast %add3A_681 : i32 to index
      %get3A_695 = arith.constant 0 : index
      %get3A_696 = tpu.vector_load %arg12[%get3A_694, %get3A_695] {strides = array<i32>} : memref<512x64xf32, #tpu.memory_space<vmem>>, vector<1x16xf32>,
      %get3A_697 = vector.shape_cast %get3A_696 : vector<1x16xf32> to vector<16xf32>
      %add3A_698 = vector.broadcast %squeeze3A_685 : f32 to vector<16xf32>
      %add3A_699 = arith.addf %get3A_697, %add3A_698 : vector<16xf32>
      %mul3A_700 = arith.mulf %add3A_693, %add3A_699 : vector<16xf32>
      %add3A_701 = arith.addf %broadcast_in_dim3A_687, %mul3A_700 : vector<16xf32>
      %get3A_702 = arith.index_cast %add3A_681 : i32 to index
      %get3A_703 = arith.constant 16 : index
      %get3A_704 = tpu.vector_load %arg11[%get3A_702, %get3A_703] {strides = array<i32>} : memref<512x64xf32, #tpu.memory_space<vmem>>, vector<1x16xf32>,
      %get3A_705 = vector.shape_cast %get3A_704 : vector<1x16xf32> to vector<16xf32>
      %add3A_706 = vector.broadcast %squeeze3A_683 : f32 to vector<16xf32>
      %add3A_707 = arith.addf %get3A_705, %add3A_706 : vector<16xf32>
      %get3A_708 = arith.index_cast %add3A_681 : i32 to index
      %get3A_709 = arith.constant 16 : index
      %get3A_710 = tpu.vector_load %arg12[%get3A_708, %get3A_709] {strides = array<i32>} : memref<512x64xf32, #tpu.memory_space<vmem>>, vector<1x16xf32>,
      %get3A_711 = vector.shape_cast %get3A_710 : vector<1x16xf32> to vector<16xf32>
      %add3A_712 = vector.broadcast %squeeze3A_685 : f32 to vector<16xf32>
      %add3A_713 = arith.addf %get3A_711, %add3A_712 : vector<16xf32>
      %mul3A_714 = arith.mulf %add3A_707, %add3A_713 : vector<16xf32>
      %add3A_715 = arith.addf %add3A_701, %mul3A_714 : vector<16xf32>
      %get3A_716 = arith.index_cast %add3A_681 : i32 to index
      %get3A_717 = arith.constant 32 : index
      %get3A_718 = tpu.vector_load %arg11[%get3A_716, %get3A_717] {strides = array<i32>} : memref<512x64xf32, #tpu.memory_space<vmem>>, vector<1x16xf32>,
      %get3A_719 = vector.shape_cast %get3A_718 : vector<1x16xf32> to vector<16xf32>
      %add3A_720 = vector.broadcast %squeeze3A_683 : f32 to vector<16xf32>
      %add3A_721 = arith.addf %get3A_719, %add3A_720 : vector<16xf32>
      %get3A_722 = arith.index_cast %add3A_681 : i32 to index
      %get3A_723 = arith.constant 32 : index
      %get3A_724 = tpu.vector_load %arg12[%get3A_722, %get3A_723] {strides = array<i32>} : memref<512x64xf32, #tpu.memory_space<vmem>>, vector<1x16xf32>,
      %get3A_725 = vector.shape_cast %get3A_724 : vector<1x16xf32> to vector<16xf32>
      %add3A_726 = vector.broadcast %squeeze3A_685 : f32 to vector<16xf32>
      %add3A_727 = arith.addf %get3A_725, %add3A_726 : vector<16xf32>
      %mul3A_728 = arith.mulf %add3A_721, %add3A_727 : vector<16xf32>
      %add3A_729 = arith.addf %add3A_715, %mul3A_728 : vector<16xf32>
      %get3A_730 = arith.index_cast %add3A_681 : i32 to index
      %get3A_731 = arith.constant 48 : index
      %get3A_732 = tpu.vector_load %arg11[%get3A_730, %get3A_731] {strides = array<i32>} : memref<512x64xf32, #tpu.memory_space<vmem>>, vector<1x16xf32>,
      %get3A_733 = vector.shape_cast %get3A_732 : vector<1x16xf32> to vector<16xf32>
      %add3A_734 = vector.broadcast %squeeze3A_683 : f32 to vector<16xf32>
      %add3A_735 = arith.addf %get3A_733, %add3A_734 : vector<16xf32>
      %get3A_736 = arith.index_cast %add3A_681 : i32 to index
      %get3A_737 = arith.constant 48 : index
      %get3A_738 = tpu.vector_load %arg12[%get3A_736, %get3A_737] {strides = array<i32>} : memref<512x64xf32, #tpu.memory_space<vmem>>, vector<1x16xf32>,
      %get3A_739 = vector.shape_cast %get3A_738 : vector<1x16xf32> to vector<16xf32>
      %add3A_740 = vector.broadcast %squeeze3A_685 : f32 to vector<16xf32>
      %add3A_741 = arith.addf %get3A_739, %add3A_740 : vector<16xf32>
      %mul3A_742 = arith.mulf %add3A_735, %add3A_741 : vector<16xf32>
      %add3A_743 = arith.addf %add3A_729, %mul3A_742 : vector<16xf32>
      %eq3A_744 = arith.constant 4 : i32
      %eq3A_745 = vector.broadcast %eq3A_744 : i32 to vector<16xi32>
      %eq3A_746 = arith.cmpi eq, %iota3A, %eq3A_745 : vector<16xi32>
      %broadcast_in_dim3A_747 = vector.shape_cast %xor3A_313 : vector<16xi32> to vector<16x1xi32>
      %gather3A_748 = vector.shape_cast %broadcast_in_dim3A_747 : vector<16x1xi32> to vector<16xi32>
      %gather3A_749 = tpu.dynamic_gather %add3A_743[%gather3A_748] in [0] : vector<16xf32>, vector<16xi32> -> vector<16xf32>
      %add3A_750 = arith.addf %add3A_743, %gather3A_749 : vector<16xf32>
      %broadcast_in_dim3A_751 = vector.shape_cast %xor3A_316 : vector<16xi32> to vector<16x1xi32>
      %gather3A_752 = vector.shape_cast %broadcast_in_dim3A_751 : vector<16x1xi32> to vector<16xi32>
      %gather3A_753 = tpu.dynamic_gather %add3A_750[%gather3A_752] in [0] : vector<16xf32>, vector<16xi32> -> vector<16xf32>
      %add3A_754 = arith.addf %add3A_750, %gather3A_753 : vector<16xf32>
      %broadcast_in_dim3A_755 = vector.shape_cast %xor3A_319 : vector<16xi32> to vector<16x1xi32>
      %gather3A_756 = vector.shape_cast %broadcast_in_dim3A_755 : vector<16x1xi32> to vector<16xi32>
      %gather3A_757 = tpu.dynamic_gather %add3A_754[%gather3A_756] in [0] : vector<16xf32>, vector<16xi32> -> vector<16xf32>
      %add3A_758 = arith.addf %add3A_754, %gather3A_757 : vector<16xf32>
      %broadcast_in_dim3A_759 = vector.shape_cast %xor3A_322 : vector<16xi32> to vector<16x1xi32>
      %gather3A_760 = vector.shape_cast %broadcast_in_dim3A_759 : vector<16x1xi32> to vector<16xi32>
      %gather3A_761 = tpu.dynamic_gather %add3A_758[%gather3A_760] in [0] : vector<16xf32>, vector<16xi32> -> vector<16xf32>
      %add3A_762 = arith.addf %add3A_758, %gather3A_761 : vector<16xf32>
      %select_n3A_763 = arith.select %eq3A_746, %add3A_762, %select_n3A_677 : vector<16xi1>, vector<16xf32>
      %mul3A_764 = arith.constant 16 : i32
      %mul3A_765 = arith.muli %scan3A_328, %mul3A_764 : i32
      %add3A_766 = arith.constant 5 : i32
      %add3A_767 = arith.addi %mul3A_765, %add3A_766 : i32
      %slice3A_768 = vector.extract_strided_slice %get3A_332 {offsets = [5], sizes = [1], strides = [1]} : vector<16xf32> to vector<1xf32>
      %squeeze3A_769 = vector.extract %slice3A_768[0] : f32 from vector<1xf32>
      %slice3A_770 = vector.extract_strided_slice %get3A_337 {offsets = [5], sizes = [1], strides = [1]} : vector<16xf32> to vector<1xf32>
      %squeeze3A_771 = vector.extract %slice3A_770[0] : f32 from vector<1xf32>
      %broadcast_in_dim3A_772 = arith.constant 0.000000e+00 : f32
      %broadcast_in_dim3A_773 = vector.broadcast %broadcast_in_dim3A_772 : f32 to vector<16xf32>
      %get3A_774 = arith.index_cast %add3A_767 : i32 to index
      %get3A_775 = arith.constant 0 : index
      %get3A_776 = tpu.vector_load %arg11[%get3A_774, %get3A_775] {strides = array<i32>} : memref<512x64xf32, #tpu.memory_space<vmem>>, vector<1x16xf32>,
      %get3A_777 = vector.shape_cast %get3A_776 : vector<1x16xf32> to vector<16xf32>
      %add3A_778 = vector.broadcast %squeeze3A_769 : f32 to vector<16xf32>
      %add3A_779 = arith.addf %get3A_777, %add3A_778 : vector<16xf32>
      %get3A_780 = arith.index_cast %add3A_767 : i32 to index
      %get3A_781 = arith.constant 0 : index
      %get3A_782 = tpu.vector_load %arg12[%get3A_780, %get3A_781] {strides = array<i32>} : memref<512x64xf32, #tpu.memory_space<vmem>>, vector<1x16xf32>,
      %get3A_783 = vector.shape_cast %get3A_782 : vector<1x16xf32> to vector<16xf32>
      %add3A_784 = vector.broadcast %squeeze3A_771 : f32 to vector<16xf32>
      %add3A_785 = arith.addf %get3A_783, %add3A_784 : vector<16xf32>
      %mul3A_786 = arith.mulf %add3A_779, %add3A_785 : vector<16xf32>
      %add3A_787 = arith.addf %broadcast_in_dim3A_773, %mul3A_786 : vector<16xf32>
      %get3A_788 = arith.index_cast %add3A_767 : i32 to index
      %get3A_789 = arith.constant 16 : index
      %get3A_790 = tpu.vector_load %arg11[%get3A_788, %get3A_789] {strides = array<i32>} : memref<512x64xf32, #tpu.memory_space<vmem>>, vector<1x16xf32>,
      %get3A_791 = vector.shape_cast %get3A_790 : vector<1x16xf32> to vector<16xf32>
      %add3A_792 = vector.broadcast %squeeze3A_769 : f32 to vector<16xf32>
      %add3A_793 = arith.addf %get3A_791, %add3A_792 : vector<16xf32>
      %get3A_794 = arith.index_cast %add3A_767 : i32 to index
      %get3A_795 = arith.constant 16 : index
      %get3A_796 = tpu.vector_load %arg12[%get3A_794, %get3A_795] {strides = array<i32>} : memref<512x64xf32, #tpu.memory_space<vmem>>, vector<1x16xf32>,
      %get3A_797 = vector.shape_cast %get3A_796 : vector<1x16xf32> to vector<16xf32>
      %add3A_798 = vector.broadcast %squeeze3A_771 : f32 to vector<16xf32>
      %add3A_799 = arith.addf %get3A_797, %add3A_798 : vector<16xf32>
      %mul3A_800 = arith.mulf %add3A_793, %add3A_799 : vector<16xf32>
      %add3A_801 = arith.addf %add3A_787, %mul3A_800 : vector<16xf32>
      %get3A_802 = arith.index_cast %add3A_767 : i32 to index
      %get3A_803 = arith.constant 32 : index
      %get3A_804 = tpu.vector_load %arg11[%get3A_802, %get3A_803] {strides = array<i32>} : memref<512x64xf32, #tpu.memory_space<vmem>>, vector<1x16xf32>,
      %get3A_805 = vector.shape_cast %get3A_804 : vector<1x16xf32> to vector<16xf32>
      %add3A_806 = vector.broadcast %squeeze3A_769 : f32 to vector<16xf32>
      %add3A_807 = arith.addf %get3A_805, %add3A_806 : vector<16xf32>
      %get3A_808 = arith.index_cast %add3A_767 : i32 to index
      %get3A_809 = arith.constant 32 : index
      %get3A_810 = tpu.vector_load %arg12[%get3A_808, %get3A_809] {strides = array<i32>} : memref<512x64xf32, #tpu.memory_space<vmem>>, vector<1x16xf32>,
      %get3A_811 = vector.shape_cast %get3A_810 : vector<1x16xf32> to vector<16xf32>
      %add3A_812 = vector.broadcast %squeeze3A_771 : f32 to vector<16xf32>
      %add3A_813 = arith.addf %get3A_811, %add3A_812 : vector<16xf32>
      %mul3A_814 = arith.mulf %add3A_807, %add3A_813 : vector<16xf32>
      %add3A_815 = arith.addf %add3A_801, %mul3A_814 : vector<16xf32>
      %get3A_816 = arith.index_cast %add3A_767 : i32 to index
      %get3A_817 = arith.constant 48 : index
      %get3A_818 = tpu.vector_load %arg11[%get3A_816, %get3A_817] {strides = array<i32>} : memref<512x64xf32, #tpu.memory_space<vmem>>, vector<1x16xf32>,
      %get3A_819 = vector.shape_cast %get3A_818 : vector<1x16xf32> to vector<16xf32>
      %add3A_820 = vector.broadcast %squeeze3A_769 : f32 to vector<16xf32>
      %add3A_821 = arith.addf %get3A_819, %add3A_820 : vector<16xf32>
      %get3A_822 = arith.index_cast %add3A_767 : i32 to index
      %get3A_823 = arith.constant 48 : index
      %get3A_824 = tpu.vector_load %arg12[%get3A_822, %get3A_823] {strides = array<i32>} : memref<512x64xf32, #tpu.memory_space<vmem>>, vector<1x16xf32>,
      %get3A_825 = vector.shape_cast %get3A_824 : vector<1x16xf32> to vector<16xf32>
      %add3A_826 = vector.broadcast %squeeze3A_771 : f32 to vector<16xf32>
      %add3A_827 = arith.addf %get3A_825, %add3A_826 : vector<16xf32>
      %mul3A_828 = arith.mulf %add3A_821, %add3A_827 : vector<16xf32>
      %add3A_829 = arith.addf %add3A_815, %mul3A_828 : vector<16xf32>
      %eq3A_830 = arith.constant 5 : i32
      %eq3A_831 = vector.broadcast %eq3A_830 : i32 to vector<16xi32>
      %eq3A_832 = arith.cmpi eq, %iota3A, %eq3A_831 : vector<16xi32>
      %broadcast_in_dim3A_833 = vector.shape_cast %xor3A_313 : vector<16xi32> to vector<16x1xi32>
      %gather3A_834 = vector.shape_cast %broadcast_in_dim3A_833 : vector<16x1xi32> to vector<16xi32>
      %gather3A_835 = tpu.dynamic_gather %add3A_829[%gather3A_834] in [0] : vector<16xf32>, vector<16xi32> -> vector<16xf32>
      %add3A_836 = arith.addf %add3A_829, %gather3A_835 : vector<16xf32>
      %broadcast_in_dim3A_837 = vector.shape_cast %xor3A_316 : vector<16xi32> to vector<16x1xi32>
      %gather3A_838 = vector.shape_cast %broadcast_in_dim3A_837 : vector<16x1xi32> to vector<16xi32>
      %gather3A_839 = tpu.dynamic_gather %add3A_836[%gather3A_838] in [0] : vector<16xf32>, vector<16xi32> -> vector<16xf32>
      %add3A_840 = arith.addf %add3A_836, %gather3A_839 : vector<16xf32>
      %broadcast_in_dim3A_841 = vector.shape_cast %xor3A_319 : vector<16xi32> to vector<16x1xi32>
      %gather3A_842 = vector.shape_cast %broadcast_in_dim3A_841 : vector<16x1xi32> to vector<16xi32>
      %gather3A_843 = tpu.dynamic_gather %add3A_840[%gather3A_842] in [0] : vector<16xf32>, vector<16xi32> -> vector<16xf32>
      %add3A_844 = arith.addf %add3A_840, %gather3A_843 : vector<16xf32>
      %broadcast_in_dim3A_845 = vector.shape_cast %xor3A_322 : vector<16xi32> to vector<16x1xi32>
      %gather3A_846 = vector.shape_cast %broadcast_in_dim3A_845 : vector<16x1xi32> to vector<16xi32>
      %gather3A_847 = tpu.dynamic_gather %add3A_844[%gather3A_846] in [0] : vector<16xf32>, vector<16xi32> -> vector<16xf32>
      %add3A_848 = arith.addf %add3A_844, %gather3A_847 : vector<16xf32>
      %select_n3A_849 = arith.select %eq3A_832, %add3A_848, %select_n3A_763 : vector<16xi1>, vector<16xf32>
      %mul3A_850 = arith.constant 16 : i32
      %mul3A_851 = arith.muli %scan3A_328, %mul3A_850 : i32
      %add3A_852 = arith.constant 6 : i32
      %add3A_853 = arith.addi %mul3A_851, %add3A_852 : i32
      %slice3A_854 = vector.extract_strided_slice %get3A_332 {offsets = [6], sizes = [1], strides = [1]} : vector<16xf32> to vector<1xf32>
      %squeeze3A_855 = vector.extract %slice3A_854[0] : f32 from vector<1xf32>
      %slice3A_856 = vector.extract_strided_slice %get3A_337 {offsets = [6], sizes = [1], strides = [1]} : vector<16xf32> to vector<1xf32>
      %squeeze3A_857 = vector.extract %slice3A_856[0] : f32 from vector<1xf32>
      %broadcast_in_dim3A_858 = arith.constant 0.000000e+00 : f32
      %broadcast_in_dim3A_859 = vector.broadcast %broadcast_in_dim3A_858 : f32 to vector<16xf32>
      %get3A_860 = arith.index_cast %add3A_853 : i32 to index
      %get3A_861 = arith.constant 0 : index
      %get3A_862 = tpu.vector_load %arg11[%get3A_860, %get3A_861] {strides = array<i32>} : memref<512x64xf32, #tpu.memory_space<vmem>>, vector<1x16xf32>,
      %get3A_863 = vector.shape_cast %get3A_862 : vector<1x16xf32> to vector<16xf32>
      %add3A_864 = vector.broadcast %squeeze3A_855 : f32 to vector<16xf32>
      %add3A_865 = arith.addf %get3A_863, %add3A_864 : vector<16xf32>
      %get3A_866 = arith.index_cast %add3A_853 : i32 to index
      %get3A_867 = arith.constant 0 : index
      %get3A_868 = tpu.vector_load %arg12[%get3A_866, %get3A_867] {strides = array<i32>} : memref<512x64xf32, #tpu.memory_space<vmem>>, vector<1x16xf32>,
      %get3A_869 = vector.shape_cast %get3A_868 : vector<1x16xf32> to vector<16xf32>
      %add3A_870 = vector.broadcast %squeeze3A_857 : f32 to vector<16xf32>
      %add3A_871 = arith.addf %get3A_869, %add3A_870 : vector<16xf32>
      %mul3A_872 = arith.mulf %add3A_865, %add3A_871 : vector<16xf32>
      %add3A_873 = arith.addf %broadcast_in_dim3A_859, %mul3A_872 : vector<16xf32>
      %get3A_874 = arith.index_cast %add3A_853 : i32 to index
      %get3A_875 = arith.constant 16 : index
      %get3A_876 = tpu.vector_load %arg11[%get3A_874, %get3A_875] {strides = array<i32>} : memref<512x64xf32, #tpu.memory_space<vmem>>, vector<1x16xf32>,
      %get3A_877 = vector.shape_cast %get3A_876 : vector<1x16xf32> to vector<16xf32>
      %add3A_878 = vector.broadcast %squeeze3A_855 : f32 to vector<16xf32>
      %add3A_879 = arith.addf %get3A_877, %add3A_878 : vector<16xf32>
      %get3A_880 = arith.index_cast %add3A_853 : i32 to index
      %get3A_881 = arith.constant 16 : index
      %get3A_882 = tpu.vector_load %arg12[%get3A_880, %get3A_881] {strides = array<i32>} : memref<512x64xf32, #tpu.memory_space<vmem>>, vector<1x16xf32>,
      %get3A_883 = vector.shape_cast %get3A_882 : vector<1x16xf32> to vector<16xf32>
      %add3A_884 = vector.broadcast %squeeze3A_857 : f32 to vector<16xf32>
      %add3A_885 = arith.addf %get3A_883, %add3A_884 : vector<16xf32>
      %mul3A_886 = arith.mulf %add3A_879, %add3A_885 : vector<16xf32>
      %add3A_887 = arith.addf %add3A_873, %mul3A_886 : vector<16xf32>
      %get3A_888 = arith.index_cast %add3A_853 : i32 to index
      %get3A_889 = arith.constant 32 : index
      %get3A_890 = tpu.vector_load %arg11[%get3A_888, %get3A_889] {strides = array<i32>} : memref<512x64xf32, #tpu.memory_space<vmem>>, vector<1x16xf32>,
      %get3A_891 = vector.shape_cast %get3A_890 : vector<1x16xf32> to vector<16xf32>
      %add3A_892 = vector.broadcast %squeeze3A_855 : f32 to vector<16xf32>
      %add3A_893 = arith.addf %get3A_891, %add3A_892 : vector<16xf32>
      %get3A_894 = arith.index_cast %add3A_853 : i32 to index
      %get3A_895 = arith.constant 32 : index
      %get3A_896 = tpu.vector_load %arg12[%get3A_894, %get3A_895] {strides = array<i32>} : memref<512x64xf32, #tpu.memory_space<vmem>>, vector<1x16xf32>,
      %get3A_897 = vector.shape_cast %get3A_896 : vector<1x16xf32> to vector<16xf32>
      %add3A_898 = vector.broadcast %squeeze3A_857 : f32 to vector<16xf32>
      %add3A_899 = arith.addf %get3A_897, %add3A_898 : vector<16xf32>
      %mul3A_900 = arith.mulf %add3A_893, %add3A_899 : vector<16xf32>
      %add3A_901 = arith.addf %add3A_887, %mul3A_900 : vector<16xf32>
      %get3A_902 = arith.index_cast %add3A_853 : i32 to index
      %get3A_903 = arith.constant 48 : index
      %get3A_904 = tpu.vector_load %arg11[%get3A_902, %get3A_903] {strides = array<i32>} : memref<512x64xf32, #tpu.memory_space<vmem>>, vector<1x16xf32>,
      %get3A_905 = vector.shape_cast %get3A_904 : vector<1x16xf32> to vector<16xf32>
      %add3A_906 = vector.broadcast %squeeze3A_855 : f32 to vector<16xf32>
      %add3A_907 = arith.addf %get3A_905, %add3A_906 : vector<16xf32>
      %get3A_908 = arith.index_cast %add3A_853 : i32 to index
      %get3A_909 = arith.constant 48 : index
      %get3A_910 = tpu.vector_load %arg12[%get3A_908, %get3A_909] {strides = array<i32>} : memref<512x64xf32, #tpu.memory_space<vmem>>, vector<1x16xf32>,
      %get3A_911 = vector.shape_cast %get3A_910 : vector<1x16xf32> to vector<16xf32>
      %add3A_912 = vector.broadcast %squeeze3A_857 : f32 to vector<16xf32>
      %add3A_913 = arith.addf %get3A_911, %add3A_912 : vector<16xf32>
      %mul3A_914 = arith.mulf %add3A_907, %add3A_913 : vector<16xf32>
      %add3A_915 = arith.addf %add3A_901, %mul3A_914 : vector<16xf32>
      %eq3A_916 = arith.constant 6 : i32
      %eq3A_917 = vector.broadcast %eq3A_916 : i32 to vector<16xi32>
      %eq3A_918 = arith.cmpi eq, %iota3A, %eq3A_917 : vector<16xi32>
      %broadcast_in_dim3A_919 = vector.shape_cast %xor3A_313 : vector<16xi32> to vector<16x1xi32>
      %gather3A_920 = vector.shape_cast %broadcast_in_dim3A_919 : vector<16x1xi32> to vector<16xi32>
      %gather3A_921 = tpu.dynamic_gather %add3A_915[%gather3A_920] in [0] : vector<16xf32>, vector<16xi32> -> vector<16xf32>
      %add3A_922 = arith.addf %add3A_915, %gather3A_921 : vector<16xf32>
      %broadcast_in_dim3A_923 = vector.shape_cast %xor3A_316 : vector<16xi32> to vector<16x1xi32>
      %gather3A_924 = vector.shape_cast %broadcast_in_dim3A_923 : vector<16x1xi32> to vector<16xi32>
      %gather3A_925 = tpu.dynamic_gather %add3A_922[%gather3A_924] in [0] : vector<16xf32>, vector<16xi32> -> vector<16xf32>
      %add3A_926 = arith.addf %add3A_922, %gather3A_925 : vector<16xf32>
      %broadcast_in_dim3A_927 = vector.shape_cast %xor3A_319 : vector<16xi32> to vector<16x1xi32>
      %gather3A_928 = vector.shape_cast %broadcast_in_dim3A_927 : vector<16x1xi32> to vector<16xi32>
      %gather3A_929 = tpu.dynamic_gather %add3A_926[%gather3A_928] in [0] : vector<16xf32>, vector<16xi32> -> vector<16xf32>
      %add3A_930 = arith.addf %add3A_926, %gather3A_929 : vector<16xf32>
      %broadcast_in_dim3A_931 = vector.shape_cast %xor3A_322 : vector<16xi32> to vector<16x1xi32>
      %gather3A_932 = vector.shape_cast %broadcast_in_dim3A_931 : vector<16x1xi32> to vector<16xi32>
      %gather3A_933 = tpu.dynamic_gather %add3A_930[%gather3A_932] in [0] : vector<16xf32>, vector<16xi32> -> vector<16xf32>
      %add3A_934 = arith.addf %add3A_930, %gather3A_933 : vector<16xf32>
      %select_n3A_935 = arith.select %eq3A_918, %add3A_934, %select_n3A_849 : vector<16xi1>, vector<16xf32>
      %mul3A_936 = arith.constant 16 : i32
      %mul3A_937 = arith.muli %scan3A_328, %mul3A_936 : i32
      %add3A_938 = arith.constant 7 : i32
      %add3A_939 = arith.addi %mul3A_937, %add3A_938 : i32
      %slice3A_940 = vector.extract_strided_slice %get3A_332 {offsets = [7], sizes = [1], strides = [1]} : vector<16xf32> to vector<1xf32>
      %squeeze3A_941 = vector.extract %slice3A_940[0] : f32 from vector<1xf32>
      %slice3A_942 = vector.extract_strided_slice %get3A_337 {offsets = [7], sizes = [1], strides = [1]} : vector<16xf32> to vector<1xf32>
      %squeeze3A_943 = vector.extract %slice3A_942[0] : f32 from vector<1xf32>
      %broadcast_in_dim3A_944 = arith.constant 0.000000e+00 : f32
      %broadcast_in_dim3A_945 = vector.broadcast %broadcast_in_dim3A_944 : f32 to vector<16xf32>
      %get3A_946 = arith.index_cast %add3A_939 : i32 to index
      %get3A_947 = arith.constant 0 : index
      %get3A_948 = tpu.vector_load %arg11[%get3A_946, %get3A_947] {strides = array<i32>} : memref<512x64xf32, #tpu.memory_space<vmem>>, vector<1x16xf32>,
      %get3A_949 = vector.shape_cast %get3A_948 : vector<1x16xf32> to vector<16xf32>
      %add3A_950 = vector.broadcast %squeeze3A_941 : f32 to vector<16xf32>
      %add3A_951 = arith.addf %get3A_949, %add3A_950 : vector<16xf32>
      %get3A_952 = arith.index_cast %add3A_939 : i32 to index
      %get3A_953 = arith.constant 0 : index
      %get3A_954 = tpu.vector_load %arg12[%get3A_952, %get3A_953] {strides = array<i32>} : memref<512x64xf32, #tpu.memory_space<vmem>>, vector<1x16xf32>,
      %get3A_955 = vector.shape_cast %get3A_954 : vector<1x16xf32> to vector<16xf32>
      %add3A_956 = vector.broadcast %squeeze3A_943 : f32 to vector<16xf32>
      %add3A_957 = arith.addf %get3A_955, %add3A_956 : vector<16xf32>
      %mul3A_958 = arith.mulf %add3A_951, %add3A_957 : vector<16xf32>
      %add3A_959 = arith.addf %broadcast_in_dim3A_945, %mul3A_958 : vector<16xf32>
      %get3A_960 = arith.index_cast %add3A_939 : i32 to index
      %get3A_961 = arith.constant 16 : index
      %get3A_962 = tpu.vector_load %arg11[%get3A_960, %get3A_961] {strides = array<i32>} : memref<512x64xf32, #tpu.memory_space<vmem>>, vector<1x16xf32>,
      %get3A_963 = vector.shape_cast %get3A_962 : vector<1x16xf32> to vector<16xf32>
      %add3A_964 = vector.broadcast %squeeze3A_941 : f32 to vector<16xf32>
      %add3A_965 = arith.addf %get3A_963, %add3A_964 : vector<16xf32>
      %get3A_966 = arith.index_cast %add3A_939 : i32 to index
      %get3A_967 = arith.constant 16 : index
      %get3A_968 = tpu.vector_load %arg12[%get3A_966, %get3A_967] {strides = array<i32>} : memref<512x64xf32, #tpu.memory_space<vmem>>, vector<1x16xf32>,
      %get3A_969 = vector.shape_cast %get3A_968 : vector<1x16xf32> to vector<16xf32>
      %add3A_970 = vector.broadcast %squeeze3A_943 : f32 to vector<16xf32>
      %add3A_971 = arith.addf %get3A_969, %add3A_970 : vector<16xf32>
      %mul3A_972 = arith.mulf %add3A_965, %add3A_971 : vector<16xf32>
      %add3A_973 = arith.addf %add3A_959, %mul3A_972 : vector<16xf32>
      %get3A_974 = arith.index_cast %add3A_939 : i32 to index
      %get3A_975 = arith.constant 32 : index
      %get3A_976 = tpu.vector_load %arg11[%get3A_974, %get3A_975] {strides = array<i32>} : memref<512x64xf32, #tpu.memory_space<vmem>>, vector<1x16xf32>,
      %get3A_977 = vector.shape_cast %get3A_976 : vector<1x16xf32> to vector<16xf32>
      %add3A_978 = vector.broadcast %squeeze3A_941 : f32 to vector<16xf32>
      %add3A_979 = arith.addf %get3A_977, %add3A_978 : vector<16xf32>
      %get3A_980 = arith.index_cast %add3A_939 : i32 to index
      %get3A_981 = arith.constant 32 : index
      %get3A_982 = tpu.vector_load %arg12[%get3A_980, %get3A_981] {strides = array<i32>} : memref<512x64xf32, #tpu.memory_space<vmem>>, vector<1x16xf32>,
      %get3A_983 = vector.shape_cast %get3A_982 : vector<1x16xf32> to vector<16xf32>
      %add3A_984 = vector.broadcast %squeeze3A_943 : f32 to vector<16xf32>
      %add3A_985 = arith.addf %get3A_983, %add3A_984 : vector<16xf32>
      %mul3A_986 = arith.mulf %add3A_979, %add3A_985 : vector<16xf32>
      %add3A_987 = arith.addf %add3A_973, %mul3A_986 : vector<16xf32>
      %get3A_988 = arith.index_cast %add3A_939 : i32 to index
      %get3A_989 = arith.constant 48 : index
      %get3A_990 = tpu.vector_load %arg11[%get3A_988, %get3A_989] {strides = array<i32>} : memref<512x64xf32, #tpu.memory_space<vmem>>, vector<1x16xf32>,
      %get3A_991 = vector.shape_cast %get3A_990 : vector<1x16xf32> to vector<16xf32>
      %add3A_992 = vector.broadcast %squeeze3A_941 : f32 to vector<16xf32>
      %add3A_993 = arith.addf %get3A_991, %add3A_992 : vector<16xf32>
      %get3A_994 = arith.index_cast %add3A_939 : i32 to index
      %get3A_995 = arith.constant 48 : index
      %get3A_996 = tpu.vector_load %arg12[%get3A_994, %get3A_995] {strides = array<i32>} : memref<512x64xf32, #tpu.memory_space<vmem>>, vector<1x16xf32>,
      %get3A_997 = vector.shape_cast %get3A_996 : vector<1x16xf32> to vector<16xf32>
      %add3A_998 = vector.broadcast %squeeze3A_943 : f32 to vector<16xf32>
      %add3A_999 = arith.addf %get3A_997, %add3A_998 : vector<16xf32>
      %mul3A_1000 = arith.mulf %add3A_993, %add3A_999 : vector<16xf32>
      %add3A_1001 = arith.addf %add3A_987, %mul3A_1000 : vector<16xf32>
      %eq3A_1002 = arith.constant 7 : i32
      %eq3A_1003 = vector.broadcast %eq3A_1002 : i32 to vector<16xi32>
      %eq3A_1004 = arith.cmpi eq, %iota3A, %eq3A_1003 : vector<16xi32>
      %broadcast_in_dim3A_1005 = vector.shape_cast %xor3A_313 : vector<16xi32> to vector<16x1xi32>
      %gather3A_1006 = vector.shape_cast %broadcast_in_dim3A_1005 : vector<16x1xi32> to vector<16xi32>
      %gather3A_1007 = tpu.dynamic_gather %add3A_1001[%gather3A_1006] in [0] : vector<16xf32>, vector<16xi32> -> vector<16xf32>
      %add3A_1008 = arith.addf %add3A_1001, %gather3A_1007 : vector<16xf32>
      %broadcast_in_dim3A_1009 = vector.shape_cast %xor3A_316 : vector<16xi32> to vector<16x1xi32>
      %gather3A_1010 = vector.shape_cast %broadcast_in_dim3A_1009 : vector<16x1xi32> to vector<16xi32>
      %gather3A_1011 = tpu.dynamic_gather %add3A_1008[%gather3A_1010] in [0] : vector<16xf32>, vector<16xi32> -> vector<16xf32>
      %add3A_1012 = arith.addf %add3A_1008, %gather3A_1011 : vector<16xf32>
      %broadcast_in_dim3A_1013 = vector.shape_cast %xor3A_319 : vector<16xi32> to vector<16x1xi32>
      %gather3A_1014 = vector.shape_cast %broadcast_in_dim3A_1013 : vector<16x1xi32> to vector<16xi32>
      %gather3A_1015 = tpu.dynamic_gather %add3A_1012[%gather3A_1014] in [0] : vector<16xf32>, vector<16xi32> -> vector<16xf32>
      %add3A_1016 = arith.addf %add3A_1012, %gather3A_1015 : vector<16xf32>
      %broadcast_in_dim3A_1017 = vector.shape_cast %xor3A_322 : vector<16xi32> to vector<16x1xi32>
      %gather3A_1018 = vector.shape_cast %broadcast_in_dim3A_1017 : vector<16x1xi32> to vector<16xi32>
      %gather3A_1019 = tpu.dynamic_gather %add3A_1016[%gather3A_1018] in [0] : vector<16xf32>, vector<16xi32> -> vector<16xf32>
      %add3A_1020 = arith.addf %add3A_1016, %gather3A_1019 : vector<16xf32>
      %select_n3A_1021 = arith.select %eq3A_1004, %add3A_1020, %select_n3A_935 : vector<16xi1>, vector<16xf32>
      %mul3A_1022 = arith.constant 16 : i32
      %mul3A_1023 = arith.muli %scan3A_328, %mul3A_1022 : i32
      %add3A_1024 = arith.constant 8 : i32
      %add3A_1025 = arith.addi %mul3A_1023, %add3A_1024 : i32
      %slice3A_1026 = vector.extract_strided_slice %get3A_332 {offsets = [8], sizes = [1], strides = [1]} : vector<16xf32> to vector<1xf32>
      %squeeze3A_1027 = vector.extract %slice3A_1026[0] : f32 from vector<1xf32>
      %slice3A_1028 = vector.extract_strided_slice %get3A_337 {offsets = [8], sizes = [1], strides = [1]} : vector<16xf32> to vector<1xf32>
      %squeeze3A_1029 = vector.extract %slice3A_1028[0] : f32 from vector<1xf32>
      %broadcast_in_dim3A_1030 = arith.constant 0.000000e+00 : f32
      %broadcast_in_dim3A_1031 = vector.broadcast %broadcast_in_dim3A_1030 : f32 to vector<16xf32>
      %get3A_1032 = arith.index_cast %add3A_1025 : i32 to index
      %get3A_1033 = arith.constant 0 : index
      %get3A_1034 = tpu.vector_load %arg11[%get3A_1032, %get3A_1033] {strides = array<i32>} : memref<512x64xf32, #tpu.memory_space<vmem>>, vector<1x16xf32>,
      %get3A_1035 = vector.shape_cast %get3A_1034 : vector<1x16xf32> to vector<16xf32>
      %add3A_1036 = vector.broadcast %squeeze3A_1027 : f32 to vector<16xf32>
      %add3A_1037 = arith.addf %get3A_1035, %add3A_1036 : vector<16xf32>
      %get3A_1038 = arith.index_cast %add3A_1025 : i32 to index
      %get3A_1039 = arith.constant 0 : index
      %get3A_1040 = tpu.vector_load %arg12[%get3A_1038, %get3A_1039] {strides = array<i32>} : memref<512x64xf32, #tpu.memory_space<vmem>>, vector<1x16xf32>,
      %get3A_1041 = vector.shape_cast %get3A_1040 : vector<1x16xf32> to vector<16xf32>
      %add3A_1042 = vector.broadcast %squeeze3A_1029 : f32 to vector<16xf32>
      %add3A_1043 = arith.addf %get3A_1041, %add3A_1042 : vector<16xf32>
      %mul3A_1044 = arith.mulf %add3A_1037, %add3A_1043 : vector<16xf32>
      %add3A_1045 = arith.addf %broadcast_in_dim3A_1031, %mul3A_1044 : vector<16xf32>
      %get3A_1046 = arith.index_cast %add3A_1025 : i32 to index
      %get3A_1047 = arith.constant 16 : index
      %get3A_1048 = tpu.vector_load %arg11[%get3A_1046, %get3A_1047] {strides = array<i32>} : memref<512x64xf32, #tpu.memory_space<vmem>>, vector<1x16xf32>,
      %get3A_1049 = vector.shape_cast %get3A_1048 : vector<1x16xf32> to vector<16xf32>
      %add3A_1050 = vector.broadcast %squeeze3A_1027 : f32 to vector<16xf32>
      %add3A_1051 = arith.addf %get3A_1049, %add3A_1050 : vector<16xf32>
      %get3A_1052 = arith.index_cast %add3A_1025 : i32 to index
      %get3A_1053 = arith.constant 16 : index
      %get3A_1054 = tpu.vector_load %arg12[%get3A_1052, %get3A_1053] {strides = array<i32>} : memref<512x64xf32, #tpu.memory_space<vmem>>, vector<1x16xf32>,
      %get3A_1055 = vector.shape_cast %get3A_1054 : vector<1x16xf32> to vector<16xf32>
      %add3A_1056 = vector.broadcast %squeeze3A_1029 : f32 to vector<16xf32>
      %add3A_1057 = arith.addf %get3A_1055, %add3A_1056 : vector<16xf32>
      %mul3A_1058 = arith.mulf %add3A_1051, %add3A_1057 : vector<16xf32>
      %add3A_1059 = arith.addf %add3A_1045, %mul3A_1058 : vector<16xf32>
      %get3A_1060 = arith.index_cast %add3A_1025 : i32 to index
      %get3A_1061 = arith.constant 32 : index
      %get3A_1062 = tpu.vector_load %arg11[%get3A_1060, %get3A_1061] {strides = array<i32>} : memref<512x64xf32, #tpu.memory_space<vmem>>, vector<1x16xf32>,
      %get3A_1063 = vector.shape_cast %get3A_1062 : vector<1x16xf32> to vector<16xf32>
      %add3A_1064 = vector.broadcast %squeeze3A_1027 : f32 to vector<16xf32>
      %add3A_1065 = arith.addf %get3A_1063, %add3A_1064 : vector<16xf32>
      %get3A_1066 = arith.index_cast %add3A_1025 : i32 to index
      %get3A_1067 = arith.constant 32 : index
      %get3A_1068 = tpu.vector_load %arg12[%get3A_1066, %get3A_1067] {strides = array<i32>} : memref<512x64xf32, #tpu.memory_space<vmem>>, vector<1x16xf32>,
      %get3A_1069 = vector.shape_cast %get3A_1068 : vector<1x16xf32> to vector<16xf32>
      %add3A_1070 = vector.broadcast %squeeze3A_1029 : f32 to vector<16xf32>
      %add3A_1071 = arith.addf %get3A_1069, %add3A_1070 : vector<16xf32>
      %mul3A_1072 = arith.mulf %add3A_1065, %add3A_1071 : vector<16xf32>
      %add3A_1073 = arith.addf %add3A_1059, %mul3A_1072 : vector<16xf32>
      %get3A_1074 = arith.index_cast %add3A_1025 : i32 to index
      %get3A_1075 = arith.constant 48 : index
      %get3A_1076 = tpu.vector_load %arg11[%get3A_1074, %get3A_1075] {strides = array<i32>} : memref<512x64xf32, #tpu.memory_space<vmem>>, vector<1x16xf32>,
      %get3A_1077 = vector.shape_cast %get3A_1076 : vector<1x16xf32> to vector<16xf32>
      %add3A_1078 = vector.broadcast %squeeze3A_1027 : f32 to vector<16xf32>
      %add3A_1079 = arith.addf %get3A_1077, %add3A_1078 : vector<16xf32>
      %get3A_1080 = arith.index_cast %add3A_1025 : i32 to index
      %get3A_1081 = arith.constant 48 : index
      %get3A_1082 = tpu.vector_load %arg12[%get3A_1080, %get3A_1081] {strides = array<i32>} : memref<512x64xf32, #tpu.memory_space<vmem>>, vector<1x16xf32>,
      %get3A_1083 = vector.shape_cast %get3A_1082 : vector<1x16xf32> to vector<16xf32>
      %add3A_1084 = vector.broadcast %squeeze3A_1029 : f32 to vector<16xf32>
      %add3A_1085 = arith.addf %get3A_1083, %add3A_1084 : vector<16xf32>
      %mul3A_1086 = arith.mulf %add3A_1079, %add3A_1085 : vector<16xf32>
      %add3A_1087 = arith.addf %add3A_1073, %mul3A_1086 : vector<16xf32>
      %eq3A_1088 = arith.constant 8 : i32
      %eq3A_1089 = vector.broadcast %eq3A_1088 : i32 to vector<16xi32>
      %eq3A_1090 = arith.cmpi eq, %iota3A, %eq3A_1089 : vector<16xi32>
      %broadcast_in_dim3A_1091 = vector.shape_cast %xor3A_313 : vector<16xi32> to vector<16x1xi32>
      %gather3A_1092 = vector.shape_cast %broadcast_in_dim3A_1091 : vector<16x1xi32> to vector<16xi32>
      %gather3A_1093 = tpu.dynamic_gather %add3A_1087[%gather3A_1092] in [0] : vector<16xf32>, vector<16xi32> -> vector<16xf32>
      %add3A_1094 = arith.addf %add3A_1087, %gather3A_1093 : vector<16xf32>
      %broadcast_in_dim3A_1095 = vector.shape_cast %xor3A_316 : vector<16xi32> to vector<16x1xi32>
      %gather3A_1096 = vector.shape_cast %broadcast_in_dim3A_1095 : vector<16x1xi32> to vector<16xi32>
      %gather3A_1097 = tpu.dynamic_gather %add3A_1094[%gather3A_1096] in [0] : vector<16xf32>, vector<16xi32> -> vector<16xf32>
      %add3A_1098 = arith.addf %add3A_1094, %gather3A_1097 : vector<16xf32>
      %broadcast_in_dim3A_1099 = vector.shape_cast %xor3A_319 : vector<16xi32> to vector<16x1xi32>
      %gather3A_1100 = vector.shape_cast %broadcast_in_dim3A_1099 : vector<16x1xi32> to vector<16xi32>
      %gather3A_1101 = tpu.dynamic_gather %add3A_1098[%gather3A_1100] in [0] : vector<16xf32>, vector<16xi32> -> vector<16xf32>
      %add3A_1102 = arith.addf %add3A_1098, %gather3A_1101 : vector<16xf32>
      %broadcast_in_dim3A_1103 = vector.shape_cast %xor3A_322 : vector<16xi32> to vector<16x1xi32>
      %gather3A_1104 = vector.shape_cast %broadcast_in_dim3A_1103 : vector<16x1xi32> to vector<16xi32>
      %gather3A_1105 = tpu.dynamic_gather %add3A_1102[%gather3A_1104] in [0] : vector<16xf32>, vector<16xi32> -> vector<16xf32>
      %add3A_1106 = arith.addf %add3A_1102, %gather3A_1105 : vector<16xf32>
      %select_n3A_1107 = arith.select %eq3A_1090, %add3A_1106, %select_n3A_1021 : vector<16xi1>, vector<16xf32>
      %mul3A_1108 = arith.constant 16 : i32
      %mul3A_1109 = arith.muli %scan3A_328, %mul3A_1108 : i32
      %add3A_1110 = arith.constant 9 : i32
      %add3A_1111 = arith.addi %mul3A_1109, %add3A_1110 : i32
      %slice3A_1112 = vector.extract_strided_slice %get3A_332 {offsets = [9], sizes = [1], strides = [1]} : vector<16xf32> to vector<1xf32>
      %squeeze3A_1113 = vector.extract %slice3A_1112[0] : f32 from vector<1xf32>
      %slice3A_1114 = vector.extract_strided_slice %get3A_337 {offsets = [9], sizes = [1], strides = [1]} : vector<16xf32> to vector<1xf32>
      %squeeze3A_1115 = vector.extract %slice3A_1114[0] : f32 from vector<1xf32>
      %broadcast_in_dim3A_1116 = arith.constant 0.000000e+00 : f32
      %broadcast_in_dim3A_1117 = vector.broadcast %broadcast_in_dim3A_1116 : f32 to vector<16xf32>
      %get3A_1118 = arith.index_cast %add3A_1111 : i32 to index
      %get3A_1119 = arith.constant 0 : index
      %get3A_1120 = tpu.vector_load %arg11[%get3A_1118, %get3A_1119] {strides = array<i32>} : memref<512x64xf32, #tpu.memory_space<vmem>>, vector<1x16xf32>,
      %get3A_1121 = vector.shape_cast %get3A_1120 : vector<1x16xf32> to vector<16xf32>
      %add3A_1122 = vector.broadcast %squeeze3A_1113 : f32 to vector<16xf32>
      %add3A_1123 = arith.addf %get3A_1121, %add3A_1122 : vector<16xf32>
      %get3A_1124 = arith.index_cast %add3A_1111 : i32 to index
      %get3A_1125 = arith.constant 0 : index
      %get3A_1126 = tpu.vector_load %arg12[%get3A_1124, %get3A_1125] {strides = array<i32>} : memref<512x64xf32, #tpu.memory_space<vmem>>, vector<1x16xf32>,
      %get3A_1127 = vector.shape_cast %get3A_1126 : vector<1x16xf32> to vector<16xf32>
      %add3A_1128 = vector.broadcast %squeeze3A_1115 : f32 to vector<16xf32>
      %add3A_1129 = arith.addf %get3A_1127, %add3A_1128 : vector<16xf32>
      %mul3A_1130 = arith.mulf %add3A_1123, %add3A_1129 : vector<16xf32>
      %add3A_1131 = arith.addf %broadcast_in_dim3A_1117, %mul3A_1130 : vector<16xf32>
      %get3A_1132 = arith.index_cast %add3A_1111 : i32 to index
      %get3A_1133 = arith.constant 16 : index
      %get3A_1134 = tpu.vector_load %arg11[%get3A_1132, %get3A_1133] {strides = array<i32>} : memref<512x64xf32, #tpu.memory_space<vmem>>, vector<1x16xf32>,
      %get3A_1135 = vector.shape_cast %get3A_1134 : vector<1x16xf32> to vector<16xf32>
      %add3A_1136 = vector.broadcast %squeeze3A_1113 : f32 to vector<16xf32>
      %add3A_1137 = arith.addf %get3A_1135, %add3A_1136 : vector<16xf32>
      %get3A_1138 = arith.index_cast %add3A_1111 : i32 to index
      %get3A_1139 = arith.constant 16 : index
      %get3A_1140 = tpu.vector_load %arg12[%get3A_1138, %get3A_1139] {strides = array<i32>} : memref<512x64xf32, #tpu.memory_space<vmem>>, vector<1x16xf32>,
      %get3A_1141 = vector.shape_cast %get3A_1140 : vector<1x16xf32> to vector<16xf32>
      %add3A_1142 = vector.broadcast %squeeze3A_1115 : f32 to vector<16xf32>
      %add3A_1143 = arith.addf %get3A_1141, %add3A_1142 : vector<16xf32>
      %mul3A_1144 = arith.mulf %add3A_1137, %add3A_1143 : vector<16xf32>
      %add3A_1145 = arith.addf %add3A_1131, %mul3A_1144 : vector<16xf32>
      %get3A_1146 = arith.index_cast %add3A_1111 : i32 to index
      %get3A_1147 = arith.constant 32 : index
      %get3A_1148 = tpu.vector_load %arg11[%get3A_1146, %get3A_1147] {strides = array<i32>} : memref<512x64xf32, #tpu.memory_space<vmem>>, vector<1x16xf32>,
      %get3A_1149 = vector.shape_cast %get3A_1148 : vector<1x16xf32> to vector<16xf32>
      %add3A_1150 = vector.broadcast %squeeze3A_1113 : f32 to vector<16xf32>
      %add3A_1151 = arith.addf %get3A_1149, %add3A_1150 : vector<16xf32>
      %get3A_1152 = arith.index_cast %add3A_1111 : i32 to index
      %get3A_1153 = arith.constant 32 : index
      %get3A_1154 = tpu.vector_load %arg12[%get3A_1152, %get3A_1153] {strides = array<i32>} : memref<512x64xf32, #tpu.memory_space<vmem>>, vector<1x16xf32>,
      %get3A_1155 = vector.shape_cast %get3A_1154 : vector<1x16xf32> to vector<16xf32>
      %add3A_1156 = vector.broadcast %squeeze3A_1115 : f32 to vector<16xf32>
      %add3A_1157 = arith.addf %get3A_1155, %add3A_1156 : vector<16xf32>
      %mul3A_1158 = arith.mulf %add3A_1151, %add3A_1157 : vector<16xf32>
      %add3A_1159 = arith.addf %add3A_1145, %mul3A_1158 : vector<16xf32>
      %get3A_1160 = arith.index_cast %add3A_1111 : i32 to index
      %get3A_1161 = arith.constant 48 : index
      %get3A_1162 = tpu.vector_load %arg11[%get3A_1160, %get3A_1161] {strides = array<i32>} : memref<512x64xf32, #tpu.memory_space<vmem>>, vector<1x16xf32>,
      %get3A_1163 = vector.shape_cast %get3A_1162 : vector<1x16xf32> to vector<16xf32>
      %add3A_1164 = vector.broadcast %squeeze3A_1113 : f32 to vector<16xf32>
      %add3A_1165 = arith.addf %get3A_1163, %add3A_1164 : vector<16xf32>
      %get3A_1166 = arith.index_cast %add3A_1111 : i32 to index
      %get3A_1167 = arith.constant 48 : index
      %get3A_1168 = tpu.vector_load %arg12[%get3A_1166, %get3A_1167] {strides = array<i32>} : memref<512x64xf32, #tpu.memory_space<vmem>>, vector<1x16xf32>,
      %get3A_1169 = vector.shape_cast %get3A_1168 : vector<1x16xf32> to vector<16xf32>
      %add3A_1170 = vector.broadcast %squeeze3A_1115 : f32 to vector<16xf32>
      %add3A_1171 = arith.addf %get3A_1169, %add3A_1170 : vector<16xf32>
      %mul3A_1172 = arith.mulf %add3A_1165, %add3A_1171 : vector<16xf32>
      %add3A_1173 = arith.addf %add3A_1159, %mul3A_1172 : vector<16xf32>
      %eq3A_1174 = arith.constant 9 : i32
      %eq3A_1175 = vector.broadcast %eq3A_1174 : i32 to vector<16xi32>
      %eq3A_1176 = arith.cmpi eq, %iota3A, %eq3A_1175 : vector<16xi32>
      %broadcast_in_dim3A_1177 = vector.shape_cast %xor3A_313 : vector<16xi32> to vector<16x1xi32>
      %gather3A_1178 = vector.shape_cast %broadcast_in_dim3A_1177 : vector<16x1xi32> to vector<16xi32>
      %gather3A_1179 = tpu.dynamic_gather %add3A_1173[%gather3A_1178] in [0] : vector<16xf32>, vector<16xi32> -> vector<16xf32>
      %add3A_1180 = arith.addf %add3A_1173, %gather3A_1179 : vector<16xf32>
      %broadcast_in_dim3A_1181 = vector.shape_cast %xor3A_316 : vector<16xi32> to vector<16x1xi32>
      %gather3A_1182 = vector.shape_cast %broadcast_in_dim3A_1181 : vector<16x1xi32> to vector<16xi32>
      %gather3A_1183 = tpu.dynamic_gather %add3A_1180[%gather3A_1182] in [0] : vector<16xf32>, vector<16xi32> -> vector<16xf32>
      %add3A_1184 = arith.addf %add3A_1180, %gather3A_1183 : vector<16xf32>
      %broadcast_in_dim3A_1185 = vector.shape_cast %xor3A_319 : vector<16xi32> to vector<16x1xi32>
      %gather3A_1186 = vector.shape_cast %broadcast_in_dim3A_1185 : vector<16x1xi32> to vector<16xi32>
      %gather3A_1187 = tpu.dynamic_gather %add3A_1184[%gather3A_1186] in [0] : vector<16xf32>, vector<16xi32> -> vector<16xf32>
      %add3A_1188 = arith.addf %add3A_1184, %gather3A_1187 : vector<16xf32>
      %broadcast_in_dim3A_1189 = vector.shape_cast %xor3A_322 : vector<16xi32> to vector<16x1xi32>
      %gather3A_1190 = vector.shape_cast %broadcast_in_dim3A_1189 : vector<16x1xi32> to vector<16xi32>
      %gather3A_1191 = tpu.dynamic_gather %add3A_1188[%gather3A_1190] in [0] : vector<16xf32>, vector<16xi32> -> vector<16xf32>
      %add3A_1192 = arith.addf %add3A_1188, %gather3A_1191 : vector<16xf32>
      %select_n3A_1193 = arith.select %eq3A_1176, %add3A_1192, %select_n3A_1107 : vector<16xi1>, vector<16xf32>
      %mul3A_1194 = arith.constant 16 : i32
      %mul3A_1195 = arith.muli %scan3A_328, %mul3A_1194 : i32
      %add3A_1196 = arith.constant 10 : i32
      %add3A_1197 = arith.addi %mul3A_1195, %add3A_1196 : i32
      %slice3A_1198 = vector.extract_strided_slice %get3A_332 {offsets = [10], sizes = [1], strides = [1]} : vector<16xf32> to vector<1xf32>
      %squeeze3A_1199 = vector.extract %slice3A_1198[0] : f32 from vector<1xf32>
      %slice3A_1200 = vector.extract_strided_slice %get3A_337 {offsets = [10], sizes = [1], strides = [1]} : vector<16xf32> to vector<1xf32>
      %squeeze3A_1201 = vector.extract %slice3A_1200[0] : f32 from vector<1xf32>
      %broadcast_in_dim3A_1202 = arith.constant 0.000000e+00 : f32
      %broadcast_in_dim3A_1203 = vector.broadcast %broadcast_in_dim3A_1202 : f32 to vector<16xf32>
      %get3A_1204 = arith.index_cast %add3A_1197 : i32 to index
      %get3A_1205 = arith.constant 0 : index
      %get3A_1206 = tpu.vector_load %arg11[%get3A_1204, %get3A_1205] {strides = array<i32>} : memref<512x64xf32, #tpu.memory_space<vmem>>, vector<1x16xf32>,
      %get3A_1207 = vector.shape_cast %get3A_1206 : vector<1x16xf32> to vector<16xf32>
      %add3A_1208 = vector.broadcast %squeeze3A_1199 : f32 to vector<16xf32>
      %add3A_1209 = arith.addf %get3A_1207, %add3A_1208 : vector<16xf32>
      %get3A_1210 = arith.index_cast %add3A_1197 : i32 to index
      %get3A_1211 = arith.constant 0 : index
      %get3A_1212 = tpu.vector_load %arg12[%get3A_1210, %get3A_1211] {strides = array<i32>} : memref<512x64xf32, #tpu.memory_space<vmem>>, vector<1x16xf32>,
      %get3A_1213 = vector.shape_cast %get3A_1212 : vector<1x16xf32> to vector<16xf32>
      %add3A_1214 = vector.broadcast %squeeze3A_1201 : f32 to vector<16xf32>
      %add3A_1215 = arith.addf %get3A_1213, %add3A_1214 : vector<16xf32>
      %mul3A_1216 = arith.mulf %add3A_1209, %add3A_1215 : vector<16xf32>
      %add3A_1217 = arith.addf %broadcast_in_dim3A_1203, %mul3A_1216 : vector<16xf32>
      %get3A_1218 = arith.index_cast %add3A_1197 : i32 to index
      %get3A_1219 = arith.constant 16 : index
      %get3A_1220 = tpu.vector_load %arg11[%get3A_1218, %get3A_1219] {strides = array<i32>} : memref<512x64xf32, #tpu.memory_space<vmem>>, vector<1x16xf32>,
      %get3A_1221 = vector.shape_cast %get3A_1220 : vector<1x16xf32> to vector<16xf32>
      %add3A_1222 = vector.broadcast %squeeze3A_1199 : f32 to vector<16xf32>
      %add3A_1223 = arith.addf %get3A_1221, %add3A_1222 : vector<16xf32>
      %get3A_1224 = arith.index_cast %add3A_1197 : i32 to index
      %get3A_1225 = arith.constant 16 : index
      %get3A_1226 = tpu.vector_load %arg12[%get3A_1224, %get3A_1225] {strides = array<i32>} : memref<512x64xf32, #tpu.memory_space<vmem>>, vector<1x16xf32>,
      %get3A_1227 = vector.shape_cast %get3A_1226 : vector<1x16xf32> to vector<16xf32>
      %add3A_1228 = vector.broadcast %squeeze3A_1201 : f32 to vector<16xf32>
      %add3A_1229 = arith.addf %get3A_1227, %add3A_1228 : vector<16xf32>
      %mul3A_1230 = arith.mulf %add3A_1223, %add3A_1229 : vector<16xf32>
      %add3A_1231 = arith.addf %add3A_1217, %mul3A_1230 : vector<16xf32>
      %get3A_1232 = arith.index_cast %add3A_1197 : i32 to index
      %get3A_1233 = arith.constant 32 : index
      %get3A_1234 = tpu.vector_load %arg11[%get3A_1232, %get3A_1233] {strides = array<i32>} : memref<512x64xf32, #tpu.memory_space<vmem>>, vector<1x16xf32>,
      %get3A_1235 = vector.shape_cast %get3A_1234 : vector<1x16xf32> to vector<16xf32>
      %add3A_1236 = vector.broadcast %squeeze3A_1199 : f32 to vector<16xf32>
      %add3A_1237 = arith.addf %get3A_1235, %add3A_1236 : vector<16xf32>
      %get3A_1238 = arith.index_cast %add3A_1197 : i32 to index
      %get3A_1239 = arith.constant 32 : index
      %get3A_1240 = tpu.vector_load %arg12[%get3A_1238, %get3A_1239] {strides = array<i32>} : memref<512x64xf32, #tpu.memory_space<vmem>>, vector<1x16xf32>,
      %get3A_1241 = vector.shape_cast %get3A_1240 : vector<1x16xf32> to vector<16xf32>
      %add3A_1242 = vector.broadcast %squeeze3A_1201 : f32 to vector<16xf32>
      %add3A_1243 = arith.addf %get3A_1241, %add3A_1242 : vector<16xf32>
      %mul3A_1244 = arith.mulf %add3A_1237, %add3A_1243 : vector<16xf32>
      %add3A_1245 = arith.addf %add3A_1231, %mul3A_1244 : vector<16xf32>
      %get3A_1246 = arith.index_cast %add3A_1197 : i32 to index
      %get3A_1247 = arith.constant 48 : index
      %get3A_1248 = tpu.vector_load %arg11[%get3A_1246, %get3A_1247] {strides = array<i32>} : memref<512x64xf32, #tpu.memory_space<vmem>>, vector<1x16xf32>,
      %get3A_1249 = vector.shape_cast %get3A_1248 : vector<1x16xf32> to vector<16xf32>
      %add3A_1250 = vector.broadcast %squeeze3A_1199 : f32 to vector<16xf32>
      %add3A_1251 = arith.addf %get3A_1249, %add3A_1250 : vector<16xf32>
      %get3A_1252 = arith.index_cast %add3A_1197 : i32 to index
      %get3A_1253 = arith.constant 48 : index
      %get3A_1254 = tpu.vector_load %arg12[%get3A_1252, %get3A_1253] {strides = array<i32>} : memref<512x64xf32, #tpu.memory_space<vmem>>, vector<1x16xf32>,
      %get3A_1255 = vector.shape_cast %get3A_1254 : vector<1x16xf32> to vector<16xf32>
      %add3A_1256 = vector.broadcast %squeeze3A_1201 : f32 to vector<16xf32>
      %add3A_1257 = arith.addf %get3A_1255, %add3A_1256 : vector<16xf32>
      %mul3A_1258 = arith.mulf %add3A_1251, %add3A_1257 : vector<16xf32>
      %add3A_1259 = arith.addf %add3A_1245, %mul3A_1258 : vector<16xf32>
      %eq3A_1260 = arith.constant 10 : i32
      %eq3A_1261 = vector.broadcast %eq3A_1260 : i32 to vector<16xi32>
      %eq3A_1262 = arith.cmpi eq, %iota3A, %eq3A_1261 : vector<16xi32>
      %broadcast_in_dim3A_1263 = vector.shape_cast %xor3A_313 : vector<16xi32> to vector<16x1xi32>
      %gather3A_1264 = vector.shape_cast %broadcast_in_dim3A_1263 : vector<16x1xi32> to vector<16xi32>
      %gather3A_1265 = tpu.dynamic_gather %add3A_1259[%gather3A_1264] in [0] : vector<16xf32>, vector<16xi32> -> vector<16xf32>
      %add3A_1266 = arith.addf %add3A_1259, %gather3A_1265 : vector<16xf32>
      %broadcast_in_dim3A_1267 = vector.shape_cast %xor3A_316 : vector<16xi32> to vector<16x1xi32>
      %gather3A_1268 = vector.shape_cast %broadcast_in_dim3A_1267 : vector<16x1xi32> to vector<16xi32>
      %gather3A_1269 = tpu.dynamic_gather %add3A_1266[%gather3A_1268] in [0] : vector<16xf32>, vector<16xi32> -> vector<16xf32>
      %add3A_1270 = arith.addf %add3A_1266, %gather3A_1269 : vector<16xf32>
      %broadcast_in_dim3A_1271 = vector.shape_cast %xor3A_319 : vector<16xi32> to vector<16x1xi32>
      %gather3A_1272 = vector.shape_cast %broadcast_in_dim3A_1271 : vector<16x1xi32> to vector<16xi32>
      %gather3A_1273 = tpu.dynamic_gather %add3A_1270[%gather3A_1272] in [0] : vector<16xf32>, vector<16xi32> -> vector<16xf32>
      %add3A_1274 = arith.addf %add3A_1270, %gather3A_1273 : vector<16xf32>
      %broadcast_in_dim3A_1275 = vector.shape_cast %xor3A_322 : vector<16xi32> to vector<16x1xi32>
      %gather3A_1276 = vector.shape_cast %broadcast_in_dim3A_1275 : vector<16x1xi32> to vector<16xi32>
      %gather3A_1277 = tpu.dynamic_gather %add3A_1274[%gather3A_1276] in [0] : vector<16xf32>, vector<16xi32> -> vector<16xf32>
      %add3A_1278 = arith.addf %add3A_1274, %gather3A_1277 : vector<16xf32>
      %select_n3A_1279 = arith.select %eq3A_1262, %add3A_1278, %select_n3A_1193 : vector<16xi1>, vector<16xf32>
      %mul3A_1280 = arith.constant 16 : i32
      %mul3A_1281 = arith.muli %scan3A_328, %mul3A_1280 : i32
      %add3A_1282 = arith.constant 11 : i32
      %add3A_1283 = arith.addi %mul3A_1281, %add3A_1282 : i32
      %slice3A_1284 = vector.extract_strided_slice %get3A_332 {offsets = [11], sizes = [1], strides = [1]} : vector<16xf32> to vector<1xf32>
      %squeeze3A_1285 = vector.extract %slice3A_1284[0] : f32 from vector<1xf32>
      %slice3A_1286 = vector.extract_strided_slice %get3A_337 {offsets = [11], sizes = [1], strides = [1]} : vector<16xf32> to vector<1xf32>
      %squeeze3A_1287 = vector.extract %slice3A_1286[0] : f32 from vector<1xf32>
      %broadcast_in_dim3A_1288 = arith.constant 0.000000e+00 : f32
      %broadcast_in_dim3A_1289 = vector.broadcast %broadcast_in_dim3A_1288 : f32 to vector<16xf32>
      %get3A_1290 = arith.index_cast %add3A_1283 : i32 to index
      %get3A_1291 = arith.constant 0 : index
      %get3A_1292 = tpu.vector_load %arg11[%get3A_1290, %get3A_1291] {strides = array<i32>} : memref<512x64xf32, #tpu.memory_space<vmem>>, vector<1x16xf32>,
      %get3A_1293 = vector.shape_cast %get3A_1292 : vector<1x16xf32> to vector<16xf32>
      %add3A_1294 = vector.broadcast %squeeze3A_1285 : f32 to vector<16xf32>
      %add3A_1295 = arith.addf %get3A_1293, %add3A_1294 : vector<16xf32>
      %get3A_1296 = arith.index_cast %add3A_1283 : i32 to index
      %get3A_1297 = arith.constant 0 : index
      %get3A_1298 = tpu.vector_load %arg12[%get3A_1296, %get3A_1297] {strides = array<i32>} : memref<512x64xf32, #tpu.memory_space<vmem>>, vector<1x16xf32>,
      %get3A_1299 = vector.shape_cast %get3A_1298 : vector<1x16xf32> to vector<16xf32>
      %add3A_1300 = vector.broadcast %squeeze3A_1287 : f32 to vector<16xf32>
      %add3A_1301 = arith.addf %get3A_1299, %add3A_1300 : vector<16xf32>
      %mul3A_1302 = arith.mulf %add3A_1295, %add3A_1301 : vector<16xf32>
      %add3A_1303 = arith.addf %broadcast_in_dim3A_1289, %mul3A_1302 : vector<16xf32>
      %get3A_1304 = arith.index_cast %add3A_1283 : i32 to index
      %get3A_1305 = arith.constant 16 : index
      %get3A_1306 = tpu.vector_load %arg11[%get3A_1304, %get3A_1305] {strides = array<i32>} : memref<512x64xf32, #tpu.memory_space<vmem>>, vector<1x16xf32>,
      %get3A_1307 = vector.shape_cast %get3A_1306 : vector<1x16xf32> to vector<16xf32>
      %add3A_1308 = vector.broadcast %squeeze3A_1285 : f32 to vector<16xf32>
      %add3A_1309 = arith.addf %get3A_1307, %add3A_1308 : vector<16xf32>
      %get3A_1310 = arith.index_cast %add3A_1283 : i32 to index
      %get3A_1311 = arith.constant 16 : index
      %get3A_1312 = tpu.vector_load %arg12[%get3A_1310, %get3A_1311] {strides = array<i32>} : memref<512x64xf32, #tpu.memory_space<vmem>>, vector<1x16xf32>,
      %get3A_1313 = vector.shape_cast %get3A_1312 : vector<1x16xf32> to vector<16xf32>
      %add3A_1314 = vector.broadcast %squeeze3A_1287 : f32 to vector<16xf32>
      %add3A_1315 = arith.addf %get3A_1313, %add3A_1314 : vector<16xf32>
      %mul3A_1316 = arith.mulf %add3A_1309, %add3A_1315 : vector<16xf32>
      %add3A_1317 = arith.addf %add3A_1303, %mul3A_1316 : vector<16xf32>
      %get3A_1318 = arith.index_cast %add3A_1283 : i32 to index
      %get3A_1319 = arith.constant 32 : index
      %get3A_1320 = tpu.vector_load %arg11[%get3A_1318, %get3A_1319] {strides = array<i32>} : memref<512x64xf32, #tpu.memory_space<vmem>>, vector<1x16xf32>,
      %get3A_1321 = vector.shape_cast %get3A_1320 : vector<1x16xf32> to vector<16xf32>
      %add3A_1322 = vector.broadcast %squeeze3A_1285 : f32 to vector<16xf32>
      %add3A_1323 = arith.addf %get3A_1321, %add3A_1322 : vector<16xf32>
      %get3A_1324 = arith.index_cast %add3A_1283 : i32 to index
      %get3A_1325 = arith.constant 32 : index
      %get3A_1326 = tpu.vector_load %arg12[%get3A_1324, %get3A_1325] {strides = array<i32>} : memref<512x64xf32, #tpu.memory_space<vmem>>, vector<1x16xf32>,
      %get3A_1327 = vector.shape_cast %get3A_1326 : vector<1x16xf32> to vector<16xf32>
      %add3A_1328 = vector.broadcast %squeeze3A_1287 : f32 to vector<16xf32>
      %add3A_1329 = arith.addf %get3A_1327, %add3A_1328 : vector<16xf32>
      %mul3A_1330 = arith.mulf %add3A_1323, %add3A_1329 : vector<16xf32>
      %add3A_1331 = arith.addf %add3A_1317, %mul3A_1330 : vector<16xf32>
      %get3A_1332 = arith.index_cast %add3A_1283 : i32 to index
      %get3A_1333 = arith.constant 48 : index
      %get3A_1334 = tpu.vector_load %arg11[%get3A_1332, %get3A_1333] {strides = array<i32>} : memref<512x64xf32, #tpu.memory_space<vmem>>, vector<1x16xf32>,
      %get3A_1335 = vector.shape_cast %get3A_1334 : vector<1x16xf32> to vector<16xf32>
      %add3A_1336 = vector.broadcast %squeeze3A_1285 : f32 to vector<16xf32>
      %add3A_1337 = arith.addf %get3A_1335, %add3A_1336 : vector<16xf32>
      %get3A_1338 = arith.index_cast %add3A_1283 : i32 to index
      %get3A_1339 = arith.constant 48 : index
      %get3A_1340 = tpu.vector_load %arg12[%get3A_1338, %get3A_1339] {strides = array<i32>} : memref<512x64xf32, #tpu.memory_space<vmem>>, vector<1x16xf32>,
      %get3A_1341 = vector.shape_cast %get3A_1340 : vector<1x16xf32> to vector<16xf32>
      %add3A_1342 = vector.broadcast %squeeze3A_1287 : f32 to vector<16xf32>
      %add3A_1343 = arith.addf %get3A_1341, %add3A_1342 : vector<16xf32>
      %mul3A_1344 = arith.mulf %add3A_1337, %add3A_1343 : vector<16xf32>
      %add3A_1345 = arith.addf %add3A_1331, %mul3A_1344 : vector<16xf32>
      %eq3A_1346 = arith.constant 11 : i32
      %eq3A_1347 = vector.broadcast %eq3A_1346 : i32 to vector<16xi32>
      %eq3A_1348 = arith.cmpi eq, %iota3A, %eq3A_1347 : vector<16xi32>
      %broadcast_in_dim3A_1349 = vector.shape_cast %xor3A_313 : vector<16xi32> to vector<16x1xi32>
      %gather3A_1350 = vector.shape_cast %broadcast_in_dim3A_1349 : vector<16x1xi32> to vector<16xi32>
      %gather3A_1351 = tpu.dynamic_gather %add3A_1345[%gather3A_1350] in [0] : vector<16xf32>, vector<16xi32> -> vector<16xf32>
      %add3A_1352 = arith.addf %add3A_1345, %gather3A_1351 : vector<16xf32>
      %broadcast_in_dim3A_1353 = vector.shape_cast %xor3A_316 : vector<16xi32> to vector<16x1xi32>
      %gather3A_1354 = vector.shape_cast %broadcast_in_dim3A_1353 : vector<16x1xi32> to vector<16xi32>
      %gather3A_1355 = tpu.dynamic_gather %add3A_1352[%gather3A_1354] in [0] : vector<16xf32>, vector<16xi32> -> vector<16xf32>
      %add3A_1356 = arith.addf %add3A_1352, %gather3A_1355 : vector<16xf32>
      %broadcast_in_dim3A_1357 = vector.shape_cast %xor3A_319 : vector<16xi32> to vector<16x1xi32>
      %gather3A_1358 = vector.shape_cast %broadcast_in_dim3A_1357 : vector<16x1xi32> to vector<16xi32>
      %gather3A_1359 = tpu.dynamic_gather %add3A_1356[%gather3A_1358] in [0] : vector<16xf32>, vector<16xi32> -> vector<16xf32>
      %add3A_1360 = arith.addf %add3A_1356, %gather3A_1359 : vector<16xf32>
      %broadcast_in_dim3A_1361 = vector.shape_cast %xor3A_322 : vector<16xi32> to vector<16x1xi32>
      %gather3A_1362 = vector.shape_cast %broadcast_in_dim3A_1361 : vector<16x1xi32> to vector<16xi32>
      %gather3A_1363 = tpu.dynamic_gather %add3A_1360[%gather3A_1362] in [0] : vector<16xf32>, vector<16xi32> -> vector<16xf32>
      %add3A_1364 = arith.addf %add3A_1360, %gather3A_1363 : vector<16xf32>
      %select_n3A_1365 = arith.select %eq3A_1348, %add3A_1364, %select_n3A_1279 : vector<16xi1>, vector<16xf32>
      %mul3A_1366 = arith.constant 16 : i32
      %mul3A_1367 = arith.muli %scan3A_328, %mul3A_1366 : i32
      %add3A_1368 = arith.constant 12 : i32
      %add3A_1369 = arith.addi %mul3A_1367, %add3A_1368 : i32
      %slice3A_1370 = vector.extract_strided_slice %get3A_332 {offsets = [12], sizes = [1], strides = [1]} : vector<16xf32> to vector<1xf32>
      %squeeze3A_1371 = vector.extract %slice3A_1370[0] : f32 from vector<1xf32>
      %slice3A_1372 = vector.extract_strided_slice %get3A_337 {offsets = [12], sizes = [1], strides = [1]} : vector<16xf32> to vector<1xf32>
      %squeeze3A_1373 = vector.extract %slice3A_1372[0] : f32 from vector<1xf32>
      %broadcast_in_dim3A_1374 = arith.constant 0.000000e+00 : f32
      %broadcast_in_dim3A_1375 = vector.broadcast %broadcast_in_dim3A_1374 : f32 to vector<16xf32>
      %get3A_1376 = arith.index_cast %add3A_1369 : i32 to index
      %get3A_1377 = arith.constant 0 : index
      %get3A_1378 = tpu.vector_load %arg11[%get3A_1376, %get3A_1377] {strides = array<i32>} : memref<512x64xf32, #tpu.memory_space<vmem>>, vector<1x16xf32>,
      %get3A_1379 = vector.shape_cast %get3A_1378 : vector<1x16xf32> to vector<16xf32>
      %add3A_1380 = vector.broadcast %squeeze3A_1371 : f32 to vector<16xf32>
      %add3A_1381 = arith.addf %get3A_1379, %add3A_1380 : vector<16xf32>
      %get3A_1382 = arith.index_cast %add3A_1369 : i32 to index
      %get3A_1383 = arith.constant 0 : index
      %get3A_1384 = tpu.vector_load %arg12[%get3A_1382, %get3A_1383] {strides = array<i32>} : memref<512x64xf32, #tpu.memory_space<vmem>>, vector<1x16xf32>,
      %get3A_1385 = vector.shape_cast %get3A_1384 : vector<1x16xf32> to vector<16xf32>
      %add3A_1386 = vector.broadcast %squeeze3A_1373 : f32 to vector<16xf32>
      %add3A_1387 = arith.addf %get3A_1385, %add3A_1386 : vector<16xf32>
      %mul3A_1388 = arith.mulf %add3A_1381, %add3A_1387 : vector<16xf32>
      %add3A_1389 = arith.addf %broadcast_in_dim3A_1375, %mul3A_1388 : vector<16xf32>
      %get3A_1390 = arith.index_cast %add3A_1369 : i32 to index
      %get3A_1391 = arith.constant 16 : index
      %get3A_1392 = tpu.vector_load %arg11[%get3A_1390, %get3A_1391] {strides = array<i32>} : memref<512x64xf32, #tpu.memory_space<vmem>>, vector<1x16xf32>,
      %get3A_1393 = vector.shape_cast %get3A_1392 : vector<1x16xf32> to vector<16xf32>
      %add3A_1394 = vector.broadcast %squeeze3A_1371 : f32 to vector<16xf32>
      %add3A_1395 = arith.addf %get3A_1393, %add3A_1394 : vector<16xf32>
      %get3A_1396 = arith.index_cast %add3A_1369 : i32 to index
      %get3A_1397 = arith.constant 16 : index
      %get3A_1398 = tpu.vector_load %arg12[%get3A_1396, %get3A_1397] {strides = array<i32>} : memref<512x64xf32, #tpu.memory_space<vmem>>, vector<1x16xf32>,
      %get3A_1399 = vector.shape_cast %get3A_1398 : vector<1x16xf32> to vector<16xf32>
      %add3A_1400 = vector.broadcast %squeeze3A_1373 : f32 to vector<16xf32>
      %add3A_1401 = arith.addf %get3A_1399, %add3A_1400 : vector<16xf32>
      %mul3A_1402 = arith.mulf %add3A_1395, %add3A_1401 : vector<16xf32>
      %add3A_1403 = arith.addf %add3A_1389, %mul3A_1402 : vector<16xf32>
      %get3A_1404 = arith.index_cast %add3A_1369 : i32 to index
      %get3A_1405 = arith.constant 32 : index
      %get3A_1406 = tpu.vector_load %arg11[%get3A_1404, %get3A_1405] {strides = array<i32>} : memref<512x64xf32, #tpu.memory_space<vmem>>, vector<1x16xf32>,
      %get3A_1407 = vector.shape_cast %get3A_1406 : vector<1x16xf32> to vector<16xf32>
      %add3A_1408 = vector.broadcast %squeeze3A_1371 : f32 to vector<16xf32>
      %add3A_1409 = arith.addf %get3A_1407, %add3A_1408 : vector<16xf32>
      %get3A_1410 = arith.index_cast %add3A_1369 : i32 to index
      %get3A_1411 = arith.constant 32 : index
      %get3A_1412 = tpu.vector_load %arg12[%get3A_1410, %get3A_1411] {strides = array<i32>} : memref<512x64xf32, #tpu.memory_space<vmem>>, vector<1x16xf32>,
      %get3A_1413 = vector.shape_cast %get3A_1412 : vector<1x16xf32> to vector<16xf32>
      %add3A_1414 = vector.broadcast %squeeze3A_1373 : f32 to vector<16xf32>
      %add3A_1415 = arith.addf %get3A_1413, %add3A_1414 : vector<16xf32>
      %mul3A_1416 = arith.mulf %add3A_1409, %add3A_1415 : vector<16xf32>
      %add3A_1417 = arith.addf %add3A_1403, %mul3A_1416 : vector<16xf32>
      %get3A_1418 = arith.index_cast %add3A_1369 : i32 to index
      %get3A_1419 = arith.constant 48 : index
      %get3A_1420 = tpu.vector_load %arg11[%get3A_1418, %get3A_1419] {strides = array<i32>} : memref<512x64xf32, #tpu.memory_space<vmem>>, vector<1x16xf32>,
      %get3A_1421 = vector.shape_cast %get3A_1420 : vector<1x16xf32> to vector<16xf32>
      %add3A_1422 = vector.broadcast %squeeze3A_1371 : f32 to vector<16xf32>
      %add3A_1423 = arith.addf %get3A_1421, %add3A_1422 : vector<16xf32>
      %get3A_1424 = arith.index_cast %add3A_1369 : i32 to index
      %get3A_1425 = arith.constant 48 : index
      %get3A_1426 = tpu.vector_load %arg12[%get3A_1424, %get3A_1425] {strides = array<i32>} : memref<512x64xf32, #tpu.memory_space<vmem>>, vector<1x16xf32>,
      %get3A_1427 = vector.shape_cast %get3A_1426 : vector<1x16xf32> to vector<16xf32>
      %add3A_1428 = vector.broadcast %squeeze3A_1373 : f32 to vector<16xf32>
      %add3A_1429 = arith.addf %get3A_1427, %add3A_1428 : vector<16xf32>
      %mul3A_1430 = arith.mulf %add3A_1423, %add3A_1429 : vector<16xf32>
      %add3A_1431 = arith.addf %add3A_1417, %mul3A_1430 : vector<16xf32>
      %eq3A_1432 = arith.constant 12 : i32
      %eq3A_1433 = vector.broadcast %eq3A_1432 : i32 to vector<16xi32>
      %eq3A_1434 = arith.cmpi eq, %iota3A, %eq3A_1433 : vector<16xi32>
      %broadcast_in_dim3A_1435 = vector.shape_cast %xor3A_313 : vector<16xi32> to vector<16x1xi32>
      %gather3A_1436 = vector.shape_cast %broadcast_in_dim3A_1435 : vector<16x1xi32> to vector<16xi32>
      %gather3A_1437 = tpu.dynamic_gather %add3A_1431[%gather3A_1436] in [0] : vector<16xf32>, vector<16xi32> -> vector<16xf32>
      %add3A_1438 = arith.addf %add3A_1431, %gather3A_1437 : vector<16xf32>
      %broadcast_in_dim3A_1439 = vector.shape_cast %xor3A_316 : vector<16xi32> to vector<16x1xi32>
      %gather3A_1440 = vector.shape_cast %broadcast_in_dim3A_1439 : vector<16x1xi32> to vector<16xi32>
      %gather3A_1441 = tpu.dynamic_gather %add3A_1438[%gather3A_1440] in [0] : vector<16xf32>, vector<16xi32> -> vector<16xf32>
      %add3A_1442 = arith.addf %add3A_1438, %gather3A_1441 : vector<16xf32>
      %broadcast_in_dim3A_1443 = vector.shape_cast %xor3A_319 : vector<16xi32> to vector<16x1xi32>
      %gather3A_1444 = vector.shape_cast %broadcast_in_dim3A_1443 : vector<16x1xi32> to vector<16xi32>
      %gather3A_1445 = tpu.dynamic_gather %add3A_1442[%gather3A_1444] in [0] : vector<16xf32>, vector<16xi32> -> vector<16xf32>
      %add3A_1446 = arith.addf %add3A_1442, %gather3A_1445 : vector<16xf32>
      %broadcast_in_dim3A_1447 = vector.shape_cast %xor3A_322 : vector<16xi32> to vector<16x1xi32>
      %gather3A_1448 = vector.shape_cast %broadcast_in_dim3A_1447 : vector<16x1xi32> to vector<16xi32>
      %gather3A_1449 = tpu.dynamic_gather %add3A_1446[%gather3A_1448] in [0] : vector<16xf32>, vector<16xi32> -> vector<16xf32>
      %add3A_1450 = arith.addf %add3A_1446, %gather3A_1449 : vector<16xf32>
      %select_n3A_1451 = arith.select %eq3A_1434, %add3A_1450, %select_n3A_1365 : vector<16xi1>, vector<16xf32>
      %mul3A_1452 = arith.constant 16 : i32
      %mul3A_1453 = arith.muli %scan3A_328, %mul3A_1452 : i32
      %add3A_1454 = arith.constant 13 : i32
      %add3A_1455 = arith.addi %mul3A_1453, %add3A_1454 : i32
      %slice3A_1456 = vector.extract_strided_slice %get3A_332 {offsets = [13], sizes = [1], strides = [1]} : vector<16xf32> to vector<1xf32>
      %squeeze3A_1457 = vector.extract %slice3A_1456[0] : f32 from vector<1xf32>
      %slice3A_1458 = vector.extract_strided_slice %get3A_337 {offsets = [13], sizes = [1], strides = [1]} : vector<16xf32> to vector<1xf32>
      %squeeze3A_1459 = vector.extract %slice3A_1458[0] : f32 from vector<1xf32>
      %broadcast_in_dim3A_1460 = arith.constant 0.000000e+00 : f32
      %broadcast_in_dim3A_1461 = vector.broadcast %broadcast_in_dim3A_1460 : f32 to vector<16xf32>
      %get3A_1462 = arith.index_cast %add3A_1455 : i32 to index
      %get3A_1463 = arith.constant 0 : index
      %get3A_1464 = tpu.vector_load %arg11[%get3A_1462, %get3A_1463] {strides = array<i32>} : memref<512x64xf32, #tpu.memory_space<vmem>>, vector<1x16xf32>,
      %get3A_1465 = vector.shape_cast %get3A_1464 : vector<1x16xf32> to vector<16xf32>
      %add3A_1466 = vector.broadcast %squeeze3A_1457 : f32 to vector<16xf32>
      %add3A_1467 = arith.addf %get3A_1465, %add3A_1466 : vector<16xf32>
      %get3A_1468 = arith.index_cast %add3A_1455 : i32 to index
      %get3A_1469 = arith.constant 0 : index
      %get3A_1470 = tpu.vector_load %arg12[%get3A_1468, %get3A_1469] {strides = array<i32>} : memref<512x64xf32, #tpu.memory_space<vmem>>, vector<1x16xf32>,
      %get3A_1471 = vector.shape_cast %get3A_1470 : vector<1x16xf32> to vector<16xf32>
      %add3A_1472 = vector.broadcast %squeeze3A_1459 : f32 to vector<16xf32>
      %add3A_1473 = arith.addf %get3A_1471, %add3A_1472 : vector<16xf32>
      %mul3A_1474 = arith.mulf %add3A_1467, %add3A_1473 : vector<16xf32>
      %add3A_1475 = arith.addf %broadcast_in_dim3A_1461, %mul3A_1474 : vector<16xf32>
      %get3A_1476 = arith.index_cast %add3A_1455 : i32 to index
      %get3A_1477 = arith.constant 16 : index
      %get3A_1478 = tpu.vector_load %arg11[%get3A_1476, %get3A_1477] {strides = array<i32>} : memref<512x64xf32, #tpu.memory_space<vmem>>, vector<1x16xf32>,
      %get3A_1479 = vector.shape_cast %get3A_1478 : vector<1x16xf32> to vector<16xf32>
      %add3A_1480 = vector.broadcast %squeeze3A_1457 : f32 to vector<16xf32>
      %add3A_1481 = arith.addf %get3A_1479, %add3A_1480 : vector<16xf32>
      %get3A_1482 = arith.index_cast %add3A_1455 : i32 to index
      %get3A_1483 = arith.constant 16 : index
      %get3A_1484 = tpu.vector_load %arg12[%get3A_1482, %get3A_1483] {strides = array<i32>} : memref<512x64xf32, #tpu.memory_space<vmem>>, vector<1x16xf32>,
      %get3A_1485 = vector.shape_cast %get3A_1484 : vector<1x16xf32> to vector<16xf32>
      %add3A_1486 = vector.broadcast %squeeze3A_1459 : f32 to vector<16xf32>
      %add3A_1487 = arith.addf %get3A_1485, %add3A_1486 : vector<16xf32>
      %mul3A_1488 = arith.mulf %add3A_1481, %add3A_1487 : vector<16xf32>
      %add3A_1489 = arith.addf %add3A_1475, %mul3A_1488 : vector<16xf32>
      %get3A_1490 = arith.index_cast %add3A_1455 : i32 to index
      %get3A_1491 = arith.constant 32 : index
      %get3A_1492 = tpu.vector_load %arg11[%get3A_1490, %get3A_1491] {strides = array<i32>} : memref<512x64xf32, #tpu.memory_space<vmem>>, vector<1x16xf32>,
      %get3A_1493 = vector.shape_cast %get3A_1492 : vector<1x16xf32> to vector<16xf32>
      %add3A_1494 = vector.broadcast %squeeze3A_1457 : f32 to vector<16xf32>
      %add3A_1495 = arith.addf %get3A_1493, %add3A_1494 : vector<16xf32>
      %get3A_1496 = arith.index_cast %add3A_1455 : i32 to index
      %get3A_1497 = arith.constant 32 : index
      %get3A_1498 = tpu.vector_load %arg12[%get3A_1496, %get3A_1497] {strides = array<i32>} : memref<512x64xf32, #tpu.memory_space<vmem>>, vector<1x16xf32>,
      %get3A_1499 = vector.shape_cast %get3A_1498 : vector<1x16xf32> to vector<16xf32>
      %add3A_1500 = vector.broadcast %squeeze3A_1459 : f32 to vector<16xf32>
      %add3A_1501 = arith.addf %get3A_1499, %add3A_1500 : vector<16xf32>
      %mul3A_1502 = arith.mulf %add3A_1495, %add3A_1501 : vector<16xf32>
      %add3A_1503 = arith.addf %add3A_1489, %mul3A_1502 : vector<16xf32>
      %get3A_1504 = arith.index_cast %add3A_1455 : i32 to index
      %get3A_1505 = arith.constant 48 : index
      %get3A_1506 = tpu.vector_load %arg11[%get3A_1504, %get3A_1505] {strides = array<i32>} : memref<512x64xf32, #tpu.memory_space<vmem>>, vector<1x16xf32>,
      %get3A_1507 = vector.shape_cast %get3A_1506 : vector<1x16xf32> to vector<16xf32>
      %add3A_1508 = vector.broadcast %squeeze3A_1457 : f32 to vector<16xf32>
      %add3A_1509 = arith.addf %get3A_1507, %add3A_1508 : vector<16xf32>
      %get3A_1510 = arith.index_cast %add3A_1455 : i32 to index
      %get3A_1511 = arith.constant 48 : index
      %get3A_1512 = tpu.vector_load %arg12[%get3A_1510, %get3A_1511] {strides = array<i32>} : memref<512x64xf32, #tpu.memory_space<vmem>>, vector<1x16xf32>,
      %get3A_1513 = vector.shape_cast %get3A_1512 : vector<1x16xf32> to vector<16xf32>
      %add3A_1514 = vector.broadcast %squeeze3A_1459 : f32 to vector<16xf32>
      %add3A_1515 = arith.addf %get3A_1513, %add3A_1514 : vector<16xf32>
      %mul3A_1516 = arith.mulf %add3A_1509, %add3A_1515 : vector<16xf32>
      %add3A_1517 = arith.addf %add3A_1503, %mul3A_1516 : vector<16xf32>
      %eq3A_1518 = arith.constant 13 : i32
      %eq3A_1519 = vector.broadcast %eq3A_1518 : i32 to vector<16xi32>
      %eq3A_1520 = arith.cmpi eq, %iota3A, %eq3A_1519 : vector<16xi32>
      %broadcast_in_dim3A_1521 = vector.shape_cast %xor3A_313 : vector<16xi32> to vector<16x1xi32>
      %gather3A_1522 = vector.shape_cast %broadcast_in_dim3A_1521 : vector<16x1xi32> to vector<16xi32>
      %gather3A_1523 = tpu.dynamic_gather %add3A_1517[%gather3A_1522] in [0] : vector<16xf32>, vector<16xi32> -> vector<16xf32>
      %add3A_1524 = arith.addf %add3A_1517, %gather3A_1523 : vector<16xf32>
      %broadcast_in_dim3A_1525 = vector.shape_cast %xor3A_316 : vector<16xi32> to vector<16x1xi32>
      %gather3A_1526 = vector.shape_cast %broadcast_in_dim3A_1525 : vector<16x1xi32> to vector<16xi32>
      %gather3A_1527 = tpu.dynamic_gather %add3A_1524[%gather3A_1526] in [0] : vector<16xf32>, vector<16xi32> -> vector<16xf32>
      %add3A_1528 = arith.addf %add3A_1524, %gather3A_1527 : vector<16xf32>
      %broadcast_in_dim3A_1529 = vector.shape_cast %xor3A_319 : vector<16xi32> to vector<16x1xi32>
      %gather3A_1530 = vector.shape_cast %broadcast_in_dim3A_1529 : vector<16x1xi32> to vector<16xi32>
      %gather3A_1531 = tpu.dynamic_gather %add3A_1528[%gather3A_1530] in [0] : vector<16xf32>, vector<16xi32> -> vector<16xf32>
      %add3A_1532 = arith.addf %add3A_1528, %gather3A_1531 : vector<16xf32>
      %broadcast_in_dim3A_1533 = vector.shape_cast %xor3A_322 : vector<16xi32> to vector<16x1xi32>
      %gather3A_1534 = vector.shape_cast %broadcast_in_dim3A_1533 : vector<16x1xi32> to vector<16xi32>
      %gather3A_1535 = tpu.dynamic_gather %add3A_1532[%gather3A_1534] in [0] : vector<16xf32>, vector<16xi32> -> vector<16xf32>
      %add3A_1536 = arith.addf %add3A_1532, %gather3A_1535 : vector<16xf32>
      %select_n3A_1537 = arith.select %eq3A_1520, %add3A_1536, %select_n3A_1451 : vector<16xi1>, vector<16xf32>
      %mul3A_1538 = arith.constant 16 : i32
      %mul3A_1539 = arith.muli %scan3A_328, %mul3A_1538 : i32
      %add3A_1540 = arith.constant 14 : i32
      %add3A_1541 = arith.addi %mul3A_1539, %add3A_1540 : i32
      %slice3A_1542 = vector.extract_strided_slice %get3A_332 {offsets = [14], sizes = [1], strides = [1]} : vector<16xf32> to vector<1xf32>
      %squeeze3A_1543 = vector.extract %slice3A_1542[0] : f32 from vector<1xf32>
      %slice3A_1544 = vector.extract_strided_slice %get3A_337 {offsets = [14], sizes = [1], strides = [1]} : vector<16xf32> to vector<1xf32>
      %squeeze3A_1545 = vector.extract %slice3A_1544[0] : f32 from vector<1xf32>
      %broadcast_in_dim3A_1546 = arith.constant 0.000000e+00 : f32
      %broadcast_in_dim3A_1547 = vector.broadcast %broadcast_in_dim3A_1546 : f32 to vector<16xf32>
      %get3A_1548 = arith.index_cast %add3A_1541 : i32 to index
      %get3A_1549 = arith.constant 0 : index
      %get3A_1550 = tpu.vector_load %arg11[%get3A_1548, %get3A_1549] {strides = array<i32>} : memref<512x64xf32, #tpu.memory_space<vmem>>, vector<1x16xf32>,
      %get3A_1551 = vector.shape_cast %get3A_1550 : vector<1x16xf32> to vector<16xf32>
      %add3A_1552 = vector.broadcast %squeeze3A_1543 : f32 to vector<16xf32>
      %add3A_1553 = arith.addf %get3A_1551, %add3A_1552 : vector<16xf32>
      %get3A_1554 = arith.index_cast %add3A_1541 : i32 to index
      %get3A_1555 = arith.constant 0 : index
      %get3A_1556 = tpu.vector_load %arg12[%get3A_1554, %get3A_1555] {strides = array<i32>} : memref<512x64xf32, #tpu.memory_space<vmem>>, vector<1x16xf32>,
      %get3A_1557 = vector.shape_cast %get3A_1556 : vector<1x16xf32> to vector<16xf32>
      %add3A_1558 = vector.broadcast %squeeze3A_1545 : f32 to vector<16xf32>
      %add3A_1559 = arith.addf %get3A_1557, %add3A_1558 : vector<16xf32>
      %mul3A_1560 = arith.mulf %add3A_1553, %add3A_1559 : vector<16xf32>
      %add3A_1561 = arith.addf %broadcast_in_dim3A_1547, %mul3A_1560 : vector<16xf32>
      %get3A_1562 = arith.index_cast %add3A_1541 : i32 to index
      %get3A_1563 = arith.constant 16 : index
      %get3A_1564 = tpu.vector_load %arg11[%get3A_1562, %get3A_1563] {strides = array<i32>} : memref<512x64xf32, #tpu.memory_space<vmem>>, vector<1x16xf32>,
      %get3A_1565 = vector.shape_cast %get3A_1564 : vector<1x16xf32> to vector<16xf32>
      %add3A_1566 = vector.broadcast %squeeze3A_1543 : f32 to vector<16xf32>
      %add3A_1567 = arith.addf %get3A_1565, %add3A_1566 : vector<16xf32>
      %get3A_1568 = arith.index_cast %add3A_1541 : i32 to index
      %get3A_1569 = arith.constant 16 : index
      %get3A_1570 = tpu.vector_load %arg12[%get3A_1568, %get3A_1569] {strides = array<i32>} : memref<512x64xf32, #tpu.memory_space<vmem>>, vector<1x16xf32>,
      %get3A_1571 = vector.shape_cast %get3A_1570 : vector<1x16xf32> to vector<16xf32>
      %add3A_1572 = vector.broadcast %squeeze3A_1545 : f32 to vector<16xf32>
      %add3A_1573 = arith.addf %get3A_1571, %add3A_1572 : vector<16xf32>
      %mul3A_1574 = arith.mulf %add3A_1567, %add3A_1573 : vector<16xf32>
      %add3A_1575 = arith.addf %add3A_1561, %mul3A_1574 : vector<16xf32>
      %get3A_1576 = arith.index_cast %add3A_1541 : i32 to index
      %get3A_1577 = arith.constant 32 : index
      %get3A_1578 = tpu.vector_load %arg11[%get3A_1576, %get3A_1577] {strides = array<i32>} : memref<512x64xf32, #tpu.memory_space<vmem>>, vector<1x16xf32>,
      %get3A_1579 = vector.shape_cast %get3A_1578 : vector<1x16xf32> to vector<16xf32>
      %add3A_1580 = vector.broadcast %squeeze3A_1543 : f32 to vector<16xf32>
      %add3A_1581 = arith.addf %get3A_1579, %add3A_1580 : vector<16xf32>
      %get3A_1582 = arith.index_cast %add3A_1541 : i32 to index
      %get3A_1583 = arith.constant 32 : index
      %get3A_1584 = tpu.vector_load %arg12[%get3A_1582, %get3A_1583] {strides = array<i32>} : memref<512x64xf32, #tpu.memory_space<vmem>>, vector<1x16xf32>,
      %get3A_1585 = vector.shape_cast %get3A_1584 : vector<1x16xf32> to vector<16xf32>
      %add3A_1586 = vector.broadcast %squeeze3A_1545 : f32 to vector<16xf32>
      %add3A_1587 = arith.addf %get3A_1585, %add3A_1586 : vector<16xf32>
      %mul3A_1588 = arith.mulf %add3A_1581, %add3A_1587 : vector<16xf32>
      %add3A_1589 = arith.addf %add3A_1575, %mul3A_1588 : vector<16xf32>
      %get3A_1590 = arith.index_cast %add3A_1541 : i32 to index
      %get3A_1591 = arith.constant 48 : index
      %get3A_1592 = tpu.vector_load %arg11[%get3A_1590, %get3A_1591] {strides = array<i32>} : memref<512x64xf32, #tpu.memory_space<vmem>>, vector<1x16xf32>,
      %get3A_1593 = vector.shape_cast %get3A_1592 : vector<1x16xf32> to vector<16xf32>
      %add3A_1594 = vector.broadcast %squeeze3A_1543 : f32 to vector<16xf32>
      %add3A_1595 = arith.addf %get3A_1593, %add3A_1594 : vector<16xf32>
      %get3A_1596 = arith.index_cast %add3A_1541 : i32 to index
      %get3A_1597 = arith.constant 48 : index
      %get3A_1598 = tpu.vector_load %arg12[%get3A_1596, %get3A_1597] {strides = array<i32>} : memref<512x64xf32, #tpu.memory_space<vmem>>, vector<1x16xf32>,
      %get3A_1599 = vector.shape_cast %get3A_1598 : vector<1x16xf32> to vector<16xf32>
      %add3A_1600 = vector.broadcast %squeeze3A_1545 : f32 to vector<16xf32>
      %add3A_1601 = arith.addf %get3A_1599, %add3A_1600 : vector<16xf32>
      %mul3A_1602 = arith.mulf %add3A_1595, %add3A_1601 : vector<16xf32>
      %add3A_1603 = arith.addf %add3A_1589, %mul3A_1602 : vector<16xf32>
      %eq3A_1604 = arith.constant 14 : i32
      %eq3A_1605 = vector.broadcast %eq3A_1604 : i32 to vector<16xi32>
      %eq3A_1606 = arith.cmpi eq, %iota3A, %eq3A_1605 : vector<16xi32>
      %broadcast_in_dim3A_1607 = vector.shape_cast %xor3A_313 : vector<16xi32> to vector<16x1xi32>
      %gather3A_1608 = vector.shape_cast %broadcast_in_dim3A_1607 : vector<16x1xi32> to vector<16xi32>
      %gather3A_1609 = tpu.dynamic_gather %add3A_1603[%gather3A_1608] in [0] : vector<16xf32>, vector<16xi32> -> vector<16xf32>
      %add3A_1610 = arith.addf %add3A_1603, %gather3A_1609 : vector<16xf32>
      %broadcast_in_dim3A_1611 = vector.shape_cast %xor3A_316 : vector<16xi32> to vector<16x1xi32>
      %gather3A_1612 = vector.shape_cast %broadcast_in_dim3A_1611 : vector<16x1xi32> to vector<16xi32>
      %gather3A_1613 = tpu.dynamic_gather %add3A_1610[%gather3A_1612] in [0] : vector<16xf32>, vector<16xi32> -> vector<16xf32>
      %add3A_1614 = arith.addf %add3A_1610, %gather3A_1613 : vector<16xf32>
      %broadcast_in_dim3A_1615 = vector.shape_cast %xor3A_319 : vector<16xi32> to vector<16x1xi32>
      %gather3A_1616 = vector.shape_cast %broadcast_in_dim3A_1615 : vector<16x1xi32> to vector<16xi32>
      %gather3A_1617 = tpu.dynamic_gather %add3A_1614[%gather3A_1616] in [0] : vector<16xf32>, vector<16xi32> -> vector<16xf32>
      %add3A_1618 = arith.addf %add3A_1614, %gather3A_1617 : vector<16xf32>
      %broadcast_in_dim3A_1619 = vector.shape_cast %xor3A_322 : vector<16xi32> to vector<16x1xi32>
      %gather3A_1620 = vector.shape_cast %broadcast_in_dim3A_1619 : vector<16x1xi32> to vector<16xi32>
      %gather3A_1621 = tpu.dynamic_gather %add3A_1618[%gather3A_1620] in [0] : vector<16xf32>, vector<16xi32> -> vector<16xf32>
      %add3A_1622 = arith.addf %add3A_1618, %gather3A_1621 : vector<16xf32>
      %select_n3A_1623 = arith.select %eq3A_1606, %add3A_1622, %select_n3A_1537 : vector<16xi1>, vector<16xf32>
      %mul3A_1624 = arith.constant 16 : i32
      %mul3A_1625 = arith.muli %scan3A_328, %mul3A_1624 : i32
      %add3A_1626 = arith.constant 15 : i32
      %add3A_1627 = arith.addi %mul3A_1625, %add3A_1626 : i32
      %slice3A_1628 = vector.extract_strided_slice %get3A_332 {offsets = [15], sizes = [1], strides = [1]} : vector<16xf32> to vector<1xf32>
      %squeeze3A_1629 = vector.extract %slice3A_1628[0] : f32 from vector<1xf32>
      %slice3A_1630 = vector.extract_strided_slice %get3A_337 {offsets = [15], sizes = [1], strides = [1]} : vector<16xf32> to vector<1xf32>
      %squeeze3A_1631 = vector.extract %slice3A_1630[0] : f32 from vector<1xf32>
      %broadcast_in_dim3A_1632 = arith.constant 0.000000e+00 : f32
      %broadcast_in_dim3A_1633 = vector.broadcast %broadcast_in_dim3A_1632 : f32 to vector<16xf32>
      %get3A_1634 = arith.index_cast %add3A_1627 : i32 to index
      %get3A_1635 = arith.constant 0 : index
      %get3A_1636 = tpu.vector_load %arg11[%get3A_1634, %get3A_1635] {strides = array<i32>} : memref<512x64xf32, #tpu.memory_space<vmem>>, vector<1x16xf32>,
      %get3A_1637 = vector.shape_cast %get3A_1636 : vector<1x16xf32> to vector<16xf32>
      %add3A_1638 = vector.broadcast %squeeze3A_1629 : f32 to vector<16xf32>
      %add3A_1639 = arith.addf %get3A_1637, %add3A_1638 : vector<16xf32>
      %get3A_1640 = arith.index_cast %add3A_1627 : i32 to index
      %get3A_1641 = arith.constant 0 : index
      %get3A_1642 = tpu.vector_load %arg12[%get3A_1640, %get3A_1641] {strides = array<i32>} : memref<512x64xf32, #tpu.memory_space<vmem>>, vector<1x16xf32>,
      %get3A_1643 = vector.shape_cast %get3A_1642 : vector<1x16xf32> to vector<16xf32>
      %add3A_1644 = vector.broadcast %squeeze3A_1631 : f32 to vector<16xf32>
      %add3A_1645 = arith.addf %get3A_1643, %add3A_1644 : vector<16xf32>
      %mul3A_1646 = arith.mulf %add3A_1639, %add3A_1645 : vector<16xf32>
      %add3A_1647 = arith.addf %broadcast_in_dim3A_1633, %mul3A_1646 : vector<16xf32>
      %get3A_1648 = arith.index_cast %add3A_1627 : i32 to index
      %get3A_1649 = arith.constant 16 : index
      %get3A_1650 = tpu.vector_load %arg11[%get3A_1648, %get3A_1649] {strides = array<i32>} : memref<512x64xf32, #tpu.memory_space<vmem>>, vector<1x16xf32>,
      %get3A_1651 = vector.shape_cast %get3A_1650 : vector<1x16xf32> to vector<16xf32>
      %add3A_1652 = vector.broadcast %squeeze3A_1629 : f32 to vector<16xf32>
      %add3A_1653 = arith.addf %get3A_1651, %add3A_1652 : vector<16xf32>
      %get3A_1654 = arith.index_cast %add3A_1627 : i32 to index
      %get3A_1655 = arith.constant 16 : index
      %get3A_1656 = tpu.vector_load %arg12[%get3A_1654, %get3A_1655] {strides = array<i32>} : memref<512x64xf32, #tpu.memory_space<vmem>>, vector<1x16xf32>,
      %get3A_1657 = vector.shape_cast %get3A_1656 : vector<1x16xf32> to vector<16xf32>
      %add3A_1658 = vector.broadcast %squeeze3A_1631 : f32 to vector<16xf32>
      %add3A_1659 = arith.addf %get3A_1657, %add3A_1658 : vector<16xf32>
      %mul3A_1660 = arith.mulf %add3A_1653, %add3A_1659 : vector<16xf32>
      %add3A_1661 = arith.addf %add3A_1647, %mul3A_1660 : vector<16xf32>
      %get3A_1662 = arith.index_cast %add3A_1627 : i32 to index
      %get3A_1663 = arith.constant 32 : index
      %get3A_1664 = tpu.vector_load %arg11[%get3A_1662, %get3A_1663] {strides = array<i32>} : memref<512x64xf32, #tpu.memory_space<vmem>>, vector<1x16xf32>,
      %get3A_1665 = vector.shape_cast %get3A_1664 : vector<1x16xf32> to vector<16xf32>
      %add3A_1666 = vector.broadcast %squeeze3A_1629 : f32 to vector<16xf32>
      %add3A_1667 = arith.addf %get3A_1665, %add3A_1666 : vector<16xf32>
      %get3A_1668 = arith.index_cast %add3A_1627 : i32 to index
      %get3A_1669 = arith.constant 32 : index
      %get3A_1670 = tpu.vector_load %arg12[%get3A_1668, %get3A_1669] {strides = array<i32>} : memref<512x64xf32, #tpu.memory_space<vmem>>, vector<1x16xf32>,
      %get3A_1671 = vector.shape_cast %get3A_1670 : vector<1x16xf32> to vector<16xf32>
      %add3A_1672 = vector.broadcast %squeeze3A_1631 : f32 to vector<16xf32>
      %add3A_1673 = arith.addf %get3A_1671, %add3A_1672 : vector<16xf32>
      %mul3A_1674 = arith.mulf %add3A_1667, %add3A_1673 : vector<16xf32>
      %add3A_1675 = arith.addf %add3A_1661, %mul3A_1674 : vector<16xf32>
      %get3A_1676 = arith.index_cast %add3A_1627 : i32 to index
      %get3A_1677 = arith.constant 48 : index
      %get3A_1678 = tpu.vector_load %arg11[%get3A_1676, %get3A_1677] {strides = array<i32>} : memref<512x64xf32, #tpu.memory_space<vmem>>, vector<1x16xf32>,
      %get3A_1679 = vector.shape_cast %get3A_1678 : vector<1x16xf32> to vector<16xf32>
      %add3A_1680 = vector.broadcast %squeeze3A_1629 : f32 to vector<16xf32>
      %add3A_1681 = arith.addf %get3A_1679, %add3A_1680 : vector<16xf32>
      %get3A_1682 = arith.index_cast %add3A_1627 : i32 to index
      %get3A_1683 = arith.constant 48 : index
      %get3A_1684 = tpu.vector_load %arg12[%get3A_1682, %get3A_1683] {strides = array<i32>} : memref<512x64xf32, #tpu.memory_space<vmem>>, vector<1x16xf32>,
      %get3A_1685 = vector.shape_cast %get3A_1684 : vector<1x16xf32> to vector<16xf32>
      %add3A_1686 = vector.broadcast %squeeze3A_1631 : f32 to vector<16xf32>
      %add3A_1687 = arith.addf %get3A_1685, %add3A_1686 : vector<16xf32>
      %mul3A_1688 = arith.mulf %add3A_1681, %add3A_1687 : vector<16xf32>
      %add3A_1689 = arith.addf %add3A_1675, %mul3A_1688 : vector<16xf32>
      %eq3A_1690 = arith.constant 15 : i32
      %eq3A_1691 = vector.broadcast %eq3A_1690 : i32 to vector<16xi32>
      %eq3A_1692 = arith.cmpi eq, %iota3A, %eq3A_1691 : vector<16xi32>
      %broadcast_in_dim3A_1693 = vector.shape_cast %xor3A_313 : vector<16xi32> to vector<16x1xi32>
      %gather3A_1694 = vector.shape_cast %broadcast_in_dim3A_1693 : vector<16x1xi32> to vector<16xi32>
      %gather3A_1695 = tpu.dynamic_gather %add3A_1689[%gather3A_1694] in [0] : vector<16xf32>, vector<16xi32> -> vector<16xf32>
      %add3A_1696 = arith.addf %add3A_1689, %gather3A_1695 : vector<16xf32>
      %broadcast_in_dim3A_1697 = vector.shape_cast %xor3A_316 : vector<16xi32> to vector<16x1xi32>
      %gather3A_1698 = vector.shape_cast %broadcast_in_dim3A_1697 : vector<16x1xi32> to vector<16xi32>
      %gather3A_1699 = tpu.dynamic_gather %add3A_1696[%gather3A_1698] in [0] : vector<16xf32>, vector<16xi32> -> vector<16xf32>
      %add3A_1700 = arith.addf %add3A_1696, %gather3A_1699 : vector<16xf32>
      %broadcast_in_dim3A_1701 = vector.shape_cast %xor3A_319 : vector<16xi32> to vector<16x1xi32>
      %gather3A_1702 = vector.shape_cast %broadcast_in_dim3A_1701 : vector<16x1xi32> to vector<16xi32>
      %gather3A_1703 = tpu.dynamic_gather %add3A_1700[%gather3A_1702] in [0] : vector<16xf32>, vector<16xi32> -> vector<16xf32>
      %add3A_1704 = arith.addf %add3A_1700, %gather3A_1703 : vector<16xf32>
      %broadcast_in_dim3A_1705 = vector.shape_cast %xor3A_322 : vector<16xi32> to vector<16x1xi32>
      %gather3A_1706 = vector.shape_cast %broadcast_in_dim3A_1705 : vector<16x1xi32> to vector<16xi32>
      %gather3A_1707 = tpu.dynamic_gather %add3A_1704[%gather3A_1706] in [0] : vector<16xf32>, vector<16xi32> -> vector<16xf32>
      %add3A_1708 = arith.addf %add3A_1704, %gather3A_1707 : vector<16xf32>
      %select_n3A_1709 = arith.select %eq3A_1692, %add3A_1708, %select_n3A_1623 : vector<16xi1>, vector<16xf32>
      %mul3A_1710 = arith.constant 16 : i32
      %mul3A_1711 = arith.muli %scan3A_328, %mul3A_1710 : i32
      %swap3A = arith.index_cast %mul3A_1711 : i32 to index
      %swap3A_1712 = tpu.vector_load %arg15[%swap3A] {strides = array<i32>} : memref<512xf32, #tpu.memory_space<vmem>>, vector<16xf32>,
      %swap3A_1713 = vector.shape_cast %swap3A_1712 : vector<16xf32> to vector<16xf32>
      %swap3A_1714 = vector.shape_cast %select_n3A_1709 : vector<16xf32> to vector<16xf32>
      tpu.vector_store %arg15[%swap3A], %swap3A_1714 {strides = array<i32>} : memref<512xf32, #tpu.memory_space<vmem>>, vector<16xf32>,
    }
    %scan3A_327 = arith.constant 32 : i32
    "tpu.region"() ({
      %run_scoped3A_328 = tpu.sem_alloc : memref<!tpu.dma_semaphore, #tpu.memory_space<semaphore_mem>>
      %dma_start3A_329 = tpu.memref_slice %arg8[%mul3A_2] : memref<16384xf32, #tpu.memory_space<hbm>> -> memref<512xf32, #tpu.memory_space<hbm>>
      %dma_start3A_330 = tpu.memref_slice %arg8[%mul3A_2] : memref<16384xf32, #tpu.memory_space<hbm>> -> memref<512xf32, #tpu.memory_space<hbm>>
      tpu.enqueue_dma source(%arg15 : memref<512xf32, #tpu.memory_space<vmem>>) target(%dma_start3A_330 : memref<512xf32, #tpu.memory_space<hbm>>) target_semaphore(%run_scoped3A_328 : memref<!tpu.dma_semaphore, #tpu.memory_space<semaphore_mem>>)
      %dma_wait3A_331 = tpu.memref_slice %arg8[%mul3A_2] : memref<16384xf32, #tpu.memory_space<hbm>> -> memref<512xf32, #tpu.memory_space<hbm>>
      %dma_wait3A_332 = tpu.memref_slice %arg8[%mul3A_2] : memref<16384xf32, #tpu.memory_space<hbm>> -> memref<512xf32, #tpu.memory_space<hbm>>
      tpu.wait_dma2 semaphore(%run_scoped3A_328 : memref<!tpu.dma_semaphore, #tpu.memory_space<semaphore_mem>>) src(%arg15 : memref<512xf32, #tpu.memory_space<vmem>>) dst(%dma_wait3A_332 : memref<512xf32, #tpu.memory_space<hbm>>)
      tpu.yield
    }) : () -> ()
    return
  }
}

</mosaic_0001>

<sc_bundles>
// kernel: _mf.3.cloned.1.call-start
scs
__scs_entry_jumppad:
0x0: {  	(pc) =	sbr.rel $0x88, $3  }
0x1: {  	(tag) =	ssettag $0x0;
	lr =	simm.s32 $0x1  }
0x2: {  	[smem:$0x3F9B] =	sst lr;
	_ =	strace $0xD0000000  }
0x3: {  	_ = 	snop  }
0x4: {  	_ = 	snop  }
0x5: {  	_ = 	snop  }
0x6: {  	_ = 	snop  }
0x7: {  	_ = 	snop  }
__scs_overlays_trampoline_lowered:
0x8: {  	[smem:$0x3FAA] =	sst s0  }
0x9: {  	[smem:$0x3FAB] =	sst s1  }
0xa: {  	[smem:$0x3FAC] =	sst s2  }
0xb: {  	[smem:$0x3FAD] =	sst s3  }
0xc: {  	[smem:$0x3FAE] =	sst s4  }
0xd: {  	[smem:$0x3FAF] =	sst s5  }
0xe: {  	[smem:$0x3FB0] =	sst s6  }
0xf: {  	[smem:$0x3FB1] =	sst s7  }
0x10: {  	[smem:$0x3FB2] =	sst s8  }
0x11: {  	[smem:$0x3FB3] =	sst s9;
	s0 =	simm.s32 @!p0 $0x0  }
0x12: {  	s1 =	sld [smem:$0x3F99];
	s0 =	simm.s32 @p0 $0x1  }
0x13: {  	[smem:$0x3FB4] =	sst s0;
	s0 =	simm.s32 @!p1 $0x0  }
0x14: {  	s2 =	sld [smem:$0x3F98];
	s0 =	simm.s32 @p1 $0x1  }
0x15: {  	[smem:$0x3FB5] =	sst s0;
	s0 =	simm.s32 @!p2 $0x0  }
0x16: {  	s3 =	sld [smem:$0x3FDB];
	s0 =	simm.s32 @p2 $0x1  }
0x17: {  	s4 =	simm.s32 $0x1BF5;
	[smem:$0x3FB7] =	sst s0  }
0x18: {  	s0 =	sld [smem:$0x3F9A];
	_ =	swait.ge [sflag:s4], $0x0  }
0x19: {  	s7 =	sld [smem:$0x3F9B]  }
0x1a: {  	s8 =	sadd.s32 $0xFFFFE003, lr  }
0x1b: {  	s9 =	sadd.s32 $0xFFFFFEF7, lr;
	s5 =	simm.s32 $0xFFFFFFFF;
	p2 =	slt.u32 s8, $0xFFFFF086  }
0x1c: {  	p1 =	slt.u32 s9, $0xF7A;
	s5 =	simm.s32 @!p2 $0x0  }
0x1d: {  	s5 =	simm.s32 @p1 $0x1;
	p0 =	seq.s32 s7, s2  }
0x1e: {  	s7 =	smul.u32 @!p0 $0xF7A, s2;
	p2 =	seq.s32 @!p0 s5, $0x0  }
0x1f: {  	s9 =	smul.u32 $0xF7A, s1;
	s8 =	simm.s32 @!p0 $0x1BF5;
	p2 =	por !p2, p0  }
0x20: {  	[sflag:s8] =	ssyncset.s32 @!p0 $0xFFFFF086;
	s6 =	sadd.s32 @!p0 s3, s7;
	s7 =	simm.s32 @!p0 $0x108  }
0x21: {  	s3 =	sadd.s32 s3, s9;
	s6 =	sadd.s32 @!p0 $0x88, s6;
	s7 =	simm.s32 @p2 $0x1082  }
0x22: {  	[simem:s7], [sflag:s8] =	dma.local @!p0 [hbm:s6], $0xF7A  }
0x23: {  	s9 =	sor.u32 $0xD0000000, s2;
	s6 =	simm.s32 $0x108;
	_ =	swait.ge @!p0 [sflag:s8], $0x0  }
0x24: {  	s3 =	sadd.s32 $0x88, s3;
	s6 =	simm.s32 @!p1 $0x1082;
	[sflag:s4] =	ssyncset.s32 $0xFFFFF086  }
0x25: {  	[simem:s6], [sflag:s4] =	dma.local [hbm:s3], $0xF7A  }
0x26: {  	[smem:$0x3F9B] =	sst s1;
	(tag) =	ssettag s2;
	_ =	strace s9  }
0x27: {  	s1 =	sld [smem:$0x3FAB]  }
0x28: {  	s2 =	sld [smem:$0x3FAC]  }
0x29: {  	s4 =	sld [smem:$0x3FAE]  }
0x2a: {  	p0 =	seq.s32 s5, $0x0;
	s5 =	sld [smem:$0x3FAF]  }
0x2b: {  	s6 =	sld [smem:$0x3FB0]  }
0x2c: {  	s7 =	sld [smem:$0x3FB1]  }
0x2d: {  	s3 =	simm.s32 $0x108;
	s8 =	sld [smem:$0x3FB2]  }
0x2e: {  	s3 =	simm.s32 @!p0 $0x1082;
	s9 =	sld [smem:$0x3FB3]  }
0x2f: {  	lr =	sadd.s32 s0, s3;
	s0 =	sld [smem:$0x3FAA]  }
0x30: {  	s3 =	sld [smem:$0x3FAD]  }
0x31: {  	[smem:$0x3FB6] =	sst s10  }
0x32: {  	s10 =	sld [smem:$0x3FB4];
	_ =	sdelay $0x3  }
0x33: {  	p0 =	seq.s32 s10, $0x1;
	s10 =	sld [smem:$0x3FB6];
	_ =	sdelay $0x3  }
0x34: {  	[smem:$0x3FB6] =	sst s10  }
0x35: {  	s10 =	sld [smem:$0x3FB5];
	_ =	sdelay $0x3  }
0x36: {  	p1 =	seq.s32 s10, $0x1;
	s10 =	sld [smem:$0x3FB6];
	_ =	sdelay $0x3  }
0x37: {  	[smem:$0x3FB6] =	sst s10  }
0x38: {  	s10 =	sld [smem:$0x3FB7]  }
0x39: {  	_ = 	snop;
	(pc) =	sbr.ind lr, $3  }
0x3a: {  	_ = 	snop  }
0x3b: {  	_ = 	snop  }
0x3c: {  	p2 =	seq.s32 s10, $0x1;
	s10 =	sld [smem:$0x3FB6]  }
0x3d: {  	_ =	shalt  }
0x3e: {  	_ =	shalt  }
0x3f: {  	_ =	shalt  }
0x40: {  	_ =	shalt  }
0x41: {  	_ =	shalt  }
0x42: {  	_ =	shalt  }
0x43: {  	_ =	shalt  }
0x44: {  	_ =	shalt  }
0x45: {  	_ =	shalt  }
0x46: {  	_ =	shalt  }
0x47: {  	_ =	shalt  }
0x48: {  	_ =	shalt  }
0x49: {  	_ =	shalt  }
0x4a: {  	_ =	shalt  }
0x4b: {  	_ =	shalt  }
0x4c: {  	_ =	shalt  }
0x4d: {  	_ =	shalt  }
0x4e: {  	_ =	shalt  }
0x4f: {  	_ =	shalt  }
0x50: {  	_ =	shalt  }
0x51: {  	_ =	shalt  }
0x52: {  	_ =	shalt  }
0x53: {  	_ =	shalt  }
0x54: {  	_ =	shalt  }
0x55: {  	_ =	shalt  }
0x56: {  	_ =	shalt  }
0x57: {  	_ =	shalt  }
0x58: {  	_ =	shalt  }
0x59: {  	_ =	shalt  }
0x5a: {  	_ =	shalt  }
0x5b: {  	_ =	shalt  }
0x5c: {  	_ =	shalt  }
0x5d: {  	_ =	shalt  }
0x5e: {  	_ =	shalt  }
0x5f: {  	_ =	shalt  }
0x60: {  	_ =	shalt  }
0x61: {  	_ =	shalt  }
0x62: {  	_ =	shalt  }
0x63: {  	_ =	shalt  }
0x64: {  	_ =	shalt  }
0x65: {  	_ =	shalt  }
0x66: {  	_ =	shalt  }
0x67: {  	_ =	shalt  }
0x68: {  	_ =	shalt  }
0x69: {  	_ =	shalt  }
0x6a: {  	_ =	shalt  }
0x6b: {  	_ =	shalt  }
0x6c: {  	_ =	shalt  }
0x6d: {  	_ =	shalt  }
0x6e: {  	_ =	shalt  }
0x6f: {  	_ =	shalt  }
0x70: {  	_ =	shalt  }
0x71: {  	_ =	shalt  }
0x72: {  	_ =	shalt  }
0x73: {  	_ =	shalt  }
0x74: {  	_ =	shalt  }
0x75: {  	_ =	shalt  }
0x76: {  	_ =	shalt  }
0x77: {  	_ =	shalt  }
0x78: {  	_ =	shalt  }
0x79: {  	_ =	shalt  }
0x7a: {  	_ =	shalt  }
0x7b: {  	_ =	shalt  }
0x7c: {  	_ =	shalt  }
0x7d: {  	_ =	shalt  }
0x7e: {  	_ =	shalt  }
0x7f: {  	_ =	shalt  }
0x80: {  	_ =	shalt  }
0x81: {  	_ =	shalt  }
0x82: {  	_ =	shalt  }
0x83: {  	_ =	shalt  }
0x84: {  	_ =	shalt  }
0x85: {  	_ =	shalt  }
0x86: {  	_ =	shalt  }
0x87: {  	_ =	shalt  }
.Lfunc_end0:
.L_simem_size_0:
called_computation_lowered:
.L_overlay_start_0:
0x88: {  	s2 =	sld [smem:$0x3FD9]  }
0x89: {  	s3 =	sld [smem:$0x3FFE];
	_ =	sdelay $0x1  }
0x8a: {  	s1 =	srdreg.scid  }
0x8b: {  	s0 =	sand.u32 $0x1, s1  }
0x8c: {  	s17 =	sshll.u32 s0, $0xA;
	s2 =	sadd.s32 s3, s2  }
0x8d: {  	s2 =	sadd.s32 s2, s17  }
0x8e: {  	[smem:$0x3FC2] =	sst s2  }
0x8f: {  	_ = 	snop  }
0x90: {  	s2 =	sld [smem:$0x3FC9]  }
0x91: {  	s18 =	sld [smem:$0x3FC8]  }
0x92: {  	s4 =	sld [smem:$0x3FC6]  }
0x93: {  	s5 =	sld [smem:$0x3FC4]  }
0x94: {  	s6 =	sld [smem:$0x3FD0];
	(tm) =	ssettm $0x1  }
0x95: {  	s7 =	sld [smem:$0x3FFB];
	_ =	sdelay $0x3  }
0x96: {  	_ =	strace s7  }
0x97: {  	s7 =	sld [smem:$0x3FFC];
	_ =	sdelay $0x3  }
0x98: {  	_ =	strace s7  }
0x99: {  	s7 =	sld [smem:$0x3FFD];
	_ =	sdelay $0x3  }
0x9a: {  	_ =	strace s7  }
0x9b: {  	_ =	strace $0x8FFFFFFF  }
0x9c: {  	s19 =	sld [smem:$0x3FDB];
	_ =	sdelay $0x1  }
0x9d: {  	s8 =	simm.s32 $_scs_section_size  }
0x9e: {  	s9 =	simm.s32 $_size__tile_overlayer_lowered;
	s10 =	simm.s32 $_tile_overlayer_lowered  }
0x9f: {  	s22 =	simm.s32 $0x1BFF;
	s21 =	sshll.u32 s10, $0x1;
	s7 =	sadd.s32 s8, s19  }
0xa0: {  	s11 =	simm.s32 $0x0;
	s20 =	sshll.u32 s9, $0x1;
	s9 =	sadd.s32 s21, s7  }
0xa1: {  	[timem:s11], [sflag:s22] =	dma.local [hbm:s9], s20  }
0xa2: {  	_ =	swait.ge [sflag:s22], s20  }
0xa3: {  	s8 =	ssub.s32 $0x0, s20;
	[sflag:s22] =	ssyncset.done $0x0  }
0xa4: {  	[sflag:s22] =	ssyncadd.s32 s8;
	_ =	sdelay $0x1  }
0xa5: {  	s23 =	simm.s32 $0x1B8B  }
0xa6: {  	_ =	swait.ge [sflag:s23], $0x1  }
0xa7: {  	[sflag:s23] =	ssyncset.done $0x0  }
0xa8: {  	s25 =	simm.s32 $0x1B8E;
	s24 =	sld [smem:$0x3FFE];
	[sflag:s23] =	ssyncadd.s32 $0xFFFFFFFF  }
0xa9: {  	s26 =	simm.s32 $execute0_lowered;
	[smem:$0x3FD2] =	sst s25  }
0xaa: {  	s9 =	sshll.u32 s26, $0x1;
	_ =	strace $0x80000046;
	[dreg:$0x1] =	wrdreg $0xFFFFFFFF  }
0xab: {  	s28 =	simm.s32 $_size_execute0_lowered;
	s7 =	sadd.s32 s7, s9;
	[dreg:$0x0] =	wrdreg $0x0  }
0xac: {  	s9 =	sshll.u32 s28, $0x1;
	[dreg:$0x2] =	wrdreg s7  }
0xad: {  	[dreg:$0x3] =	wrdreg s9  }
0xae: {  	[dreg:$0x4] =	wrdreg $0xC0  }
0xaf: {  	_ =	task [dreg:s11], $0x5FFFF  }
0xb0: {  	[dreg:$0x1] =	wrdreg $0xFFFFFFFF  }
0xb1: {  	[dreg:$0x0] =	wrdreg $0x60  }
0xb2: {  	[dreg:$0x2] =	wrdreg s2  }
0xb3: {  	[dreg:$0x3] =	wrdreg s18  }
0xb4: {  	[dreg:$0x4] =	wrdreg s24  }
0xb5: {  	[dreg:$0x5] =	wrdreg s4  }
0xb6: {  	[dreg:$0x6] =	wrdreg s5  }
0xb7: {  	[dreg:$0x7] =	wrdreg s6  }
0xb8: {  	[dreg:$0x8] =	wrdreg $0x9  }
0xb9: {  	_ =	task.clear_ibuf [dreg:s11], $0x9FFFF;
	_ =	strace $0x90000046  }
0xba: {  	s29 =	simm.s32 $0x9;
	_ =	strace $0x80000048  }
0xbb: {  	_ =	swait.ge [sflag:s29], $0x1  }
0xbc: {  	[sflag:s29] =	ssyncadd.s32 $0xFFFFFFFF  }
0xbd: {  	_ =	strace $0x90000048  }
0xbe: {  	_ =	sfence  }
0xbf: {  	s30 =	sld [smem:$0x0];
	_ =	sdelay $0x2  }
0xc0: {  	s31 =	sshll.u32 s1, $0xD;
	s1 =	sshrl.u32 s1, $0x2  }
0xc1: {  	s3 =	sand.u32 $0x4000, s31;
	s1 =	sadd.s32 s1, s30  }
0xc2: {  	s0 =	sor.u32 s3, s0;
	s1 =	sshll.u32 s1, $0x11  }
0xc3: {  	s0 =	sor.u32 s1, s0  }
0xc4: {  	s0 =	sadd.s32 $0x8F2B, s0  }
0xc5: {  	[sflag:s0] =	ssyncadd.remote.s32 $0x1  }
0xc6: {  	_ =	sfence.sel $0xFFFF  }
0xc7: {  	[dreg:$0x0] =	wrdreg $0xFFFFFFFF;
	(pc) =	sbr.abs _section_cstart, $3  }
0xc8: {  	[dreg:$0x1] =	wrdreg $0xFFFFFFFF  }
0xc9: {  	_ =	task.clear_ibuf [dreg:s11], $0x2FFFF;
	_ =	strace $0x9FFFFFFF  }
0xca: {  	(tm) =	ssettm $0x7FFFFFFF  }
0xcb: {  	_ =	shalt  }
tec
execute0_lowered:
.L_overlay_start_1:
0x0: {  	(tag) =	ssettag $0x1  }
0x1: {  	s0 =	rddreg [dreg:$0x0]  }
0x2: {  	s4 =	rddreg [dreg:$0x1]  }
0x3: {  	s6 =	rddreg [dreg:$0x2];
	v0 =	vimm.s32 $0xEFCDAB89;
	v1 =	vimm.s32 $0x67452301  }
0x4: {  	s1 =	rddreg [dreg:$0x3];
	v2 =	vimm.s32 $0xDCFE98BA;
	v3 =	vimm.s32 $0x54761032;
	v4 =	vimm.s32 $0xBA98FEDC  }
0x5: {  	s2 =	rddreg [dreg:$0x4];
	v5 =	vimm.s32 $0x32107654;
	v6 =	vimm.s32 $0xFEDCBA98;
	v7 =	vimm.s32 $0x76543210  }
0x6: {  	s15 =	rddreg [dreg:$0x5];
	s3 =	simm.s32 $0x0;
	s5 =	srdreg.scid;
	vm0 =	vmmov $0x1;
	vm1 =	vmmov $0x3;
	vm2 =	vmmov $0x7  }
0x7: {  	s8 =	stileid.u32;
	s18 =	simm.s32 $0x200;
	s19 =	simm.s32 $0x80;
	vm3 =	vmmov $0xf;
	vm4 =	vmmov $0x1f;
	vm5 =	vmmov $0x3f  }
0x8: {  	s20 =	simm.s32 $0x280;
	s21 =	simm.s32 $0x100;
	s22 =	simm.s32 $0x300;
	vm6 =	vmmov $0x7f;
	vm7 =	vmmov $0xff;
	vm8 =	vmmov $0x1ff  }
0x9: {  	s23 =	simm.s32 $0x180;
	s24 =	simm.s32 $0x380;
	vm9 =	vmmov $0x3ff;
	vm10 =	vmmov $0x7ff;
	vm11 =	vmmov $0xfff;
	s25 =	simm.s32 $0x1  }
0xa: {  	vm12 =	vmmov $0x1fff;
	s26 =	simm.s32 $0x10800;
	s28 =	simm.s32 $0x0;
	[smem:$0x7FF] =	sst s3;
	v0 =	vunpack.c.l.s4.s8 v0;
	v1 =	vunpack.c.l.s4.s8 v1  }
0xb: {  	s5 =	sand.u32 $0x1, s5;
	s8 =	sshll.u32 s8, $0x7;
	v2 =	vunpack.c.l.s4.s8 v2;
	v3 =	vunpack.c.l.s4.s8 v3;
	v4 =	vunpack.c.l.s4.s8 v4;
	_ =	strace $0x80000047  }
0xc: {  	v5 =	vunpack.c.l.s4.s8 v5;
	v6 =	vunpack.c.l.s4.s8 v6;
	v7 =	vunpack.c.l.s4.s8 v7;
	s7 =	ssub.s32 $0x2, s5;
	s9 =	sshll.u32 s5, $0x6;
	s5 =	sadd.s32 $0xF42800, s6  }
0xd: {  	s6 =	sadd.s32 $0x16E3A00, s6;
	s10 =	sshrl.u32 s7, $0x1;
	s16 =	sor.u32 s9, s8;
	v0 =	vunpack.c.0.s8.s32 v0;
	v1 =	vunpack.c.0.s8.s32 v1;
	v2 =	vunpack.c.0.s8.s32 v2  }
0xe: {  	v3 =	vunpack.c.0.s8.s32 v3;
	v4 =	vunpack.c.0.s8.s32 v4;
	v5 =	vunpack.c.0.s8.s32 v5;
	s17 =	ssub.s32 s7, s10;
	s31 =	sor.u32 $0x10, s16;
	s7 =	sadd.s32 s0, s16  }
0xf: {  	vm13 =	vmmov $0x3fff;
	s8 =	sadd.s32 s4, s16;
	s12 =	sor.u32 $0x20, s16;
	s14 =	sor.u32 $0x30, s16;
	v0 =	vcombine.low v1, v0;
	v1 =	vunpack.c.0.s8.s32 v6  }
0x10: {  	s15 =	sadd.s32 s15, s16;
	s9 =	sadd.s32 s0, s31;
	s10 =	sadd.s32 s4, s31;
	v2 =	vcombine.low v3, v2;
	v3 =	vcombine.low v5, v4;
	v4 =	vunpack.c.0.s8.s32 v7  }
0x11: {  	vm14 =	vmmov $0x7fff;
	s11 =	sadd.s32 s0, s12;
	s12 =	sadd.s32 s4, s12;
	s13 =	sadd.s32 s0, s14;
	v0 =	vand.u32 $0xF, v0;
	v5 =	vand.u32 $0xF, v1  }
0x12: {  	s14 =	sadd.s32 s4, s14;
	s16 =	smax.u32 s17, $0x1;
	s17 =	simm.s32 $0x2;
	v1 =	vand.u32 $0xF, v2;
	v2 =	vand.u32 $0xF, v3;
	v3 =	vcombine.low v5, v4  }
.LBB2_1:
0x13: {  	[tilespmem:s3], [sflag:$0x2] =	stream.linear.gather [hbm4b:s7+s3], $0x80, $0x38;
	[tilespmem:$0x10A00] =	vst v63  }
0x14: {  	_ =	swait.ge [sflag:s17], $0x80  }
0x15: {  	[sflag:s17] =	ssyncset.done $0x0  }
0x16: {  	[sflag:s17] =	ssyncadd.s32 $0xFFFFFF80  }
0x17: {  	[tilespmem:s18], [sflag:$0x2] =	stream.linear.gather [hbm4b:s8+s3], $0x80, $0x38;
	[tilespmem:$0x10A00] =	vst v63  }
0x18: {  	_ =	swait.ge [sflag:s17], $0x80  }
0x19: {  	[sflag:s17] =	ssyncset.done $0x0  }
0x1a: {  	[sflag:s17] =	ssyncadd.s32 $0xFFFFFF80  }
0x1b: {  	[tilespmem:s19], [sflag:$0x2] =	stream.linear.gather [hbm4b:s9+s3], $0x80, $0x38;
	[tilespmem:$0x10A00] =	vst v63  }
0x1c: {  	_ =	swait.ge [sflag:s17], $0x80  }
0x1d: {  	[sflag:s17] =	ssyncset.done $0x0  }
0x1e: {  	[sflag:s17] =	ssyncadd.s32 $0xFFFFFF80  }
0x1f: {  	[tilespmem:s20], [sflag:$0x2] =	stream.linear.gather [hbm4b:s10+s3], $0x80, $0x38;
	[tilespmem:$0x10A00] =	vst v63  }
0x20: {  	_ =	swait.ge [sflag:s17], $0x80  }
0x21: {  	[sflag:s17] =	ssyncset.done $0x0  }
0x22: {  	[sflag:s17] =	ssyncadd.s32 $0xFFFFFF80  }
0x23: {  	[tilespmem:s21], [sflag:$0x2] =	stream.linear.gather [hbm4b:s11+s3], $0x80, $0x38;
	[tilespmem:$0x10A00] =	vst v63  }
0x24: {  	_ =	swait.ge [sflag:s17], $0x80  }
0x25: {  	[sflag:s17] =	ssyncset.done $0x0  }
0x26: {  	[sflag:s17] =	ssyncadd.s32 $0xFFFFFF80  }
0x27: {  	[tilespmem:s22], [sflag:$0x2] =	stream.linear.gather [hbm4b:s12+s3], $0x80, $0x38;
	[tilespmem:$0x10A00] =	vst v63  }
0x28: {  	_ =	swait.ge [sflag:s17], $0x80  }
0x29: {  	[sflag:s17] =	ssyncset.done $0x0  }
0x2a: {  	[sflag:s17] =	ssyncadd.s32 $0xFFFFFF80  }
0x2b: {  	[tilespmem:s23], [sflag:$0x2] =	stream.linear.gather [hbm4b:s13+s3], $0x80, $0x38;
	[tilespmem:$0x10A00] =	vst v63  }
0x2c: {  	_ =	swait.ge [sflag:s17], $0x80  }
0x2d: {  	[sflag:s17] =	ssyncset.done $0x0  }
0x2e: {  	[sflag:s17] =	ssyncadd.s32 $0xFFFFFF80  }
0x2f: {  	[tilespmem:s24], [sflag:$0x2] =	stream.linear.gather [hbm4b:s14+s3], $0x80, $0x38;
	[tilespmem:$0x10A00] =	vst v63  }
0x30: {  	_ =	swait.ge [sflag:s17], $0x80  }
0x31: {  	[sflag:s17] =	ssyncset.done $0x0  }
0x32: {  	s0 =	simm.s32 $0x400;
	[sflag:s17] =	ssyncadd.s32 $0xFFFFFF80  }
0x33: {  	[tilespmem:s0], [sflag:$0x1] =	stream.indirect.gather [hbm4b:s5+s19], $0x40, s3, s19, $0xb8;
	[tilespmem:$0x10A00] =	vst v63  }
0x34: {  	s4 =	simm.s32 $0x8400  }
0x35: {  	[tilespmem:s4], [sflag:$0x1] =	stream.indirect.gather [hbm4b:s6+s19], $0x40, s18, s19, $0xb8;
	[tilespmem:$0x10A00] =	vst v63  }
0x36: {  	s4 =	simm.s32 $0x10400  }
0x37: {  	[tilespmem:s4], [sflag:$0x1] =	stream.indirect.gather [hbm4b:s1+s19], $0x1, s3, s19, $0xb8;
	[tilespmem:$0x10A00] =	vst v63  }
0x38: {  	s4 =	simm.s32 $0x10600  }
0x39: {  	[tilespmem:s4], [sflag:$0x1] =	stream.indirect.gather [hbm4b:s2+s19], $0x1, s18, s19, $0xb8;
	[tilespmem:$0x10A00] =	vst v63  }
0x3a: {  	s4 =	simm.s32 $0x2400  }
0x3b: {  	[tilespmem:s4], [sflag:$0x1] =	stream.indirect.gather [hbm4b:s5+s19], $0x40, s19, s19, $0xb8;
	[tilespmem:$0x10A00] =	vst v63  }
0x3c: {  	s4 =	simm.s32 $0xA400  }
0x3d: {  	[tilespmem:s4], [sflag:$0x1] =	stream.indirect.gather [hbm4b:s6+s19], $0x40, s20, s19, $0xb8;
	[tilespmem:$0x10A00] =	vst v63  }
0x3e: {  	s4 =	simm.s32 $0x10480  }
0x3f: {  	[tilespmem:s4], [sflag:$0x1] =	stream.indirect.gather [hbm4b:s1+s19], $0x1, s19, s19, $0xb8;
	[tilespmem:$0x10A00] =	vst v63  }
0x40: {  	s4 =	simm.s32 $0x10680  }
0x41: {  	[tilespmem:s4], [sflag:$0x1] =	stream.indirect.gather [hbm4b:s2+s19], $0x1, s20, s19, $0xb8;
	[tilespmem:$0x10A00] =	vst v63  }
0x42: {  	s4 =	simm.s32 $0x4400  }
0x43: {  	[tilespmem:s4], [sflag:$0x1] =	stream.indirect.gather [hbm4b:s5+s19], $0x40, s21, s19, $0xb8;
	[tilespmem:$0x10A00] =	vst v63  }
0x44: {  	s4 =	simm.s32 $0xC400  }
0x45: {  	[tilespmem:s4], [sflag:$0x1] =	stream.indirect.gather [hbm4b:s6+s19], $0x40, s22, s19, $0xb8;
	[tilespmem:$0x10A00] =	vst v63  }
0x46: {  	s4 =	simm.s32 $0x10500  }
0x47: {  	[tilespmem:s4], [sflag:$0x1] =	stream.indirect.gather [hbm4b:s1+s19], $0x1, s21, s19, $0xb8;
	[tilespmem:$0x10A00] =	vst v63  }
0x48: {  	s4 =	simm.s32 $0x10700  }
0x49: {  	[tilespmem:s4], [sflag:$0x1] =	stream.indirect.gather [hbm4b:s2+s19], $0x1, s22, s19, $0xb8;
	[tilespmem:$0x10A00] =	vst v63  }
0x4a: {  	s4 =	simm.s32 $0x6400  }
0x4b: {  	[tilespmem:s4], [sflag:$0x1] =	stream.indirect.gather [hbm4b:s5+s19], $0x40, s23, s19, $0xb8;
	[tilespmem:$0x10A00] =	vst v63  }
0x4c: {  	s4 =	simm.s32 $0xE400  }
0x4d: {  	[tilespmem:s4], [sflag:$0x1] =	stream.indirect.gather [hbm4b:s6+s19], $0x40, s24, s19, $0xb8;
	[tilespmem:$0x10A00] =	vst v63  }
0x4e: {  	s4 =	simm.s32 $0x10580  }
0x4f: {  	[tilespmem:s4], [sflag:$0x1] =	stream.indirect.gather [hbm4b:s1+s19], $0x1, s23, s19, $0xb8;
	[tilespmem:$0x10A00] =	vst v63  }
0x50: {  	s4 =	simm.s32 $0x10780  }
0x51: {  	[tilespmem:s4], [sflag:$0x1] =	stream.indirect.gather [hbm4b:s2+s19], $0x1, s24, s19, $0xb8;
	[tilespmem:$0x10A00] =	vst v63  }
0x52: {  	_ =	swait.ge [sflag:s25], $0x2000  }
0x53: {  	[sflag:s25] =	ssyncset.done $0x0  }
0x54: {  	[sflag:s25] =	ssyncadd.s32 $0xFFFFE000  }
0x55: {  	_ =	swait.ge [sflag:s25], $0x2000  }
0x56: {  	[sflag:s25] =	ssyncset.done $0x0  }
0x57: {  	[sflag:s25] =	ssyncadd.s32 $0xFFFFE000  }
0x58: {  	_ =	swait.ge [sflag:s25], $0x80  }
0x59: {  	[sflag:s25] =	ssyncset.done $0x0  }
0x5a: {  	[sflag:s25] =	ssyncadd.s32 $0xFFFFFF80  }
0x5b: {  	_ =	swait.ge [sflag:s25], $0x80  }
0x5c: {  	[sflag:s25] =	ssyncset.done $0x0  }
0x5d: {  	[sflag:s25] =	ssyncadd.s32 $0xFFFFFF80  }
0x5e: {  	_ =	swait.ge [sflag:s25], $0x2000  }
0x5f: {  	[sflag:s25] =	ssyncset.done $0x0  }
0x60: {  	[sflag:s25] =	ssyncadd.s32 $0xFFFFE000  }
0x61: {  	_ =	swait.ge [sflag:s25], $0x2000  }
0x62: {  	[sflag:s25] =	ssyncset.done $0x0  }
0x63: {  	[sflag:s25] =	ssyncadd.s32 $0xFFFFE000  }
0x64: {  	_ =	swait.ge [sflag:s25], $0x80  }
0x65: {  	[sflag:s25] =	ssyncset.done $0x0  }
0x66: {  	[sflag:s25] =	ssyncadd.s32 $0xFFFFFF80  }
0x67: {  	_ =	swait.ge [sflag:s25], $0x80  }
0x68: {  	[sflag:s25] =	ssyncset.done $0x0  }
0x69: {  	[sflag:s25] =	ssyncadd.s32 $0xFFFFFF80  }
0x6a: {  	_ =	swait.ge [sflag:s25], $0x2000  }
0x6b: {  	[sflag:s25] =	ssyncset.done $0x0  }
0x6c: {  	[sflag:s25] =	ssyncadd.s32 $0xFFFFE000  }
0x6d: {  	_ =	swait.ge [sflag:s25], $0x2000  }
0x6e: {  	[sflag:s25] =	ssyncset.done $0x0  }
0x6f: {  	[sflag:s25] =	ssyncadd.s32 $0xFFFFE000  }
0x70: {  	_ =	swait.ge [sflag:s25], $0x80  }
0x71: {  	[sflag:s25] =	ssyncset.done $0x0  }
0x72: {  	[sflag:s25] =	ssyncadd.s32 $0xFFFFFF80  }
0x73: {  	_ =	swait.ge [sflag:s25], $0x80  }
0x74: {  	[sflag:s25] =	ssyncset.done $0x0  }
0x75: {  	[sflag:s25] =	ssyncadd.s32 $0xFFFFFF80  }
0x76: {  	_ =	swait.ge [sflag:s25], $0x2000  }
0x77: {  	[sflag:s25] =	ssyncset.done $0x0  }
0x78: {  	[sflag:s25] =	ssyncadd.s32 $0xFFFFE000  }
0x79: {  	_ =	swait.ge [sflag:s25], $0x2000  }
0x7a: {  	[sflag:s25] =	ssyncset.done $0x0  }
0x7b: {  	[sflag:s25] =	ssyncadd.s32 $0xFFFFE000  }
0x7c: {  	_ =	swait.ge [sflag:s25], $0x80  }
0x7d: {  	[sflag:s25] =	ssyncset.done $0x0  }
0x7e: {  	[sflag:s25] =	ssyncadd.s32 $0xFFFFFF80  }
0x7f: {  	_ =	swait.ge [sflag:s25], $0x80  }
0x80: {  	[sflag:s25] =	ssyncset.done $0x0  }
0x81: {  	s29 =	simm.s32 $0x0;
	[sflag:s25] =	ssyncadd.s32 $0xFFFFFF80  }
0x82: {  	v11 =	vld [tilespmem:s29+$0x10400]  }
0x83: {  	s31 =	simm.s32 $0x600;
	v10 =	vld [tilespmem:s29+$0x10600]  }
0x84: {  	s30 =	simm.s32 $0x8600;
	v4 =	vld [tilespmem:s31+$0x1F0]  }
0x85: {  	v5 =	vld [tilespmem:s30+$0x1F0]  }
0x86: {  	v7 =	vld [tilespmem:s31+$0x1B0]  }
0x87: {  	v8 =	vld [tilespmem:s30+$0x1B0]  }
0x88: {  	v6 =	vld [tilespmem:s31+$0x1E0]  }
0x89: {  	v9 =	vld [tilespmem:s30+$0x1E0]  }
0x8a: {  	v12 =	vld [tilespmem:s31+$0x170]  }
0x8b: {  	v13 =	vld [tilespmem:s30+$0x170]  }
0x8c: {  	v14 =	vld [tilespmem:s31+$0x1A0]  }
0x8d: {  	v15 =	vld [tilespmem:s30+$0x1A0]  }
0x8e: {  	v16 =	vld [tilespmem:s31+$0x1D0]  }
0x8f: {  	v17 =	vld [tilespmem:s30+$0x1D0]  }
0x90: {  	v18 =	vld [tilespmem:s31+$0x130]  }
0x91: {  	v19 =	vld [tilespmem:s30+$0x130]  }
0x92: {  	v20 =	vld [tilespmem:s31+$0x160]  }
0x93: {  	v21 =	vld [tilespmem:s30+$0x160]  }
0x94: {  	v22 =	vld [tilespmem:s31+$0x190]  }
0x95: {  	v23 =	vld [tilespmem:s31+$0x1C0]  }
0x96: {  	v24 =	vld [tilespmem:s30+$0x1C0]  }
0x97: {  	v25 =	vld [tilespmem:s30+$0x190]  }
0x98: {  	v26 =	vld [tilespmem:s31+$0xF0]  }
0x99: {  	v27 =	vld [tilespmem:s30+$0xF0];
	v28 =	vbroadcast v11, $0xF;
	v29 =	vbroadcast v10, $0xF  }
0x9a: {  	v30 =	vld [tilespmem:s31+$0x120]  }
0x9b: {  	v33 =	vld [tilespmem:s30+$0x150];
	v23 =	vadd.f32 v23, v28;
	v24 =	vadd.f32 v24, v29  }
0x9c: {  	v31 =	vld [tilespmem:s30+$0x120];
	v36 =	vbroadcast v11, $0xE;
	v16 =	vadd.f32 v16, v28;
	v17 =	vadd.f32 v17, v29  }
0x9d: {  	v32 =	vld [tilespmem:s31+$0x150];
	v37 =	vbroadcast v10, $0xD;
	v34 =	vadd.f32 v6, v28;
	v9 =	vadd.f32 v9, v29  }
0x9e: {  	v35 =	vld [tilespmem:s30+$0x180];
	v40 =	vbroadcast v11, $0xB;
	v4 =	vadd.f32 v4, v28;
	v5 =	vadd.f32 v5, v29  }
0x9f: {  	v50 =	vld [tilespmem:s30+$0xE0];
	v43 =	vbroadcast v10, $0xB;
	v39 =	vadd.f32 v7, v36;
	v14 =	vadd.f32 v14, v36  }
0xa0: {  	v38 =	vld [tilespmem:s31+$0x110];
	v29 =	vbroadcast v10, $0xE;
	v22 =	vadd.f32 v22, v36;
	v33 =	vadd.f32 v33, v37  }
0xa1: {  	v41 =	vld [tilespmem:s31+$0x140];
	v21 =	vadd.f32 v21, v37;
	v13 =	vadd.f32 v13, v37;
	v23 =	vmul.f32 v24, v23  }
0xa2: {  	v44 =	vld [tilespmem:s30+$0x110];
	v28 =	vbroadcast v11, $0xD;
	v26 =	vadd.f32 v26, v40;
	v27 =	vadd.f32 v27, v43  }
0xa3: {  	v24 =	vld [tilespmem:s31+$0x180];
	v16 =	vmul.f32 v17, v16;
	v42 =	vadd.f32 v8, v29;
	v23 =	vadd.f32 $0.0e+00, v23  }
0xa4: {  	v57 =	vld [tilespmem:s30+$0xD0];
	v51 =	vbroadcast v11, $0xA;
	v12 =	vadd.f32 v12, v28;
	v15 =	vadd.f32 v15, v29  }
0xa5: {  	v60 =	vld [tilespmem:s31+$0x90];
	v9 =	vmul.f32 v9, v34;
	v25 =	vadd.f32 v25, v29;
	v16 =	vadd.f32 v16, v23  }
0xa6: {  	v46 =	vbroadcast v10, $0xA;
	v6 =	vld [tilespmem:s30+$0xB0];
	v56 =	vadd.f32 v41, v28;
	v32 =	vadd.f32 v32, v28  }
0xa7: {  	v17 =	vld [tilespmem:s31+$0xB0];
	v4 =	vmul.f32 v5, v4;
	v20 =	vadd.f32 v20, v28;
	v9 =	vadd.f32 v9, v16  }
0xa8: {  	v62 =	vld [tilespmem:s30+$0x90];
	v5 =	vbroadcast v11, $0xC;
	v34 =	vadd.f32 v50, v43;
	v8 =	vadd.f32 v24, v36  }
0xa9: {  	v14 =	vmul.f32 v15, v14;
	v24 =	vadd.f32 v35, v29;
	v4 =	vadd.f32 v4, v9;
	v9 =	vld [tilespmem:s30+$0x140]  }
0xaa: {  	v7 =	vld [tilespmem:s31+$0x70];
	v22 =	vmul.f32 v25, v22;
	v18 =	vadd.f32 v18, v5;
	v20 =	vmul.f32 v21, v20  }
0xab: {  	v12 =	vmul.f32 v13, v12;
	v13 =	vld [tilespmem:s31+$0xC0];
	v38 =	vadd.f32 v38, v5;
	v24 =	vmul.f32 v24, v8  }
0xac: {  	v15 =	vld [tilespmem:s30+$0xA0];
	v55 =	vadd.f32 v6, v46;
	v17 =	vadd.f32 v17, v51;
	v45 =	vperm.xlane v4, v0  }
0xad: {  	v63 =	vld [tilespmem:s31+$0xFFFFFFF0];
	v21 =	vbroadcast v11, $0x9;
	v36 =	vadd.f32 v60, v51;
	v24 =	vadd.f32 $0.0e+00, v24  }
0xae: {  	v23 =	vld [tilespmem:s31+$0xE0];
	v4 =	vadd.f32 v4, v45;
	v9 =	vadd.f32 v9, v37  }
0xaf: {  	v58 =	vmul.f32 v42, v39;
	v29 =	vld [tilespmem:s31+$0xA0];
	v60 =	vadd.f32 v7, v21;
	v22 =	vadd.f32 v22, v24  }
0xb0: {  	v8 =	vld [tilespmem:s30+$0x70];
	v13 =	vadd.f32 v13, v40;
	v28 =	vperm.xlane v4, v1;
	v9 =	vmul.f32 v9, v56  }
0xb1: {  	v16 =	vbroadcast v10, $0xC;
	v15 =	vadd.f32 v15, v46;
	v24 =	vld [tilespmem:s31+$0x100];
	v14 =	vadd.f32 v14, v22  }
0xb2: {  	v32 =	vmul.f32 v33, v32;
	v4 =	vadd.f32 v4, v28;
	v28 =	vld [tilespmem:s30+$0x100];
	v9 =	vadd.f32 $0.0e+00, v9  }
0xb3: {  	v61 =	vbroadcast v10, $0x9;
	v19 =	vadd.f32 v19, v16;
	v23 =	vadd.f32 v23, v40;
	v22 =	vld [tilespmem:s31+$0x30]  }
0xb4: {  	v53 =	vld [tilespmem:s30+$0x80];
	v14 =	vadd.f32 v58, v14;
	v9 =	vadd.f32 v32, v9  }
0xb5: {  	v48 =	vld [tilespmem:s31+$0xFFFFFFA0];
	v29 =	vadd.f32 v29, v51;
	v45 =	vbroadcast v11, $0x8;
	v47 =	vadd.f32 v8, v61  }
0xb6: {  	v49 =	vld [tilespmem:s30+$0xFFFFFF30];
	v24 =	vadd.f32 v24, v5;
	v9 =	vadd.f32 v20, v9;
	v20 =	vperm.xlane v14, v0  }
0xb7: {  	v26 =	vmul.f32 v27, v26;
	v25 =	vld [tilespmem:s31+$0xD0];
	v5 =	vadd.f32 v30, v5;
	v28 =	vadd.f32 v28, v16  }
0xb8: {  	v27 =	vld [tilespmem:s30+$0x10];
	v59 =	vperm.xlane v4, v2;
	v22 =	vadd.f32 v22, v45;
	v14 =	vadd.f32 v14, v20  }
0xb9: {  	v20 =	vld [tilespmem:s30+$0xC0];
	v24 =	vmul.f32 v28, v24;
	v28 =	vadd.f32 v44, v16;
	v12 =	vadd.f32 v12, v9  }
0xba: {  	v4 =	vadd.f32 v4, v59;
	v16 =	vadd.f32 v31, v16;
	v31 =	vld [tilespmem:s30+$0x50]  }
0xbb: {  	v9 =	vld [tilespmem:s30+$0xFFFFFFF0];
	v24 =	vadd.f32 $0.0e+00, v24;
	v28 =	vmul.f32 v28, v38;
	v52 =	vperm.xlane v12, v0  }
0xbc: {  	v33 =	vld [tilespmem:s30+$0x60];
	v30 =	vperm.xlane v14, v1;
	v5 =	vmul.f32 v16, v5;
	v16 =	vadd.f32 v25, v40  }
0xbd: {  	v42 =	vbroadcast v10, $0x7;
	v24 =	vadd.f32 v28, v24;
	v12 =	vadd.f32 v12, v52;
	v28 =	vld [tilespmem:s31+$0x50]  }
0xbe: {  	v18 =	vmul.f32 v19, v18;
	v14 =	vadd.f32 v14, v30;
	v30 =	vld [tilespmem:s31+$0x20];
	v20 =	vadd.f32 v20, v43  }
0xbf: {  	v39 =	vld [tilespmem:s31+$0xFFFFFF20];
	v31 =	vadd.f32 v31, v61;
	v25 =	vperm.xlane v12, v1;
	v5 =	vadd.f32 v5, v24  }
0xc0: {  	v19 =	vld [tilespmem:s30+$0x20];
	v9 =	vadd.f32 v9, v42;
	v13 =	vmul.f32 v20, v13;
	v20 =	vadd.f32 v57, v43  }
0xc1: {  	v37 =	vld [tilespmem:s30+$0x30];
	v25 =	vadd.f32 v12, v25;
	v12 =	vperm.xlane v14, v2;
	v18 =	vadd.f32 v18, v5  }
0xc2: {  	v24 =	vld [tilespmem:s31+$0x80];
	v13 =	vadd.f32 $0.0e+00, v13;
	v20 =	vmul.f32 v20, v16;
	v28 =	vadd.f32 v28, v21  }
0xc3: {  	v58 =	vld [tilespmem:s30+$0x40];
	v30 =	vadd.f32 v30, v45;
	v5 =	vadd.f32 v14, v12  }
0xc4: {  	v32 =	vld [tilespmem:s31+$0x60];
	v14 =	vmul.f32 v34, v23;
	v13 =	vadd.f32 v20, v13;
	v20 =	vperm.xlane v18, v0  }
0xc5: {  	v57 =	vld [tilespmem:s31+$0x40];
	v54 =	vperm.xlane v25, v2;
	v28 =	vmul.f32 v31, v28;
	v31 =	vadd.f32 v33, v61  }
0xc6: {  	v44 =	vld [tilespmem:s31+$0xFFFFFE90];
	v34 =	vbroadcast v10, $0x8;
	v13 =	vadd.f32 v14, v13;
	v14 =	vadd.f32 v18, v20  }
0xc7: {  	v41 =	vbroadcast v10, $0x6;
	v40 =	vld [tilespmem:s30+$0xFFFFFFE0];
	v20 =	vadd.f32 v24, v51;
	v24 =	vadd.f32 v53, v46  }
0xc8: {  	v15 =	vmul.f32 v15, v29;
	v38 =	vld [tilespmem:s30+$0xFFFFFEB0];
	v6 =	vadd.f32 v25, v54;
	v29 =	vadd.f32 v37, v34  }
0xc9: {  	v16 =	vld [tilespmem:s31+$0xFFFFFFB0];
	v20 =	vmul.f32 v24, v20;
	v24 =	vadd.f32 v62, v46;
	v26 =	vadd.f32 v26, v13  }
0xca: {  	v17 =	vmul.f32 v55, v17;
	v12 =	vld [tilespmem:s30+$0xFFFFFFB0];
	v52 =	vadd.f32 v57, v21;
	v21 =	vadd.f32 v32, v21  }
0xcb: {  	v23 =	vld [tilespmem:s31+$0xFFFFFFE0];
	v20 =	vadd.f32 $0.0e+00, v20;
	v24 =	vmul.f32 v24, v36;
	v59 =	vperm.xlane v26, v0  }
0xcc: {  	v33 =	vld [tilespmem:s31+$0xFFFFFF60];
	v25 =	vbroadcast v11, $0x7;
	v19 =	vadd.f32 v19, v34;
	v27 =	vadd.f32 v27, v34  }
0xcd: {  	v43 =	vbroadcast v10, $0x5;
	v54 =	vld [tilespmem:s31+$0x0];
	v8 =	vadd.f32 v24, v20;
	v20 =	vadd.f32 v26, v59  }
0xce: {  	v18 =	vld [tilespmem:s31+$0x10];
	v53 =	vadd.f32 v58, v61;
	v51 =	vbroadcast v10, $0x4;
	v57 =	vadd.f32 v63, v25  }
0xcf: {  	v21 =	vmul.f32 v31, v21;
	v31 =	vld [tilespmem:s30+$0xFFFFFFC0];
	v8 =	vadd.f32 v15, v8;
	v15 =	vperm.xlane v20, v1  }
0xd0: {  	v37 =	vld [tilespmem:s31+$0xFFFFFF30];
	v56 =	vperm.xlane v14, v1;
	v23 =	vadd.f32 v23, v25;
	v12 =	vadd.f32 v12, v41  }
0xd1: {  	v22 =	vmul.f32 v29, v22;
	v8 =	vadd.f32 v17, v8;
	v17 =	vadd.f32 v20, v15;
	v20 =	vld [tilespmem:s30+$0x0]  }
0xd2: {  	v29 =	vld [tilespmem:s30+$0xFFFFFF50];
	v35 =	vadd.f32 v14, v56;
	v61 =	vadd.f32 v54, v45;
	v15 =	vmul.f32 v53, v52  }
0xd3: {  	v36 =	vld [tilespmem:s30+$0xFFFFFFD0];
	v18 =	vadd.f32 v18, v45;
	v55 =	vperm.xlane v8, v0;
	v56 =	vperm.xlane v17, v2  }
0xd4: {  	v7 =	vperm.xlane v35, v2;
	v26 =	vld [tilespmem:s31+$0xFFFFFFD0];
	v31 =	vadd.f32 v31, v42;
	v50 =	vadd.f32 $0.0e+00, v15  }
0xd5: {  	v19 =	vmul.f32 v19, v30;
	v32 =	vadd.f32 v8, v55;
	v8 =	vadd.f32 v17, v56;
	v17 =	vld [tilespmem:s31+$0xFFFFFFC0]  }
0xd6: {  	v24 =	vld [tilespmem:s30+$0xFFFFFFA0];
	v7 =	vadd.f32 v35, v7;
	v35 =	vbroadcast v11, $0x6;
	v20 =	vadd.f32 v20, v34  }
0xd7: {  	v58 =	vld [tilespmem:s31+$0xFFFFFF90];
	v29 =	vadd.f32 v29, v43;
	v18 =	vmul.f32 v27, v18;
	v28 =	vadd.f32 v28, v50  }
0xd8: {  	v63 =	vld [tilespmem:s30+$0xFFFFFF60];
	v27 =	vadd.f32 v36, v42;
	v16 =	vadd.f32 v16, v35;
	v20 =	vmul.f32 v20, v61  }
0xd9: {  	v30 =	vld [tilespmem:s30+$0xFFFFFEF0];
	v46 =	vmul.f32 v47, v60;
	v26 =	vadd.f32 v26, v25;
	v21 =	vadd.f32 v21, v28  }
0xda: {  	v45 =	vld [tilespmem:s30+$0xFFFFFF20];
	v15 =	vbroadcast v11, $0x5;
	v20 =	vadd.f32 $0.0e+00, v20;
	v17 =	vadd.f32 v17, v25  }
0xdb: {  	v13 =	vld [tilespmem:s30+$0xFFFFFF70];
	v24 =	vadd.f32 v24, v41;
	v62 =	vperm.xlane v32, v1;
	v21 =	vadd.f32 v46, v21  }
0xdc: {  	v60 =	vld [tilespmem:s31+$0xFFFFFEF0];
	v33 =	vadd.f32 v33, v15;
	v17 =	vmul.f32 v31, v17;
	v18 =	vadd.f32 v18, v20  }
0xdd: {  	v28 =	vadd.f32 v32, v62;
	v25 =	vperm.xlane v21, v0;
	v20 =	vld [tilespmem:s31+$0xFFFFFF80];
	v31 =	vadd.f32 v40, v42  }
0xde: {  	v47 =	vld [tilespmem:s30+$0xFFFFFF10];
	v26 =	vmul.f32 v27, v26;
	v17 =	vadd.f32 $0.0e+00, v17;
	v18 =	vadd.f32 v19, v18  }
0xdf: {  	v32 =	vadd.f32 v45, v51;
	v27 =	vperm.xlane v28, v2;
	v21 =	vadd.f32 v21, v25;
	v25 =	vld [tilespmem:s30+$0xFFFFFF80]  }
0xe0: {  	v14 =	vld [tilespmem:s31+$0xFFFFFF70];
	v23 =	vmul.f32 v31, v23;
	v17 =	vadd.f32 v26, v17;
	v18 =	vadd.f32 v22, v18  }
0xe1: {  	v59 =	vld [tilespmem:s30+$0xFFFFFF90];
	v22 =	vperm.xlane v21, v1;
	v26 =	vmul.f32 v9, v57;
	v9 =	vadd.f32 v28, v27  }
0xe2: {  	v19 =	vld [tilespmem:s31+$0xFFFFFF50];
	v27 =	vadd.f32 v49, v51;
	v20 =	vadd.f32 v20, v35  }
0xe3: {  	v54 =	vld [tilespmem:s31+$0xFFFFFE70];
	v17 =	vadd.f32 v23, v17;
	v23 =	vperm.xlane v18, v0;
	v21 =	vadd.f32 v21, v22  }
0xe4: {  	v46 =	vld [tilespmem:s31+$0xFFFFFF10];
	v22 =	vadd.f32 v25, v41;
	v25 =	vadd.f32 v48, v35  }
0xe5: {  	v36 =	vld [tilespmem:s31+$0xFFFFFEB0];
	v17 =	vadd.f32 v26, v17;
	v18 =	vadd.f32 v18, v23  }
0xe6: {  	v52 =	vld [tilespmem:s31+$0xFFFFFE30];
	v20 =	vmul.f32 v22, v20;
	v22 =	vadd.f32 v58, v35;
	v23 =	vadd.f32 v59, v41  }
0xe7: {  	v53 =	vld [tilespmem:s30+$0xFFFFFE30];
	v50 =	vbroadcast v11, $0x4;
	v48 =	vadd.f32 v63, v43;
	v59 =	vadd.f32 v19, v15  }
0xe8: {  	v55 =	vld [tilespmem:s30+$0xFFFFFE70];
	v26 =	vperm.xlane v17, v0;
	v20 =	vadd.f32 $0.0e+00, v20;
	v22 =	vmul.f32 v23, v22  }
0xe9: {  	v56 =	vld [tilespmem:s31+$0xFFFFFEA0];
	v23 =	vperm.xlane v18, v1;
	v29 =	vmul.f32 v29, v59;
	v59 =	vadd.f32 v46, v50  }
0xea: {  	v61 =	vld [tilespmem:s30+$0xFFFFFF40];
	v17 =	vadd.f32 v17, v26;
	v20 =	vadd.f32 v22, v20;
	v22 =	vmul.f32 v24, v25  }
0xeb: {  	v40 =	vld [tilespmem:s31+$0xFFFFFEE0];
	v26 =	vperm.xlane v21, v2;
	v18 =	vadd.f32 v18, v23;
	v24 =	vadd.f32 v14, v15  }
0xec: {  	v16 =	vmul.f32 v12, v16;
	v42 =	vld [tilespmem:s30+$0xFFFFFEE0];
	v25 =	vadd.f32 v13, v43;
	v14 =	vadd.f32 v22, v20  }
0xed: {  	v45 =	vld [tilespmem:s31+$0xFFFFFEC0];
	v23 =	vperm.xlane v17, v1;
	v12 =	vadd.f32 v21, v26;
	v20 =	vperm.xlane v18, v2  }
0xee: {  	v28 =	vld [tilespmem:s31+$0xFFFFFF40];
	v22 =	vbroadcast v11, $0x3;
	v26 =	vadd.f32 v37, v50;
	v62 =	vadd.f32 v16, v14  }
0xef: {  	v31 =	vld [tilespmem:s30+$0xFFFFFED0];
	v21 =	vbroadcast v10, $0x3;
	v17 =	vadd.f32 v17, v23;
	v13 =	vadd.f32 v18, v20  }
0xf0: {  	v57 =	vld [tilespmem:s30+$0xFFFFFEA0];
	v16 =	vadd.f32 v60, v22;
	v20 =	vbroadcast v10, $0x2;
	v18 =	vperm.xlane v62, v0  }
0xf1: {  	v49 =	vld [tilespmem:s31+$0xFFFFFF00];
	v33 =	vmul.f32 v48, v33;
	v40 =	vadd.f32 v40, v22;
	v42 =	vadd.f32 v42, v21  }
0xf2: {  	v58 =	vld [tilespmem:s31+$0xFFFFFED0];
	v14 =	vperm.xlane v17, v2;
	v19 =	vadd.f32 v38, v20;
	v63 =	vadd.f32 v62, v18  }
0xf3: {  	v23 =	vbroadcast v11, $0x2;
	v60 =	vld [tilespmem:s30+$0xFFFFFF00];
	v18 =	vadd.f32 v28, v15;
	v28 =	vadd.f32 v61, v43  }
0xf4: {  	v41 =	vld [tilespmem:s31+$0xFFFFFE60];
	v38 =	vbroadcast v11, $0x1;
	v14 =	vadd.f32 v17, v14;
	v17 =	vadd.f32 v30, v21  }
0xf5: {  	v48 =	vld [tilespmem:s31+$0xFFFFFE10];
	v30 =	vadd.f32 v39, v50;
	v61 =	vperm.xlane v63, v1;
	v62 =	vmul.f32 v28, v18  }
0xf6: {  	v46 =	vld [tilespmem:s30+$0xFFFFFEC0];
	v28 =	vbroadcast v11, $0x0;
	v18 =	vadd.f32 v36, v23;
	v11 =	vadd.f32 v49, v50  }
0xf7: {  	v34 =	vbroadcast v10, $0x0;
	v37 =	vld [tilespmem:s31+$0xFFFFFE20];
	v15 =	vadd.f32 v63, v61;
	v63 =	vadd.f32 $0.0e+00, v62  }
0xf8: {  	v39 =	vld [tilespmem:s30+$0xFFFFFE20];
	v36 =	vadd.f32 v60, v51;
	v60 =	vadd.f32 v47, v51  }
0xf9: {  	v35 =	vbroadcast v10, $0x1;
	v43 =	vld [tilespmem:s30+$0xFFFFFE60];
	v51 =	vadd.f32 v53, v34;
	v29 =	vadd.f32 v29, v63  }
0xfa: {  	v49 =	vld [tilespmem:s30+$0xFFFFFE10];
	v50 =	vadd.f32 v52, v28;
	v36 =	vmul.f32 v36, v11;
	v11 =	vadd.f32 v54, v38  }
0xfb: {  	v47 =	vld [tilespmem:s31+$0xFFFFFE80];
	v10 =	vadd.f32 v33, v29;
	v29 =	vadd.f32 v55, v35  }
0xfc: {  	v53 =	vld [tilespmem:s31+$0xFFFFFE00];
	v33 =	vadd.f32 v56, v23;
	v55 =	vadd.f32 $0.0e+00, v36;
	v56 =	vmul.f32 v60, v59  }
0xfd: {  	s0 =	simm.s32 $0x40;
	v52 =	vld [tilespmem:s31+$0xFFFFFE50];
	v54 =	vadd.f32 v58, v22;
	v36 =	vadd.f32 v57, v20  }
.LBB2_2:
0xfe: {  	p0 =	sne.s32 s0, $0x7C0;
	v57 =	vld [tilespmem:s30+$0xFFFFFE00];
	v31 =	vadd.f32 v31, v21;
	v55 =	vadd.f32 v56, v55  }
0xff: {  	v37 =	vadd.f32 v37, v28;
	v39 =	vadd.f32 v39, v34;
	v24 =	vmul.f32 v25, v24;
	v56 =	vld [tilespmem:s31+$0xFFFFFE40]  }
0x100: {  	v41 =	vadd.f32 v41, v38;
	v43 =	vadd.f32 v43, v35;
	v26 =	vmul.f32 v27, v26;
	v25 =	vld [tilespmem:s30+$0xFFFFFE40]  }
0x101: {  	v44 =	vadd.f32 v44, v23;
	v22 =	vadd.f32 v45, v22;
	v30 =	vmul.f32 v32, v30;
	v27 =	vld [tilespmem:s30+$0xFFFFFE80]  }
0x102: {  	v32 =	vadd.f32 v48, v28;
	v21 =	vadd.f32 v46, v21;
	v40 =	vmul.f32 v42, v40;
	v45 =	vld [tilespmem:s30+$0xFFFFFE50]  }
0x103: {  	v46 =	vmul.f32 v51, v50;
	v42 =	vadd.f32 v49, v34;
	v48 =	vadd.f32 v52, v38;
	v49 =	vld [tilespmem:s30+$0xFFFFFE90]  }
0x104: {  	v31 =	vmul.f32 v31, v54;
	v28 =	vadd.f32 v53, v28;
	v34 =	vadd.f32 v57, v34  }
0x105: {  	v37 =	vmul.f32 v39, v37;
	v38 =	vadd.f32 v56, v38;
	v25 =	vadd.f32 v25, v35  }
0x106: {  	v21 =	vmul.f32 v21, v22;
	v23 =	vadd.f32 v47, v23;
	v27 =	vadd.f32 v27, v20  }
0x107: {  	v22 =	vmul.f32 v34, v28;
	v25 =	vmul.f32 v25, v38;
	v28 =	vadd.f32 v45, v35  }
0x108: {  	v32 =	vmul.f32 v42, v32;
	v23 =	vmul.f32 v27, v23;
	v20 =	vadd.f32 v49, v20  }
0x109: {  	v22 =	vadd.f32 $0.0e+00, v22;
	v25 =	vadd.f32 $0.0e+00, v25;
	v27 =	vmul.f32 v28, v48  }
0x10a: {  	v21 =	vadd.f32 $0.0e+00, v21;
	v23 =	vadd.f32 $0.0e+00, v23;
	v20 =	vmul.f32 v20, v44  }
0x10b: {  	v22 =	vadd.f32 v32, v22;
	v25 =	vadd.f32 v27, v25;
	v27 =	vmul.f32 v43, v41  }
0x10c: {  	v21 =	vadd.f32 v31, v21;
	v20 =	vadd.f32 v20, v23;
	v23 =	vmul.f32 v36, v33  }
0x10d: {  	v11 =	vmul.f32 v29, v11;
	v22 =	vadd.f32 v37, v22;
	v25 =	vadd.f32 v27, v25  }
0x10e: {  	v18 =	vmul.f32 v19, v18;
	v19 =	vadd.f32 v40, v21;
	v20 =	vadd.f32 v23, v20  }
0x10f: {  	v16 =	vmul.f32 v17, v16;
	v21 =	vadd.f32 v46, v22;
	v11 =	vadd.f32 v11, v25  }
0x110: {  	v17 =	vadd.f32 v18, v20;
	v18 =	vadd.f32 v30, v55;
	v20 =	vperm.xlane v15, v2  }
0x111: {  	v16 =	vadd.f32 v16, v19;
	v22 =	vperm.xlane v21, v0;
	v23 =	vperm.xlane v11, v0  }
0x112: {  	v10 =	vadd.f32 v24, v10;
	v19 =	vperm.xlane v17, v0;
	v18 =	vadd.f32 v26, v18  }
0x113: {  	v21 =	vadd.f32 v21, v22;
	v22 =	vperm.xlane v16, v0;
	v11 =	vadd.f32 v11, v23  }
0x114: {  	v23 =	vperm.xlane v10, v0;
	v17 =	vadd.f32 v17, v19;
	v19 =	vperm.xlane v18, v0  }
0x115: {  	v24 =	vperm.xlane v21, v1;
	v16 =	vadd.f32 v16, v22;
	v25 =	vperm.xlane v11, v1  }
0x116: {  	v10 =	vadd.f32 v10, v23;
	v22 =	vperm.xlane v17, v1;
	v18 =	vadd.f32 v18, v19  }
0x117: {  	v19 =	vadd.f32 v21, v24;
	v21 =	vperm.xlane v16, v1;
	v11 =	vadd.f32 v11, v25  }
0x118: {  	v23 =	vperm.xlane v10, v1;
	v17 =	vadd.f32 v17, v22;
	v22 =	vperm.xlane v18, v1  }
0x119: {  	v24 =	vperm.xlane v19, v2;
	v16 =	vadd.f32 v16, v21;
	v25 =	vperm.xlane v11, v2  }
0x11a: {  	v10 =	vadd.f32 v10, v23;
	v21 =	vperm.xlane v17, v2;
	v18 =	vadd.f32 v18, v22  }
0x11b: {  	v19 =	vadd.f32 v19, v24;
	v22 =	vperm.xlane v16, v2;
	v11 =	vadd.f32 v11, v25  }
0x11c: {  	v23 =	vperm.xlane v10, v2;
	v17 =	vadd.f32 v17, v21;
	v21 =	vperm.xlane v18, v2  }
0x11d: {  	v24 =	vperm.xlane v19, v3;
	v16 =	vadd.f32 v16, v22;
	v25 =	vperm.xlane v11, v3  }
0x11e: {  	v10 =	vadd.f32 v10, v23;
	v22 =	vperm.xlane v17, v3;
	v18 =	vadd.f32 v18, v21  }
0x11f: {  	v19 =	vadd.f32 v19, v24;
	v21 =	vperm.xlane v16, v3;
	v11 =	vadd.f32 v11, v25  }
0x120: {  	v15 =	vadd.f32 v15, v20;
	v17 =	vadd.f32 v17, v22;
	v22 =	vperm.xlane v18, v3  }
0x121: {  	v16 =	vadd.f32 v16, v21;
	v11 =	vsel vm0, v19, v11;
	v19 =	vperm.xlane v10, v3  }
0x122: {  	v11 =	vsel vm1, v11, v17;
	v17 =	vadd.f32 v18, v22;
	v18 =	vperm.xlane v15, v3  }
0x123: {  	v11 =	vsel vm2, v11, v16;
	v10 =	vadd.f32 v10, v19;
	v16 =	vperm.xlane v14, v3  }
0x124: {  	v11 =	vsel vm3, v11, v17;
	v15 =	vadd.f32 v15, v18;
	v17 =	vperm.xlane v13, v3  }
0x125: {  	v10 =	vsel vm4, v11, v10;
	v11 =	vadd.f32 v14, v16;
	v14 =	vperm.xlane v12, v3  }
0x126: {  	v10 =	vsel vm5, v10, v15;
	v13 =	vadd.f32 v13, v17;
	v15 =	vperm.xlane v9, v3  }
0x127: {  	v10 =	vsel vm6, v10, v11;
	v11 =	vadd.f32 v12, v14;
	v12 =	vperm.xlane v8, v3  }
0x128: {  	v10 =	vsel vm7, v10, v13;
	v9 =	vadd.f32 v9, v15;
	v13 =	vperm.xlane v7, v3  }
0x129: {  	v10 =	vsel vm8, v10, v11;
	v8 =	vadd.f32 v8, v12;
	v11 =	vperm.xlane v6, v3  }
0x12a: {  	v9 =	vsel vm9, v10, v9;
	v7 =	vadd.f32 v7, v13;
	v10 =	vperm.xlane v5, v3  }
0x12b: {  	v8 =	vsel vm10, v9, v8;
	v6 =	vadd.f32 v6, v11;
	v9 =	vperm.xlane v4, v3  }
0x12c: {  	v7 =	vsel vm11, v8, v7;
	v5 =	vadd.f32 v5, v10  }
0x12d: {  	v6 =	vsel vm12, v7, v6;
	v4 =	vadd.f32 v4, v9  }
0x12e: {  	s4 =	sshra.s32 s0, $0x2;
	v5 =	vsel vm13, v6, v5  }
0x12f: {  	v11 =	vld [tilespmem:s4+$0x10400];
	v4 =	vsel vm14, v5, v4  }
0x130: {  	s31 =	sadd.s32 $0x400, s31;
	v10 =	vld [tilespmem:s4+$0x10600];
	[tilespmem:s29+$0x10800] =	vst v4;
	s29 =	smov.u32 s4  }
0x131: {  	s30 =	sadd.s32 $0x400, s30;
	v6 =	vld [tilespmem:s31+$0x1F0]  }
0x132: {  	v7 =	vld [tilespmem:s30+$0x1F0]  }
0x133: {  	v8 =	vld [tilespmem:s31+$0x1B0]  }
0x134: {  	v13 =	vld [tilespmem:s30+$0x1B0]  }
0x135: {  	v5 =	vld [tilespmem:s31+$0x1E0]  }
0x136: {  	v14 =	vld [tilespmem:s30+$0x1E0]  }
0x137: {  	v18 =	vld [tilespmem:s31+$0x170]  }
0x138: {  	v4 =	vld [tilespmem:s30+$0x170]  }
0x139: {  	v19 =	vld [tilespmem:s31+$0x1A0]  }
0x13a: {  	v20 =	vld [tilespmem:s30+$0x1A0]  }
0x13b: {  	v16 =	vld [tilespmem:s31+$0x1D0]  }
0x13c: {  	v21 =	vld [tilespmem:s30+$0x1D0]  }
0x13d: {  	v24 =	vld [tilespmem:s31+$0x130]  }
0x13e: {  	v15 =	vld [tilespmem:s30+$0x130]  }
0x13f: {  	v23 =	vld [tilespmem:s31+$0x160]  }
0x140: {  	v25 =	vld [tilespmem:s30+$0x160]  }
0x141: {  	v22 =	vld [tilespmem:s31+$0x190]  }
0x142: {  	v26 =	vld [tilespmem:s31+$0x1C0]  }
0x143: {  	v27 =	vld [tilespmem:s30+$0x1C0]  }
0x144: {  	v28 =	vld [tilespmem:s30+$0x190]  }
0x145: {  	v29 =	vld [tilespmem:s31+$0xF0]  }
0x146: {  	v30 =	vbroadcast v11, $0xF;
	v31 =	vbroadcast v10, $0xF;
	v9 =	vld [tilespmem:s30+$0xF0]  }
0x147: {  	v17 =	vld [tilespmem:s31+$0x120]  }
0x148: {  	v26 =	vadd.f32 v26, v30;
	v12 =	vld [tilespmem:s30+$0x120];
	v27 =	vadd.f32 v27, v31  }
0x149: {  	v32 =	vld [tilespmem:s31+$0x150]  }
0x14a: {  	v16 =	vadd.f32 v16, v30;
	v21 =	vadd.f32 v21, v31;
	v33 =	vld [tilespmem:s30+$0x150];
	v26 =	vmul.f32 v27, v26  }
0x14b: {  	v27 =	vadd.f32 v5, v30;
	v34 =	vld [tilespmem:s31+$0x180]  }
0x14c: {  	v14 =	vadd.f32 v14, v31;
	v16 =	vmul.f32 v21, v16;
	v35 =	vld [tilespmem:s30+$0x180];
	v26 =	vadd.f32 $0.0e+00, v26  }
0x14d: {  	v21 =	vbroadcast v11, $0xE;
	v30 =	vadd.f32 v6, v30;
	v5 =	vld [tilespmem:s31+$0xB0]  }
0x14e: {  	v7 =	vadd.f32 v7, v31;
	v14 =	vmul.f32 v14, v27;
	v6 =	vld [tilespmem:s30+$0xB0];
	v26 =	vadd.f32 v16, v26  }
0x14f: {  	v36 =	vbroadcast v10, $0xE;
	v31 =	vbroadcast v11, $0xD;
	v27 =	vld [tilespmem:s31+$0xE0]  }
0x150: {  	v37 =	vbroadcast v10, $0xD;
	v7 =	vmul.f32 v7, v30;
	v16 =	vld [tilespmem:s30+$0xE0];
	v14 =	vadd.f32 v14, v26  }
0x151: {  	v38 =	vbroadcast v10, $0xC;
	v30 =	vbroadcast v11, $0xC;
	v26 =	vadd.f32 v8, v21;
	v39 =	vld [tilespmem:s31+$0x110]  }
0x152: {  	v40 =	vbroadcast v11, $0xB;
	v42 =	vadd.f32 v13, v36;
	v41 =	vld [tilespmem:s31+$0x140];
	v43 =	vadd.f32 v7, v14  }
0x153: {  	v44 =	vbroadcast v10, $0xB;
	v8 =	vadd.f32 v34, v21;
	v14 =	vadd.f32 v35, v36;
	v45 =	vld [tilespmem:s30+$0x140]  }
0x154: {  	v13 =	vbroadcast v11, $0xA;
	v35 =	vadd.f32 v18, v31;
	v18 =	vadd.f32 v19, v21;
	v34 =	vld [tilespmem:s30+$0x110]  }
0x155: {  	v20 =	vadd.f32 v20, v36;
	v19 =	vmul.f32 v14, v8;
	v46 =	vperm.xlane v43, v0;
	v7 =	vld [tilespmem:s31+$0x70]  }
0x156: {  	v28 =	vadd.f32 v28, v36;
	v21 =	vadd.f32 v22, v21;
	v14 =	vbroadcast v10, $0xA;
	v8 =	vld [tilespmem:s30+$0x70]  }
0x157: {  	v18 =	vmul.f32 v20, v18;
	v19 =	vadd.f32 $0.0e+00, v19;
	v36 =	vadd.f32 v43, v46;
	v22 =	vld [tilespmem:s31+$0xA0]  }
0x158: {  	v21 =	vmul.f32 v28, v21;
	v41 =	vadd.f32 v41, v31;
	v20 =	vld [tilespmem:s30+$0xA0];
	v43 =	vadd.f32 v45, v37  }
0x159: {  	v28 =	vadd.f32 v32, v31;
	v31 =	vadd.f32 v23, v31;
	v23 =	vperm.xlane v36, v1;
	v45 =	vld [tilespmem:s31+$0xD0]  }
0x15a: {  	v33 =	vadd.f32 v33, v37;
	v19 =	vadd.f32 v21, v19;
	v32 =	vld [tilespmem:s30+$0xD0];
	v41 =	vmul.f32 v43, v41  }
0x15b: {  	v25 =	vadd.f32 v25, v37;
	v42 =	vmul.f32 v42, v26;
	v36 =	vadd.f32 v36, v23;
	v21 =	vld [tilespmem:s31+$0x100]  }
0x15c: {  	v28 =	vmul.f32 v33, v28;
	v18 =	vadd.f32 v18, v19;
	v43 =	vld [tilespmem:s30+$0x100];
	v41 =	vadd.f32 $0.0e+00, v41  }
0x15d: {  	v33 =	vadd.f32 v24, v30;
	v24 =	vadd.f32 v4, v37;
	v4 =	vperm.xlane v36, v2;
	v23 =	vld [tilespmem:s31+$0x30]  }
0x15e: {  	v25 =	vmul.f32 v25, v31;
	v31 =	vadd.f32 v42, v18;
	v26 =	vld [tilespmem:s30+$0x30];
	v28 =	vadd.f32 v28, v41  }
0x15f: {  	v37 =	vadd.f32 v15, v38;
	v18 =	vbroadcast v11, $0x9;
	v4 =	vadd.f32 v36, v4;
	v19 =	vld [tilespmem:s31+$0x60]  }
0x160: {  	v29 =	vadd.f32 v29, v40;
	v15 =	vld [tilespmem:s30+$0x60];
	v25 =	vadd.f32 v25, v28;
	v28 =	vperm.xlane v31, v0  }
0x161: {  	v24 =	vmul.f32 v24, v35;
	v41 =	vadd.f32 v21, v30;
	v36 =	vld [tilespmem:s31+$0x90];
	v42 =	vadd.f32 v43, v38  }
0x162: {  	v39 =	vadd.f32 v39, v30;
	v21 =	vbroadcast v10, $0x9;
	v35 =	vld [tilespmem:s31+$0xC0];
	v28 =	vadd.f32 v31, v28  }
0x163: {  	v34 =	vadd.f32 v34, v38;
	v31 =	vld [tilespmem:s30+$0xC0];
	v41 =	vmul.f32 v42, v41;
	v42 =	vadd.f32 v24, v25  }
0x164: {  	v46 =	vadd.f32 v9, v44;
	v30 =	vadd.f32 v17, v30;
	v43 =	vld [tilespmem:s30+$0x90];
	v25 =	vperm.xlane v28, v1  }
0x165: {  	v34 =	vmul.f32 v34, v39;
	v24 =	vld [tilespmem:s31+$0xFFFFFFF0];
	v41 =	vadd.f32 $0.0e+00, v41;
	v39 =	vperm.xlane v42, v0  }
0x166: {  	v12 =	vadd.f32 v12, v38;
	v17 =	vbroadcast v11, $0x8;
	v9 =	vld [tilespmem:s30+$0xFFFFFFF0];
	v38 =	vadd.f32 v28, v25  }
0x167: {  	v33 =	vmul.f32 v37, v33;
	v25 =	vld [tilespmem:s31+$0x20];
	v34 =	vadd.f32 v34, v41;
	v37 =	vadd.f32 v42, v39  }
0x168: {  	v12 =	vmul.f32 v12, v30;
	v35 =	vadd.f32 v35, v40;
	v28 =	vld [tilespmem:s30+$0x20];
	v31 =	vadd.f32 v31, v44  }
0x169: {  	v27 =	vadd.f32 v27, v40;
	v39 =	vadd.f32 v45, v40;
	v30 =	vld [tilespmem:s31+$0x50];
	v40 =	vperm.xlane v37, v1  }
0x16a: {  	v32 =	vadd.f32 v32, v44;
	v12 =	vadd.f32 v12, v34;
	v41 =	vld [tilespmem:s30+$0x50];
	v31 =	vmul.f32 v31, v35  }
0x16b: {  	v35 =	vadd.f32 v16, v44;
	v34 =	vld [tilespmem:s31+$0x80];
	v37 =	vadd.f32 v37, v40;
	v40 =	vperm.xlane v38, v2  }
0x16c: {  	v32 =	vmul.f32 v32, v39;
	v33 =	vadd.f32 v33, v12;
	v42 =	vld [tilespmem:s30+$0x80];
	v31 =	vadd.f32 $0.0e+00, v31  }
0x16d: {  	v39 =	vadd.f32 v5, v13;
	v16 =	vld [tilespmem:s31+$0xFFFFFFB0];
	v44 =	vperm.xlane v37, v2;
	v5 =	vadd.f32 v38, v40  }
0x16e: {  	v27 =	vmul.f32 v35, v27;
	v12 =	vld [tilespmem:s30+$0xFFFFFFB0];
	v31 =	vadd.f32 v32, v31;
	v32 =	vperm.xlane v33, v0  }
0x16f: {  	v38 =	vbroadcast v10, $0x8;
	v40 =	vadd.f32 v6, v14;
	v35 =	vld [tilespmem:s31+$0xFFFFFFE0];
	v6 =	vadd.f32 v37, v44  }
0x170: {  	v37 =	vbroadcast v11, $0x7;
	v44 =	vld [tilespmem:s30+$0xFFFFFFE0];
	v27 =	vadd.f32 v27, v31;
	v31 =	vadd.f32 v33, v32  }
0x171: {  	v29 =	vmul.f32 v46, v29;
	v33 =	vadd.f32 v34, v13;
	v32 =	vld [tilespmem:s31+$0x10];
	v34 =	vadd.f32 v42, v14  }
0x172: {  	v36 =	vadd.f32 v36, v13;
	v45 =	vadd.f32 v22, v13;
	v42 =	vld [tilespmem:s30+$0x10];
	v13 =	vperm.xlane v31, v1  }
0x173: {  	v27 =	vadd.f32 v29, v27;
	v46 =	vld [tilespmem:s31+$0x40];
	v22 =	vmul.f32 v34, v33;
	v33 =	vadd.f32 v43, v14  }
0x174: {  	v20 =	vadd.f32 v20, v14;
	v29 =	vbroadcast v10, $0x7;
	v34 =	vld [tilespmem:s30+$0x40];
	v31 =	vadd.f32 v31, v13  }
0x175: {  	v14 =	vld [tilespmem:s31+$0xFFFFFF70];
	v43 =	vadd.f32 $0.0e+00, v22;
	v33 =	vmul.f32 v33, v36;
	v36 =	vperm.xlane v27, v0  }
0x176: {  	v47 =	vadd.f32 v7, v18;
	v48 =	vadd.f32 v8, v21;
	v13 =	vld [tilespmem:s30+$0xFFFFFF70];
	v7 =	vperm.xlane v31, v2  }
0x177: {  	v20 =	vmul.f32 v20, v45;
	v22 =	vld [tilespmem:s31+$0xFFFFFFA0];
	v8 =	vadd.f32 v33, v43;
	v33 =	vadd.f32 v27, v36  }
0x178: {  	v36 =	vadd.f32 v23, v17;
	v23 =	vmul.f32 v40, v39;
	v27 =	vld [tilespmem:s30+$0xFFFFFFA0];
	v7 =	vadd.f32 v31, v7  }
0x179: {  	v26 =	vadd.f32 v26, v38;
	v31 =	vld [tilespmem:s31+$0xFFFFFFD0];
	v8 =	vadd.f32 v20, v8;
	v20 =	vperm.xlane v33, v1  }
0x17a: {  	v39 =	vbroadcast v11, $0x6;
	v43 =	vadd.f32 v46, v18;
	v34 =	vadd.f32 v34, v21;
	v40 =	vld [tilespmem:s30+$0xFFFFFFD0]  }
0x17b: {  	v45 =	vbroadcast v10, $0x6;
	v46 =	vld [tilespmem:s31+$0x0];
	v8 =	vadd.f32 v23, v8;
	v33 =	vadd.f32 v33, v20  }
0x17c: {  	v30 =	vadd.f32 v30, v18;
	v23 =	vmul.f32 v34, v43;
	v34 =	vadd.f32 v41, v21;
	v49 =	vld [tilespmem:s30+$0x0]  }
0x17d: {  	v19 =	vadd.f32 v19, v18;
	v20 =	vld [tilespmem:s31+$0xFFFFFF30];
	v41 =	vperm.xlane v8, v0;
	v43 =	vperm.xlane v33, v2  }
0x17e: {  	v21 =	vadd.f32 v15, v21;
	v50 =	vadd.f32 $0.0e+00, v23;
	v30 =	vmul.f32 v34, v30;
	v18 =	vld [tilespmem:s30+$0xFFFFFF30]  }
0x17f: {  	v15 =	vbroadcast v11, $0x5;
	v23 =	vld [tilespmem:s31+$0xFFFFFF60];
	v34 =	vadd.f32 v8, v41;
	v8 =	vadd.f32 v33, v43  }
0x180: {  	v24 =	vadd.f32 v24, v37;
	v19 =	vmul.f32 v21, v19;
	v30 =	vadd.f32 v30, v50;
	v33 =	vld [tilespmem:s31+$0xFFFFFFC0]  }
0x181: {  	v41 =	vadd.f32 v46, v17;
	v21 =	vld [tilespmem:s30+$0xFFFFFFC0];
	v43 =	vadd.f32 v49, v38;
	v46 =	vperm.xlane v34, v1  }
0x182: {  	v47 =	vmul.f32 v48, v47;
	v25 =	vadd.f32 v25, v17;
	v28 =	vadd.f32 v28, v38;
	v49 =	vld [tilespmem:s30+$0xFFFFFF60]  }
0x183: {  	v30 =	vadd.f32 v19, v30;
	v48 =	vld [tilespmem:s31+$0xFFFFFF90];
	v41 =	vmul.f32 v43, v41;
	v34 =	vadd.f32 v34, v46  }
0x184: {  	v17 =	vadd.f32 v32, v17;
	v32 =	vadd.f32 v42, v38;
	v19 =	vbroadcast v10, $0x5;
	v43 =	vld [tilespmem:s30+$0xFFFFFF90]  }
0x185: {  	v25 =	vmul.f32 v28, v25;
	v28 =	vadd.f32 v47, v30;
	v38 =	vld [tilespmem:s31+$0xFFFFFEF0];
	v41 =	vadd.f32 $0.0e+00, v41  }
0x186: {  	v17 =	vmul.f32 v32, v17;
	v33 =	vadd.f32 v33, v37;
	v30 =	vld [tilespmem:s30+$0xFFFFFEF0];
	v21 =	vadd.f32 v21, v29  }
0x187: {  	v35 =	vadd.f32 v35, v37;
	v31 =	vadd.f32 v31, v37;
	v37 =	vperm.xlane v28, v0;
	v32 =	vld [tilespmem:s31+$0xFFFFFF20]  }
0x188: {  	v17 =	vadd.f32 v17, v41;
	v42 =	vld [tilespmem:s30+$0xFFFFFF20];
	v21 =	vmul.f32 v21, v33;
	v33 =	vadd.f32 v40, v29  }
0x189: {  	v26 =	vmul.f32 v26, v36;
	v41 =	vadd.f32 v44, v29;
	v28 =	vadd.f32 v28, v37;
	v40 =	vld [tilespmem:s31+$0xFFFFFF80]  }
0x18a: {  	v17 =	vadd.f32 v25, v17;
	v36 =	vld [tilespmem:s30+$0xFFFFFF80];
	v21 =	vadd.f32 $0.0e+00, v21;
	v31 =	vmul.f32 v33, v31  }
0x18b: {  	v9 =	vadd.f32 v9, v29;
	v29 =	vperm.xlane v34, v2;
	v25 =	vmul.f32 v41, v35;
	v33 =	vld [tilespmem:s31+$0xFFFFFF50]  }
0x18c: {  	v17 =	vadd.f32 v26, v17;
	v26 =	vperm.xlane v28, v1;
	v35 =	vld [tilespmem:s30+$0xFFFFFF50];
	v21 =	vadd.f32 v31, v21  }
0x18d: {  	v24 =	vmul.f32 v9, v24;
	v16 =	vadd.f32 v16, v39;
	v9 =	vadd.f32 v34, v29;
	v44 =	vld [tilespmem:s31+$0xFFFFFEB0]  }
0x18e: {  	v26 =	vadd.f32 v28, v26;
	v29 =	vld [tilespmem:s30+$0xFFFFFEB0];
	v21 =	vadd.f32 v25, v21;
	v25 =	vperm.xlane v17, v0  }
0x18f: {  	v47 =	vbroadcast v11, $0x4;
	v28 =	vadd.f32 v40, v39;
	v46 =	vld [tilespmem:s31+$0xFFFFFEE0];
	v31 =	vadd.f32 v36, v45  }
0x190: {  	v50 =	vbroadcast v10, $0x4;
	v36 =	vld [tilespmem:s30+$0xFFFFFEE0];
	v21 =	vadd.f32 v24, v21;
	v17 =	vadd.f32 v17, v25  }
0x191: {  	v25 =	vadd.f32 v48, v39;
	v51 =	vld [tilespmem:s31+$0xFFFFFF10];
	v24 =	vmul.f32 v31, v28;
	v28 =	vadd.f32 v43, v45  }
0x192: {  	v22 =	vadd.f32 v22, v39;
	v27 =	vadd.f32 v27, v45;
	v52 =	vld [tilespmem:s30+$0xFFFFFF10];
	v31 =	vperm.xlane v21, v0  }
0x193: {  	v34 =	vld [tilespmem:s31+$0xFFFFFF40];
	v24 =	vadd.f32 $0.0e+00, v24;
	v25 =	vmul.f32 v28, v25;
	v28 =	vperm.xlane v17, v1  }
0x194: {  	v12 =	vadd.f32 v12, v45;
	v37 =	vld [tilespmem:s30+$0xFFFFFF40];
	v21 =	vadd.f32 v21, v31;
	v31 =	vperm.xlane v26, v2  }
0x195: {  	v22 =	vmul.f32 v27, v22;
	v53 =	vld [tilespmem:s31+$0xFFFFFE30];
	v25 =	vadd.f32 v25, v24;
	v17 =	vadd.f32 v17, v28  }
0x196: {  	v16 =	vmul.f32 v12, v16;
	v54 =	vld [tilespmem:s30+$0xFFFFFE30];
	v27 =	vperm.xlane v21, v1;
	v12 =	vadd.f32 v26, v31  }
0x197: {  	v24 =	vadd.f32 v14, v15;
	v55 =	vld [tilespmem:s31+$0xFFFFFE70];
	v14 =	vadd.f32 v22, v25;
	v26 =	vperm.xlane v17, v2  }
0x198: {  	v22 =	vbroadcast v11, $0x3;
	v25 =	vadd.f32 v13, v19;
	v56 =	vld [tilespmem:s30+$0xFFFFFE70];
	v28 =	vadd.f32 v21, v27  }
0x199: {  	v21 =	vbroadcast v10, $0x3;
	v57 =	vld [tilespmem:s31+$0xFFFFFEA0];
	v39 =	vadd.f32 v16, v14;
	v13 =	vadd.f32 v17, v26  }
0x19a: {  	v27 =	vadd.f32 v18, v50;
	v26 =	vadd.f32 v20, v47;
	v58 =	vld [tilespmem:s30+$0xFFFFFEA0];
	v14 =	vperm.xlane v28, v2  }
0x19b: {  	v49 =	vadd.f32 v49, v19;
	v48 =	vadd.f32 v23, v15;
	v59 =	vld [tilespmem:s31+$0xFFFFFED0];
	v18 =	vperm.xlane v39, v0  }
0x19c: {  	v16 =	vadd.f32 v38, v22;
	v31 =	vld [tilespmem:s30+$0xFFFFFED0];
	v14 =	vadd.f32 v28, v14  }
0x19d: {  	v23 =	vbroadcast v11, $0x2;
	v17 =	vadd.f32 v30, v21;
	v60 =	vld [tilespmem:s31+$0xFFFFFF00];
	v38 =	vadd.f32 v39, v18  }
0x19e: {  	v20 =	vbroadcast v10, $0x2;
	v28 =	vadd.f32 v37, v19;
	v18 =	vadd.f32 v34, v15;
	v61 =	vld [tilespmem:s30+$0xFFFFFF00]  }
0x19f: {  	v30 =	vadd.f32 v32, v47;
	v32 =	vadd.f32 v42, v50;
	v37 =	vld [tilespmem:s31+$0xFFFFFE20];
	v34 =	vperm.xlane v38, v1  }
0x1a0: {  	v33 =	vadd.f32 v33, v15;
	v35 =	vadd.f32 v35, v19;
	v40 =	vmul.f32 v28, v18;
	v39 =	vld [tilespmem:s30+$0xFFFFFE20]  }
0x1a1: {  	v28 =	vbroadcast v11, $0x0;
	v18 =	vadd.f32 v44, v23;
	v41 =	vld [tilespmem:s31+$0xFFFFFE60];
	v15 =	vadd.f32 v38, v34  }
0x1a2: {  	v33 =	vmul.f32 v35, v33;
	v19 =	vadd.f32 v29, v20;
	v29 =	vadd.f32 $0.0e+00, v40;
	v43 =	vld [tilespmem:s30+$0xFFFFFE60]  }
0x1a3: {  	v42 =	vadd.f32 v36, v21;
	v34 =	vbroadcast v10, $0x0;
	v40 =	vadd.f32 v46, v22;
	v44 =	vld [tilespmem:s31+$0xFFFFFE90]  }
0x1a4: {  	v36 =	vadd.f32 v51, v47;
	v29 =	vadd.f32 v33, v29;
	v33 =	vmul.f32 v49, v48;
	v45 =	vld [tilespmem:s31+$0xFFFFFEC0]  }
0x1a5: {  	v38 =	vbroadcast v11, $0x1;
	v11 =	vadd.f32 v60, v47;
	v47 =	vadd.f32 v61, v50;
	v46 =	vld [tilespmem:s30+$0xFFFFFEC0]  }
.Ltmp0:
0x1a6: {  	v35 =	vbroadcast v10, $0x1;
	v60 =	vadd.f32 v52, v50;
	v10 =	vadd.f32 v33, v29;
	v48 =	vld [tilespmem:s31+$0xFFFFFE10];
	(pc) =	sbr.rel @p0 .LBB2_2-.Ltmp0, $4  }
0x1a7: {  	v50 =	vadd.f32 v53, v28;
	v51 =	vadd.f32 v54, v34;
	v53 =	vmul.f32 v47, v11;
	v49 =	vld [tilespmem:s30+$0xFFFFFE10]  }
0x1a8: {  	v11 =	vadd.f32 v55, v38;
	v29 =	vadd.f32 v56, v35;
	v52 =	vld [tilespmem:s31+$0xFFFFFE50]  }
0x1a9: {  	v33 =	vadd.f32 v57, v23;
	v56 =	vmul.f32 v60, v36;
	v55 =	vadd.f32 $0.0e+00, v53;
	v47 =	vld [tilespmem:s31+$0xFFFFFE80]  }
0x1aa: {  	s0 =	sadd.s32 $0x40, s0;
	v54 =	vadd.f32 v59, v22;
	v36 =	vadd.f32 v58, v20;
	v53 =	vld [tilespmem:s31+$0xFFFFFE00]  }
0x1ab: {  	v31 =	vadd.f32 v31, v21  }
0x1ac: {  	v57 =	vld [tilespmem:s30+$0xFFFFFE00];
	v55 =	vadd.f32 v56, v55;
	v37 =	vadd.f32 v37, v28  }
0x1ad: {  	v39 =	vadd.f32 v39, v34;
	v56 =	vld [tilespmem:s31+$0xFFFFFE40];
	v24 =	vmul.f32 v25, v24;
	v41 =	vadd.f32 v41, v38  }
0x1ae: {  	v25 =	vld [tilespmem:s30+$0xFFFFFE40];
	v43 =	vadd.f32 v43, v35;
	v26 =	vmul.f32 v27, v26;
	v44 =	vadd.f32 v44, v23  }
0x1af: {  	v58 =	vld [tilespmem:s30+$0xFFFFFE80];
	v22 =	vadd.f32 v45, v22;
	v30 =	vmul.f32 v32, v30;
	v32 =	vadd.f32 v48, v28  }
0x1b0: {  	v59 =	vld [tilespmem:s30+$0xFFFFFE50];
	v60 =	vadd.f32 v46, v21;
	v40 =	vmul.f32 v42, v40;
	v61 =	vadd.f32 v49, v34  }
0x1b1: {  	v46 =	vmul.f32 v51, v50;
	v63 =	vld [tilespmem:s30+$0xFFFFFE90];
	v62 =	vadd.f32 v52, v38;
	v10 =	vadd.f32 v24, v10  }
0x1b2: {  	v31 =	vmul.f32 v31, v54;
	v52 =	vadd.f32 v53, v28;
	v53 =	vadd.f32 v57, v34  }
0x1b3: {  	v37 =	vmul.f32 v39, v37;
	v56 =	vadd.f32 v56, v38;
	v25 =	vadd.f32 v25, v35  }
0x1b4: {  	v21 =	vmul.f32 v60, v22;
	v57 =	vadd.f32 v47, v23;
	v27 =	vadd.f32 v58, v20  }
0x1b5: {  	v59 =	vadd.f32 v59, v35;
	v58 =	vmul.f32 v53, v52;
	v25 =	vmul.f32 v25, v56  }
0x1b6: {  	v32 =	vmul.f32 v61, v32;
	v60 =	vadd.f32 v63, v20;
	v23 =	vmul.f32 v27, v57  }
0x1b7: {  	v61 =	vmul.f32 v59, v62;
	v22 =	vadd.f32 $0.0e+00, v58;
	v25 =	vadd.f32 $0.0e+00, v25  }
0x1b8: {  	v21 =	vadd.f32 $0.0e+00, v21;
	v20 =	vmul.f32 v60, v44;
	v23 =	vadd.f32 $0.0e+00, v23  }
0x1b9: {  	v62 =	vmul.f32 v43, v41;
	v22 =	vadd.f32 v32, v22;
	v25 =	vadd.f32 v61, v25  }
0x1ba: {  	v63 =	vmul.f32 v36, v33;
	v21 =	vadd.f32 v31, v21;
	v20 =	vadd.f32 v20, v23  }
0x1bb: {  	v11 =	vmul.f32 v29, v11;
	v22 =	vadd.f32 v37, v22;
	v25 =	vadd.f32 v62, v25  }
0x1bc: {  	v18 =	vmul.f32 v19, v18;
	v27 =	vadd.f32 v40, v21;
	v20 =	vadd.f32 v63, v20  }
0x1bd: {  	v16 =	vmul.f32 v17, v16;
	v28 =	vadd.f32 v46, v22;
	v11 =	vadd.f32 v11, v25  }
0x1be: {  	v31 =	vadd.f32 v30, v55;
	v29 =	vadd.f32 v18, v20  }
0x1bf: {  	v16 =	vadd.f32 v16, v27;
	v22 =	vperm.xlane v28, v0;
	v33 =	vperm.xlane v11, v0  }
0x1c0: {  	v32 =	vperm.xlane v15, v2;
	v18 =	vadd.f32 v26, v31;
	v34 =	vperm.xlane v29, v0  }
0x1c1: {  	v35 =	vperm.xlane v16, v0;
	v21 =	vadd.f32 v28, v22;
	v11 =	vadd.f32 v11, v33  }
0x1c2: {  	v37 =	vperm.xlane v10, v0;
	v36 =	vperm.xlane v18, v0;
	v17 =	vadd.f32 v29, v34  }
0x1c3: {  	v16 =	vadd.f32 v16, v35;
	v38 =	vperm.xlane v21, v1;
	v39 =	vperm.xlane v11, v1  }
0x1c4: {  	v10 =	vadd.f32 v10, v37;
	v18 =	vadd.f32 v18, v36;
	v40 =	vperm.xlane v17, v1  }
0x1c5: {  	v42 =	vperm.xlane v16, v1;
	v41 =	vadd.f32 v21, v38;
	v11 =	vadd.f32 v11, v39  }
0x1c6: {  	v23 =	vperm.xlane v10, v1;
	v43 =	vperm.xlane v18, v1;
	v17 =	vadd.f32 v17, v40  }
0x1c7: {  	v16 =	vadd.f32 v16, v42;
	v24 =	vperm.xlane v41, v2;
	v25 =	vperm.xlane v11, v2  }
0x1c8: {  	v10 =	vadd.f32 v10, v23;
	v18 =	vadd.f32 v18, v43;
	v44 =	vperm.xlane v17, v2  }
0x1c9: {  	v45 =	vperm.xlane v16, v2;
	v19 =	vadd.f32 v41, v24;
	v11 =	vadd.f32 v11, v25  }
0x1ca: {  	v23 =	vperm.xlane v10, v2;
	v46 =	vperm.xlane v18, v2;
	v17 =	vadd.f32 v17, v44  }
0x1cb: {  	v16 =	vadd.f32 v16, v45;
	v24 =	vperm.xlane v19, v3;
	v25 =	vperm.xlane v11, v3  }
0x1cc: {  	v10 =	vadd.f32 v10, v23;
	v18 =	vadd.f32 v18, v46;
	v47 =	vperm.xlane v17, v3  }
0x1cd: {  	v48 =	vperm.xlane v16, v3;
	v19 =	vadd.f32 v19, v24;
	v11 =	vadd.f32 v11, v25  }
0x1ce: {  	v15 =	vadd.f32 v15, v32;
	v49 =	vperm.xlane v18, v3;
	v17 =	vadd.f32 v17, v47  }
0x1cf: {  	v50 =	vperm.xlane v10, v3;
	v16 =	vadd.f32 v16, v48;
	v11 =	vsel vm0, v19, v11  }
0x1d0: {  	v52 =	vperm.xlane v15, v3;
	v51 =	vadd.f32 v18, v49;
	v11 =	vsel vm1, v11, v17  }
0x1d1: {  	v53 =	vperm.xlane v14, v3;
	v10 =	vadd.f32 v10, v50;
	v11 =	vsel vm2, v11, v16  }
0x1d2: {  	v54 =	vperm.xlane v13, v3;
	v15 =	vadd.f32 v15, v52;
	v11 =	vsel vm3, v11, v51  }
0x1d3: {  	v56 =	vperm.xlane v12, v3;
	v55 =	vadd.f32 v14, v53;
	v10 =	vsel vm4, v11, v10  }
0x1d4: {  	v13 =	vadd.f32 v13, v54;
	v57 =	vperm.xlane v9, v3;
	v10 =	vsel vm5, v10, v15  }
0x1d5: {  	v59 =	vperm.xlane v8, v3;
	v58 =	vadd.f32 v12, v56;
	v10 =	vsel vm6, v10, v55  }
0x1d6: {  	v60 =	vperm.xlane v7, v3;
	v9 =	vadd.f32 v9, v57;
	v10 =	vsel vm7, v10, v13  }
0x1d7: {  	v8 =	vadd.f32 v8, v59;
	v61 =	vperm.xlane v6, v3;
	v10 =	vsel vm8, v10, v58  }
0x1d8: {  	v7 =	vadd.f32 v7, v60;
	v62 =	vperm.xlane v5, v3;
	v9 =	vsel vm9, v10, v9  }
0x1d9: {  	v6 =	vadd.f32 v6, v61;
	v63 =	vperm.xlane v4, v3;
	v8 =	vsel vm10, v9, v8  }
0x1da: {  	v5 =	vadd.f32 v5, v62;
	v7 =	vsel vm11, v8, v7  }
0x1db: {  	v4 =	vadd.f32 v4, v63;
	v6 =	vsel vm12, v7, v6  }
0x1dc: {  	s28 =	sadd.s32 $0x1, s28;
	v5 =	vsel vm13, v6, v5  }
0x1dd: {  	p0 =	sne.s32 s28, s16;
	v4 =	vsel vm14, v5, v4  }
.Ltmp1:
0x1de: {  	[tilespmem:s29+$0x10800] =	vst v4;
	(pc) =	sbr.rel @p0 .LBB2_1-.Ltmp1, $4  }
0x1df: {  	[hbm4b:s15+s3] =	stream.linear.scatter [tilespmem:s26], [sflag:$0x2], $0x200, $0x38;
	[tilespmem:$0x10A00] =	vst v63  }
0x1e0: {  	_ =	swait.ge [sflag:s17], $0x200  }
0x1e1: {  	[sflag:s17] =	ssyncset.done $0x0  }
0x1e2: {  	[sflag:s17] =	ssyncadd.s32 $0xFFFFFE00  }
0x1e3: {  	_ =	sfence.sel $0x180000  }
0x1e4: {  	[bflag:$0x0] =	sbarrier.arrive $0xFFFF  }
0x1e5: {  	_ =	strace $0x90000047  }
0x1e6: {  	s0 =	stileid.u32;
	[bflag:$0x2] =	sbarrier.arrive $0xFFFF  }
0x1e7: {  	p0 =	sne.s32 s0, $0x0;
	s0 =	rddreg [dreg:$0x6]  }
0x1e8: {  	s0 =	sadd.s32 @!p0 $0x100000, s0  }
0x1e9: {  	[sflag:s0] =	ssyncadd.tile.s32 @!p0 $0x1;
	_ =	shalt  }
.Lfunc_end2:
_tile_overlayer_lowered:
.L_overlay_start_2:
0x1ea: {  	(tag) =	ssettag $0x2  }
0x1eb: {  	s0 =	rddreg [dreg:$0x0];
	s2 =	stileid.u32  }
0x1ec: {  	s1 =	rddreg [dreg:$0x1];
	p0 =	sne.s32 s2, $0x0  }
0x1ed: {  	s3 =	rddreg [dreg:$0x2];
	[bflag:$0x3] =	sbarrier.arrive $0xFFFF;
	s2 =	simm.s32 @!p0 $0x1C02  }
0x1ee: {  	[timem:s3], [sflag:s2] =	dma.local @!p0 [hbm:s0], s1  }
0x1ef: {  	s0 =	simm.s32 @!p0 $0x2  }
0x1f0: {  	_ =	swait.ge @!p0 [sflag:s0], s1  }
0x1f1: {  	s1 =	ssub.s32 @!p0 $0x0, s1;
	[sflag:s0] =	ssyncset.done @!p0 $0x0  }
0x1f2: {  	[sflag:s0] =	ssyncadd.s32 @!p0 s1  }
0x1f3: {  	[bflag:$0x3] =	sbarrier.arrive $0xFFFF  }
0x1f4: {  	_ =	shalt  }

</sc_bundles>
